<compile_context>
chip_gen: v7x
topology: tpu7x:2x2x1
jax: 0.10.2.dev20260603
libtpu: 0.0.44.dev20260713+nightly
codegen_flags: <defaults>
</compile_context>

<pallas_src>
import functools

import jax
import jax.numpy as jnp
from jax import lax
from jax.experimental import pallas as pl
from jax.experimental.pallas import tpu as pltpu
from jax.experimental.pallas import tpu_sc as plsc

N_NODES = 100000
N_EDGES = 3200000
N_PAD = 100352
EDGES_PER_WORKER = 100352
CHUNK = 2048


def _make_sc_kernel(n_pad, epw, chunk, interpret=False):
    nps = n_pad // 16
    psub = nps // 7
    assert psub % 16 == 0 and nps % psub == 0

    def _sc_body(row_hbm, col_hbm, nodes_t_hbm, wt_hbm, out_hbm,
                 lmax, xbuf, wt_v, row_v, col_v, pr_v, pc_v,
                 p_sh, sem, sem2):
        cid = lax.axis_index("c")
        sid = lax.axis_index("s")
        wid = sid * 2 + cid

        pltpu.sync_copy(wt_hbm, wt_v)
        w0 = wt_v[pl.ds(0, 16)]
        w1 = wt_v[pl.ds(16, 16)]
        w2 = wt_v[pl.ds(32, 16)]
        base_n = sid * nps
        for cb in range(nps // psub):
            off = base_n + cb * psub
            pltpu.sync_copy(nodes_t_hbm.at[pl.ds(off, psub)],
                            xbuf.at[pl.ds(0, psub)])
            pltpu.sync_copy(nodes_t_hbm.at[pl.ds(n_pad + off, psub)],
                            xbuf.at[pl.ds(psub, psub)])
            pltpu.sync_copy(nodes_t_hbm.at[pl.ds(2 * n_pad + off, psub)],
                            xbuf.at[pl.ds(2 * psub, psub)])

            def p_body(j, _):
                s = pl.ds(j * 16, 16)
                pr_v[s] = (xbuf[pl.ds(j * 16, 16)] * w0
                           + xbuf[pl.ds(psub + j * 16, 16)] * w1
                           + xbuf[pl.ds(2 * psub + j * 16, 16)] * w2)
                return 0

            lax.fori_loop(0, psub // 16, p_body, 0)
            pltpu.sync_copy(pr_v.at[pl.ds(0, psub)], p_sh.at[pl.ds(off, psub)])

        zeros16 = jnp.zeros((16,), jnp.float32)

        def z_body(i, _):
            for u in range(8):
                lmax[pl.ds(i * 128 + u * 16, 16)] = zeros16
            return 0

        lax.fori_loop(0, n_pad // 128, z_body, 0)

        plsc.subcore_barrier()

        n_chunks = epw // chunk

        def fire_idx(k, pi):
            eoff = wid * epw + lax.rem(k, n_chunks) * chunk
            pltpu.async_copy(row_hbm.at[pl.ds(eoff, chunk)],
                             row_v.at[pl.ds(pi, chunk)], sem2)
            pltpu.async_copy(col_hbm.at[pl.ds(eoff, chunk)],
                             col_v.at[pl.ds(pi, chunk)], sem2)

        def drain_idx():
            pltpu.make_async_copy(row_hbm.at[pl.ds(0, 2 * chunk)],
                                  col_v.at[pl.ds(0, 2 * chunk)], sem2).wait()

        def fire_gathers(pi, pg):
            for i in range(chunk // 128):
                g = pl.ds(pg + i * 128, 128)
                gi = pl.ds(pi + i * 128, 128)
                pltpu.async_copy(p_sh.at[row_v.at[gi]], pr_v.at[g], sem)
                pltpu.async_copy(p_sh.at[col_v.at[gi]], pc_v.at[g], sem)

        def drain_gathers():
            pltpu.make_async_copy(nodes_t_hbm.at[pl.ds(0, 2 * chunk)],
                                  pr_v.at[pl.ds(0, 2 * chunk)], sem).wait()

        def compute_chunk(pi, pg):
            def rmw_body(j, _):
                rs, ds2, ms = [], [], []
                for u in range(4):
                    jj = j * 4 + u
                    r = row_v[pl.ds(pi + jj * 16, 16)]
                    d = jnp.abs(pr_v[pl.ds(pg + jj * 16, 16)]
                                - pc_v[pl.ds(pg + jj * 16, 16)])
                    cnt, _ = plsc.scan_count(r)
                    rs.append(r)
                    ds2.append(d)
                    ms.append(cnt == 0)
                for u in range(4):
                    cur = plsc.load_gather(lmax, [rs[u]])
                    plsc.store_scatter(lmax, [rs[u]],
                                       jnp.maximum(cur, ds2[u]), mask=ms[u])
                return 0

            lax.fori_loop(0, chunk // 64, rmw_body, 0)

            def ver_body(j, cmin):
                for u in range(4):
                    jj = j * 4 + u
                    r = row_v[pl.ds(pi + jj * 16, 16)]
                    d = jnp.abs(pr_v[pl.ds(pg + jj * 16, 16)]
                                - pc_v[pl.ds(pg + jj * 16, 16)])
                    chk = plsc.load_gather(lmax, [r])
                    cmin = jnp.minimum(cmin, chk - d)
                return cmin

            cmin = lax.fori_loop(0, chunk // 64, ver_body,
                                 jnp.zeros((16,), jnp.float32))

            @pl.when(jnp.any(cmin < 0.0))
            def _():
                lane = lax.iota(jnp.int32, 16)

                def tk(x, i):
                    return lax.gather(
                        x, i[:, None],
                        lax.GatherDimensionNumbers(
                            offset_dims=(), collapsed_slice_dims=(0,),
                            start_index_map=(0,)),
                        slice_sizes=(1,),
                        mode=lax.GatherScatterMode.PROMISE_IN_BOUNDS)

                def fix_body(j, _):
                    r = row_v[pl.ds(pi + j * 16, 16)]
                    d = jnp.abs(pr_v[pl.ds(pg + j * 16, 16)]
                                - pc_v[pl.ds(pg + j * 16, 16)])
                    rs, ds = plsc.sort_key_val(r, d)
                    for k in (1, 2, 4, 8):
                        idx = jnp.maximum(lane - k, 0)
                        ds = jnp.where(tk(rs, idx) == rs,
                                       jnp.maximum(ds, tk(ds, idx)), ds)
                    nxt = tk(rs, jnp.minimum(lane + 1, 15))
                    last = (rs != nxt) | (lane == 15)
                    cur = plsc.load_gather(lmax, [rs])
                    plsc.store_scatter(lmax, [rs], jnp.maximum(cur, ds),
                                       mask=last)
                    return 0

                lax.fori_loop(0, chunk // 16, fix_body, 0)

        fire_idx(0, 0)
        drain_idx()
        fire_gathers(0, 0)
        fire_idx(1, chunk)

        def chunk_body(k, _):
            pi = lax.rem(k, 3) * chunk
            pi1 = lax.rem(k + 1, 3) * chunk
            pi2 = lax.rem(k + 2, 3) * chunk
            pg = lax.rem(k, 2) * chunk
            pg1 = lax.rem(k + 1, 2) * chunk
            drain_gathers()
            drain_idx()
            fire_gathers(pi1, pg1)
            fire_idx(k + 2, pi2)
            compute_chunk(pi, pg)
            return 0

        lax.fori_loop(0, n_chunks - 1, chunk_body, 0)
        drain_gathers()
        drain_idx()
        compute_chunk(lax.rem(n_chunks - 1, 3) * chunk,
                      lax.rem(n_chunks - 1, 2) * chunk)

        pltpu.sync_copy(lmax, out_hbm.at[pl.ds(wid * n_pad, n_pad)])

    return pl.kernel(
        _sc_body,
        out_type=jax.ShapeDtypeStruct((32 * n_pad,), jnp.float32),
        mesh=plsc.VectorSubcoreMesh(core_axis_name="c", subcore_axis_name="s",
                                    num_cores=2, num_subcores=16),
        scratch_types=[
            pltpu.VMEM((n_pad,), jnp.float32),
            pltpu.VMEM((3 * psub,), jnp.float32),
            pltpu.VMEM((48,), jnp.float32),
            pltpu.VMEM((3 * chunk,), jnp.int32),
            pltpu.VMEM((3 * chunk,), jnp.int32),
            pltpu.VMEM((2 * chunk,), jnp.float32),
            pltpu.VMEM((2 * chunk,), jnp.float32),
            pltpu.VMEM_SHARED((n_pad,), jnp.float32),
            pltpu.SemaphoreType.DMA,
            pltpu.SemaphoreType.DMA,
        ],
        compiler_params=pltpu.CompilerParams(needs_layout_passes=False),
        interpret=interpret,
    )


def _tc_body(n_nodes, prev_ref, part_ref, wphi_ref, out_ref):
    c = jnp.sum(wphi_ref[0, :]) * (0.5 / 128.0)
    m = jnp.max(part_ref[:, :n_nodes], axis=0, keepdims=True)
    out_ref[...] = prev_ref[...] * 0.5 + m * c


def _run(prev, nodes, adj, W_phi, W_theta,
         n_nodes=N_NODES, n_edges=N_EDGES, n_pad=N_PAD,
         epw=EDGES_PER_WORKER, chunk=CHUNK, interpret=False):
    e_pad = 32 * epw
    rows = adj[0]
    cols = adj[1]
    rows = jnp.concatenate([rows, jnp.zeros((e_pad - n_edges,), jnp.int32)])
    cols = jnp.concatenate([cols, jnp.zeros((e_pad - n_edges,), jnp.int32)])
    nodes_t = jnp.pad(nodes.T, ((0, 0), (0, n_pad - n_nodes))).reshape(3 * n_pad)
    wt_b = jnp.broadcast_to(W_theta.reshape(3, 1), (3, 16)).reshape(48)

    sc = _make_sc_kernel(n_pad, epw, chunk, interpret=interpret)
    partials = sc(rows, cols, nodes_t, wt_b).reshape(32, n_pad)

    out2 = pl.pallas_call(
        functools.partial(_tc_body, n_nodes),
        out_shape=jax.ShapeDtypeStruct((1, n_nodes), jnp.float32),
        interpret=bool(interpret),
    )(prev.reshape(1, n_nodes), partials, W_phi.reshape(1, 128))
    return out2.reshape(n_nodes)


def kernel(previous_inclusion_score, nodes, adjacency_matrix, W_phi, W_theta):
    return _run(previous_inclusion_score, nodes, adjacency_matrix,
                W_phi, W_theta)

# --- scband reference (transcript-rebuilt; emitter-appended) ---
"""Pipeline reference for scband-dev-conv-52896817217994 (READ-ONLY COPY).

The authoritative reference and input builder live on the scoring server;
editing this copy changes nothing except your own understanding.
"""

import jax, jax.numpy as jnp
import numpy as np

N_NODES = 100000
N_EDGES = 3200000
OUT_DIM = 128


def setup_inputs(seed: int = 0) -> dict:
    key = jax.random.key(seed)
    k1, k2, k3, k4, k5 = jax.random.split(key, 5)
    previous_inclusion_score = jax.random.normal(k1, (N_NODES,), dtype=jnp.float32)
    nodes = jax.random.normal(k2, (N_NODES, 3), dtype=jnp.float32)
    adjacency_matrix = jax.random.randint(k3, (2, N_EDGES), 0, N_NODES, dtype=jnp.int32)
    W_phi = jax.random.normal(k4, (OUT_DIM,), dtype=jnp.float32)
    W_theta = jax.random.normal(k5, (3, 1), dtype=jnp.float32)
    return {
        "previous_inclusion_score": previous_inclusion_score,
        "nodes": nodes,
        "adjacency_matrix": adjacency_matrix,
        "W_phi": W_phi,
        "W_theta": W_theta,
    }


def reference(previous_inclusion_score, nodes, adjacency_matrix, W_phi, W_theta):
    # sparse_coo branch of DevConv.forward
    row_indices = adjacency_matrix[0]
    col_indices = adjacency_matrix[1]
    neighbors = jnp.take(nodes, col_indices, axis=0)        # gather [E, 3]
    current_nodes = jnp.take(nodes, row_indices, axis=0)    # gather [E, 3]
    diff = current_nodes - neighbors                         # [E, 3]
    W_theta_diff = diff @ W_theta                            # [E, 1]
    neigh_distances = jnp.sqrt(jnp.sum(W_theta_diff * W_theta_diff, axis=1))  # [E]
    # per-node max over incident edges; nodes with no edges get 0 (torch init zeros)
    max_distances = jax.ops.segment_max(neigh_distances, row_indices, num_segments=N_NODES)
    max_distances = jnp.where(jnp.isneginf(max_distances), 0.0, max_distances)  # [N]
    list_inc_score = W_phi[None, :] * max_distances[:, None]  # [N, OUT_DIM]
    # previous_inclusion_score is non-empty -> averaging path
    list_inc_score = jnp.mean(list_inc_score, axis=1)          # [N]
    result = jnp.mean(jnp.stack([previous_inclusion_score, list_inc_score]), axis=0)
    return result

if __name__ == "__main__":
    import jax
    _d = setup_inputs()
    print(jax.jit(kernel)(*tuple(_d.values())))

</pallas_src>

<mosaic_0001>
#map = affine_map<(d0, d1) -> (0)>
module attributes {stable_mosaic.version = 14 : i64} {
  func.func @_sc_body(%arg0: i32, %arg1: i32, %arg2: memref<3211264xi32, #tpu.memory_space<hbm>>, %arg3: memref<3211264xi32, #tpu.memory_space<hbm>>, %arg4: memref<301056xf32, #tpu.memory_space<hbm>>, %arg5: memref<48xf32, #tpu.memory_space<hbm>>, %arg6: memref<3211264xf32, #tpu.memory_space<hbm>>, %arg7: memref<100352xf32, #tpu.memory_space<vmem>>, %arg8: memref<2688xf32, #tpu.memory_space<vmem>>, %arg9: memref<48xf32, #tpu.memory_space<vmem>>, %arg10: memref<6144xi32, #tpu.memory_space<vmem>>, %arg11: memref<6144xi32, #tpu.memory_space<vmem>>, %arg12: memref<4096xf32, #tpu.memory_space<vmem>>, %arg13: memref<4096xf32, #tpu.memory_space<vmem>>, %arg14: memref<100352xf32, #tpu.memory_space<vmem_shared>>, %arg15: memref<!tpu.dma_semaphore, #tpu.memory_space<semaphore_mem>>, %arg16: memref<!tpu.dma_semaphore, #tpu.memory_space<semaphore_mem>>) attributes {dimension_semantics = [#tpu.dimension_semantics<core_parallel>, #tpu.dimension_semantics<subcore_parallel>], iteration_bounds = array<i64: 2, 16>, scalar_prefetch = 0 : i64, scratch_operands = 10 : i64, tpu.core_type = #tpu.core_type<sc_vector_subcore>, window_params = [{transform_indices = #map}, {transform_indices = #map}, {transform_indices = #map}, {transform_indices = #map}, {transform_indices = #map}]} {
    %mul3A = arith.constant 2 : i32
    %mul3A_0 = arith.muli %arg1, %mul3A : i32
    %add3A = arith.addi %mul3A_0, %arg0 : i32
    "tpu.region"() ({
      %run_scoped3A = tpu.sem_alloc : memref<!tpu.dma_semaphore, #tpu.memory_space<semaphore_mem>>
      tpu.enqueue_dma source(%arg5 : memref<48xf32, #tpu.memory_space<hbm>>) target(%arg9 : memref<48xf32, #tpu.memory_space<vmem>>) target_semaphore(%run_scoped3A : memref<!tpu.dma_semaphore, #tpu.memory_space<semaphore_mem>>)
      tpu.wait_dma2 semaphore(%run_scoped3A : memref<!tpu.dma_semaphore, #tpu.memory_space<semaphore_mem>>) src(%arg5 : memref<48xf32, #tpu.memory_space<hbm>>) dst(%arg9 : memref<48xf32, #tpu.memory_space<vmem>>)
      tpu.yield
    }) : () -> ()
    %get3A = arith.constant 0 : index
    %get3A_1 = tpu.vector_load %arg9[%get3A] {strides = array<i32>} : memref<48xf32, #tpu.memory_space<vmem>>, vector<16xf32>,
    %get3A_2 = arith.constant 16 : index
    %get3A_3 = tpu.vector_load %arg9[%get3A_2] {strides = array<i32>} : memref<48xf32, #tpu.memory_space<vmem>>, vector<16xf32>,
    %get3A_4 = arith.constant 32 : index
    %get3A_5 = tpu.vector_load %arg9[%get3A_4] {strides = array<i32>} : memref<48xf32, #tpu.memory_space<vmem>>, vector<16xf32>,
    %mul3A_6 = arith.constant 6272 : i32
    %mul3A_7 = arith.muli %arg1, %mul3A_6 : i32
    %add3A_8 = arith.constant 0 : i32
    %add3A_9 = arith.addi %mul3A_7, %add3A_8 : i32
    "tpu.region"() ({
      %run_scoped3A = tpu.sem_alloc : memref<!tpu.dma_semaphore, #tpu.memory_space<semaphore_mem>>
      %dma_start3A_406 = arith.constant 0 : i32
      %dma_start3A_407 = tpu.memref_slice %arg8[%dma_start3A_406] : memref<2688xf32, #tpu.memory_space<vmem>> -> memref<896xf32, #tpu.memory_space<vmem>>
      %dma_start3A_408 = tpu.memref_slice %arg4[%add3A_9] : memref<301056xf32, #tpu.memory_space<hbm>> -> memref<896xf32, #tpu.memory_space<hbm>>
      %dma_start3A_409 = arith.constant 0 : i32
      %dma_start3A_410 = tpu.memref_slice %arg8[%dma_start3A_409] : memref<2688xf32, #tpu.memory_space<vmem>> -> memref<896xf32, #tpu.memory_space<vmem>>
      %dma_start3A_411 = tpu.memref_slice %arg4[%add3A_9] : memref<301056xf32, #tpu.memory_space<hbm>> -> memref<896xf32, #tpu.memory_space<hbm>>
      tpu.enqueue_dma source(%dma_start3A_411 : memref<896xf32, #tpu.memory_space<hbm>>) target(%dma_start3A_410 : memref<896xf32, #tpu.memory_space<vmem>>) target_semaphore(%run_scoped3A : memref<!tpu.dma_semaphore, #tpu.memory_space<semaphore_mem>>)
      %dma_wait3A_412 = arith.constant 0 : i32
      %dma_wait3A_413 = tpu.memref_slice %arg8[%dma_wait3A_412] : memref<2688xf32, #tpu.memory_space<vmem>> -> memref<896xf32, #tpu.memory_space<vmem>>
      %dma_wait3A_414 = tpu.memref_slice %arg4[%add3A_9] : memref<301056xf32, #tpu.memory_space<hbm>> -> memref<896xf32, #tpu.memory_space<hbm>>
      %dma_wait3A_415 = arith.constant 0 : i32
      %dma_wait3A_416 = tpu.memref_slice %arg8[%dma_wait3A_415] : memref<2688xf32, #tpu.memory_space<vmem>> -> memref<896xf32, #tpu.memory_space<vmem>>
      %dma_wait3A_417 = tpu.memref_slice %arg4[%add3A_9] : memref<301056xf32, #tpu.memory_space<hbm>> -> memref<896xf32, #tpu.memory_space<hbm>>
      tpu.wait_dma2 semaphore(%run_scoped3A : memref<!tpu.dma_semaphore, #tpu.memory_space<semaphore_mem>>) src(%dma_wait3A_417 : memref<896xf32, #tpu.memory_space<hbm>>) dst(%dma_wait3A_416 : memref<896xf32, #tpu.memory_space<vmem>>)
      tpu.yield
    }) : () -> ()
    %add3A_10 = arith.constant 100352 : i32
    %add3A_11 = arith.addi %add3A_10, %add3A_9 : i32
    "tpu.region"() ({
      %run_scoped3A = tpu.sem_alloc : memref<!tpu.dma_semaphore, #tpu.memory_space<semaphore_mem>>
      %dma_start3A_406 = arith.constant 896 : i32
      %dma_start3A_407 = tpu.memref_slice %arg8[%dma_start3A_406] : memref<2688xf32, #tpu.memory_space<vmem>> -> memref<896xf32, #tpu.memory_space<vmem>>
      %dma_start3A_408 = tpu.memref_slice %arg4[%add3A_11] : memref<301056xf32, #tpu.memory_space<hbm>> -> memref<896xf32, #tpu.memory_space<hbm>>
      %dma_start3A_409 = arith.constant 896 : i32
      %dma_start3A_410 = tpu.memref_slice %arg8[%dma_start3A_409] : memref<2688xf32, #tpu.memory_space<vmem>> -> memref<896xf32, #tpu.memory_space<vmem>>
      %dma_start3A_411 = tpu.memref_slice %arg4[%add3A_11] : memref<301056xf32, #tpu.memory_space<hbm>> -> memref<896xf32, #tpu.memory_space<hbm>>
      tpu.enqueue_dma source(%dma_start3A_411 : memref<896xf32, #tpu.memory_space<hbm>>) target(%dma_start3A_410 : memref<896xf32, #tpu.memory_space<vmem>>) target_semaphore(%run_scoped3A : memref<!tpu.dma_semaphore, #tpu.memory_space<semaphore_mem>>)
      %dma_wait3A_412 = arith.constant 896 : i32
      %dma_wait3A_413 = tpu.memref_slice %arg8[%dma_wait3A_412] : memref<2688xf32, #tpu.memory_space<vmem>> -> memref<896xf32, #tpu.memory_space<vmem>>
      %dma_wait3A_414 = tpu.memref_slice %arg4[%add3A_11] : memref<301056xf32, #tpu.memory_space<hbm>> -> memref<896xf32, #tpu.memory_space<hbm>>
      %dma_wait3A_415 = arith.constant 896 : i32
      %dma_wait3A_416 = tpu.memref_slice %arg8[%dma_wait3A_415] : memref<2688xf32, #tpu.memory_space<vmem>> -> memref<896xf32, #tpu.memory_space<vmem>>
      %dma_wait3A_417 = tpu.memref_slice %arg4[%add3A_11] : memref<301056xf32, #tpu.memory_space<hbm>> -> memref<896xf32, #tpu.memory_space<hbm>>
      tpu.wait_dma2 semaphore(%run_scoped3A : memref<!tpu.dma_semaphore, #tpu.memory_space<semaphore_mem>>) src(%dma_wait3A_417 : memref<896xf32, #tpu.memory_space<hbm>>) dst(%dma_wait3A_416 : memref<896xf32, #tpu.memory_space<vmem>>)
      tpu.yield
    }) : () -> ()
    %add3A_12 = arith.constant 200704 : i32
    %add3A_13 = arith.addi %add3A_12, %add3A_9 : i32
    "tpu.region"() ({
      %run_scoped3A = tpu.sem_alloc : memref<!tpu.dma_semaphore, #tpu.memory_space<semaphore_mem>>
      %dma_start3A_406 = arith.constant 1792 : i32
      %dma_start3A_407 = tpu.memref_slice %arg8[%dma_start3A_406] : memref<2688xf32, #tpu.memory_space<vmem>> -> memref<896xf32, #tpu.memory_space<vmem>>
      %dma_start3A_408 = tpu.memref_slice %arg4[%add3A_13] : memref<301056xf32, #tpu.memory_space<hbm>> -> memref<896xf32, #tpu.memory_space<hbm>>
      %dma_start3A_409 = arith.constant 1792 : i32
      %dma_start3A_410 = tpu.memref_slice %arg8[%dma_start3A_409] : memref<2688xf32, #tpu.memory_space<vmem>> -> memref<896xf32, #tpu.memory_space<vmem>>
      %dma_start3A_411 = tpu.memref_slice %arg4[%add3A_13] : memref<301056xf32, #tpu.memory_space<hbm>> -> memref<896xf32, #tpu.memory_space<hbm>>
      tpu.enqueue_dma source(%dma_start3A_411 : memref<896xf32, #tpu.memory_space<hbm>>) target(%dma_start3A_410 : memref<896xf32, #tpu.memory_space<vmem>>) target_semaphore(%run_scoped3A : memref<!tpu.dma_semaphore, #tpu.memory_space<semaphore_mem>>)
      %dma_wait3A_412 = arith.constant 1792 : i32
      %dma_wait3A_413 = tpu.memref_slice %arg8[%dma_wait3A_412] : memref<2688xf32, #tpu.memory_space<vmem>> -> memref<896xf32, #tpu.memory_space<vmem>>
      %dma_wait3A_414 = tpu.memref_slice %arg4[%add3A_13] : memref<301056xf32, #tpu.memory_space<hbm>> -> memref<896xf32, #tpu.memory_space<hbm>>
      %dma_wait3A_415 = arith.constant 1792 : i32
      %dma_wait3A_416 = tpu.memref_slice %arg8[%dma_wait3A_415] : memref<2688xf32, #tpu.memory_space<vmem>> -> memref<896xf32, #tpu.memory_space<vmem>>
      %dma_wait3A_417 = tpu.memref_slice %arg4[%add3A_13] : memref<301056xf32, #tpu.memory_space<hbm>> -> memref<896xf32, #tpu.memory_space<hbm>>
      tpu.wait_dma2 semaphore(%run_scoped3A : memref<!tpu.dma_semaphore, #tpu.memory_space<semaphore_mem>>) src(%dma_wait3A_417 : memref<896xf32, #tpu.memory_space<hbm>>) dst(%dma_wait3A_416 : memref<896xf32, #tpu.memory_space<vmem>>)
      tpu.yield
    }) : () -> ()
    %scan3A = arith.constant 0 : i32
    %scan3A_14 = arith.constant 0 : i32
    %scan3A_15 = arith.constant 56 : i32
    %scan3A_16 = arith.addi %scan3A_14, %scan3A_15 : i32
    %scan3A_17 = arith.constant 1 : i32
    %scan3A_18 = scf.for %scan3A_406 = %scan3A_14 to %scan3A_16 step %scan3A_17 iter_args(%scan3A_407 = %scan3A) -> (i32)  : i32 {
      %mul3A_408 = arith.constant 16 : i32
      %mul3A_409 = arith.muli %scan3A_406, %mul3A_408 : i32
      %mul3A_410 = arith.constant 16 : i32
      %mul3A_411 = arith.muli %scan3A_406, %mul3A_410 : i32
      %get3A_412 = arith.index_cast %mul3A_411 : i32 to index
      %get3A_413 = tpu.vector_load %arg8[%get3A_412] {strides = array<i32>} : memref<2688xf32, #tpu.memory_space<vmem>>, vector<16xf32>,
      %mul3A_414 = arith.mulf %get3A_413, %get3A_1 : vector<16xf32>
      %mul3A_415 = arith.constant 16 : i32
      %mul3A_416 = arith.muli %scan3A_406, %mul3A_415 : i32
      %add3A_417 = arith.constant 896 : i32
      %add3A_418 = arith.addi %add3A_417, %mul3A_416 : i32
      %get3A_419 = arith.index_cast %add3A_418 : i32 to index
      %get3A_420 = tpu.vector_load %arg8[%get3A_419] {strides = array<i32>} : memref<2688xf32, #tpu.memory_space<vmem>>, vector<16xf32>,
      %mul3A_421 = arith.mulf %get3A_420, %get3A_3 : vector<16xf32>
      %add3A_422 = arith.addf %mul3A_414, %mul3A_421 : vector<16xf32>
      %mul3A_423 = arith.constant 16 : i32
      %mul3A_424 = arith.muli %scan3A_406, %mul3A_423 : i32
      %add3A_425 = arith.constant 1792 : i32
      %add3A_426 = arith.addi %add3A_425, %mul3A_424 : i32
      %get3A_427 = arith.index_cast %add3A_426 : i32 to index
      %get3A_428 = tpu.vector_load %arg8[%get3A_427] {strides = array<i32>} : memref<2688xf32, #tpu.memory_space<vmem>>, vector<16xf32>,
      %mul3A_429 = arith.mulf %get3A_428, %get3A_5 : vector<16xf32>
      %add3A_430 = arith.addf %add3A_422, %mul3A_429 : vector<16xf32>
      %swap3A = arith.index_cast %mul3A_409 : i32 to index
      %swap3A_431 = tpu.vector_load %arg12[%swap3A] {strides = array<i32>} : memref<4096xf32, #tpu.memory_space<vmem>>, vector<16xf32>,
      tpu.vector_store %arg12[%swap3A], %add3A_430 {strides = array<i32>} : memref<4096xf32, #tpu.memory_space<vmem>>, vector<16xf32>,
      %scan3A_432 = arith.constant 0 : i32
      scf.yield %scan3A_432 : i32
    }
    %scan3A_19 = arith.constant 56 : i32
    "tpu.region"() ({
      %run_scoped3A = tpu.sem_alloc : memref<!tpu.dma_semaphore, #tpu.memory_space<semaphore_mem>>
      %dma_start3A_406 = arith.constant 0 : i32
      %dma_start3A_407 = tpu.memref_slice %arg12[%dma_start3A_406] : memref<4096xf32, #tpu.memory_space<vmem>> -> memref<896xf32, #tpu.memory_space<vmem>>
      %dma_start3A_408 = tpu.memref_slice %arg14[%add3A_9] : memref<100352xf32, #tpu.memory_space<vmem_shared>> -> memref<896xf32, #tpu.memory_space<vmem_shared>>
      %dma_start3A_409 = tpu.memref_slice %arg14[%add3A_9] : memref<100352xf32, #tpu.memory_space<vmem_shared>> -> memref<896xf32, #tpu.memory_space<vmem_shared>>
      %dma_start3A_410 = arith.constant 0 : i32
      %dma_start3A_411 = tpu.memref_slice %arg12[%dma_start3A_410] : memref<4096xf32, #tpu.memory_space<vmem>> -> memref<896xf32, #tpu.memory_space<vmem>>
      tpu.enqueue_dma source(%dma_start3A_411 : memref<896xf32, #tpu.memory_space<vmem>>) target(%dma_start3A_409 : memref<896xf32, #tpu.memory_space<vmem_shared>>) target_semaphore(%run_scoped3A : memref<!tpu.dma_semaphore, #tpu.memory_space<semaphore_mem>>)
      %dma_wait3A_412 = arith.constant 0 : i32
      %dma_wait3A_413 = tpu.memref_slice %arg12[%dma_wait3A_412] : memref<4096xf32, #tpu.memory_space<vmem>> -> memref<896xf32, #tpu.memory_space<vmem>>
      %dma_wait3A_414 = tpu.memref_slice %arg14[%add3A_9] : memref<100352xf32, #tpu.memory_space<vmem_shared>> -> memref<896xf32, #tpu.memory_space<vmem_shared>>
      %dma_wait3A_415 = tpu.memref_slice %arg14[%add3A_9] : memref<100352xf32, #tpu.memory_space<vmem_shared>> -> memref<896xf32, #tpu.memory_space<vmem_shared>>
      %dma_wait3A_416 = arith.constant 0 : i32
      %dma_wait3A_417 = tpu.memref_slice %arg12[%dma_wait3A_416] : memref<4096xf32, #tpu.memory_space<vmem>> -> memref<896xf32, #tpu.memory_space<vmem>>
      tpu.wait_dma2 semaphore(%run_scoped3A : memref<!tpu.dma_semaphore, #tpu.memory_space<semaphore_mem>>) src(%dma_wait3A_417 : memref<896xf32, #tpu.memory_space<vmem>>) dst(%dma_wait3A_415 : memref<896xf32, #tpu.memory_space<vmem_shared>>)
      tpu.yield
    }) : () -> ()
    %add3A_20 = arith.constant 896 : i32
    %add3A_21 = arith.addi %mul3A_7, %add3A_20 : i32
    "tpu.region"() ({
      %run_scoped3A = tpu.sem_alloc : memref<!tpu.dma_semaphore, #tpu.memory_space<semaphore_mem>>
      %dma_start3A_406 = arith.constant 0 : i32
      %dma_start3A_407 = tpu.memref_slice %arg8[%dma_start3A_406] : memref<2688xf32, #tpu.memory_space<vmem>> -> memref<896xf32, #tpu.memory_space<vmem>>
      %dma_start3A_408 = tpu.memref_slice %arg4[%add3A_21] : memref<301056xf32, #tpu.memory_space<hbm>> -> memref<896xf32, #tpu.memory_space<hbm>>
      %dma_start3A_409 = arith.constant 0 : i32
      %dma_start3A_410 = tpu.memref_slice %arg8[%dma_start3A_409] : memref<2688xf32, #tpu.memory_space<vmem>> -> memref<896xf32, #tpu.memory_space<vmem>>
      %dma_start3A_411 = tpu.memref_slice %arg4[%add3A_21] : memref<301056xf32, #tpu.memory_space<hbm>> -> memref<896xf32, #tpu.memory_space<hbm>>
      tpu.enqueue_dma source(%dma_start3A_411 : memref<896xf32, #tpu.memory_space<hbm>>) target(%dma_start3A_410 : memref<896xf32, #tpu.memory_space<vmem>>) target_semaphore(%run_scoped3A : memref<!tpu.dma_semaphore, #tpu.memory_space<semaphore_mem>>)
      %dma_wait3A_412 = arith.constant 0 : i32
      %dma_wait3A_413 = tpu.memref_slice %arg8[%dma_wait3A_412] : memref<2688xf32, #tpu.memory_space<vmem>> -> memref<896xf32, #tpu.memory_space<vmem>>
      %dma_wait3A_414 = tpu.memref_slice %arg4[%add3A_21] : memref<301056xf32, #tpu.memory_space<hbm>> -> memref<896xf32, #tpu.memory_space<hbm>>
      %dma_wait3A_415 = arith.constant 0 : i32
      %dma_wait3A_416 = tpu.memref_slice %arg8[%dma_wait3A_415] : memref<2688xf32, #tpu.memory_space<vmem>> -> memref<896xf32, #tpu.memory_space<vmem>>
      %dma_wait3A_417 = tpu.memref_slice %arg4[%add3A_21] : memref<301056xf32, #tpu.memory_space<hbm>> -> memref<896xf32, #tpu.memory_space<hbm>>
      tpu.wait_dma2 semaphore(%run_scoped3A : memref<!tpu.dma_semaphore, #tpu.memory_space<semaphore_mem>>) src(%dma_wait3A_417 : memref<896xf32, #tpu.memory_space<hbm>>) dst(%dma_wait3A_416 : memref<896xf32, #tpu.memory_space<vmem>>)
      tpu.yield
    }) : () -> ()
    %add3A_22 = arith.constant 100352 : i32
    %add3A_23 = arith.addi %add3A_22, %add3A_21 : i32
    "tpu.region"() ({
      %run_scoped3A = tpu.sem_alloc : memref<!tpu.dma_semaphore, #tpu.memory_space<semaphore_mem>>
      %dma_start3A_406 = arith.constant 896 : i32
      %dma_start3A_407 = tpu.memref_slice %arg8[%dma_start3A_406] : memref<2688xf32, #tpu.memory_space<vmem>> -> memref<896xf32, #tpu.memory_space<vmem>>
      %dma_start3A_408 = tpu.memref_slice %arg4[%add3A_23] : memref<301056xf32, #tpu.memory_space<hbm>> -> memref<896xf32, #tpu.memory_space<hbm>>
      %dma_start3A_409 = arith.constant 896 : i32
      %dma_start3A_410 = tpu.memref_slice %arg8[%dma_start3A_409] : memref<2688xf32, #tpu.memory_space<vmem>> -> memref<896xf32, #tpu.memory_space<vmem>>
      %dma_start3A_411 = tpu.memref_slice %arg4[%add3A_23] : memref<301056xf32, #tpu.memory_space<hbm>> -> memref<896xf32, #tpu.memory_space<hbm>>
      tpu.enqueue_dma source(%dma_start3A_411 : memref<896xf32, #tpu.memory_space<hbm>>) target(%dma_start3A_410 : memref<896xf32, #tpu.memory_space<vmem>>) target_semaphore(%run_scoped3A : memref<!tpu.dma_semaphore, #tpu.memory_space<semaphore_mem>>)
      %dma_wait3A_412 = arith.constant 896 : i32
      %dma_wait3A_413 = tpu.memref_slice %arg8[%dma_wait3A_412] : memref<2688xf32, #tpu.memory_space<vmem>> -> memref<896xf32, #tpu.memory_space<vmem>>
      %dma_wait3A_414 = tpu.memref_slice %arg4[%add3A_23] : memref<301056xf32, #tpu.memory_space<hbm>> -> memref<896xf32, #tpu.memory_space<hbm>>
      %dma_wait3A_415 = arith.constant 896 : i32
      %dma_wait3A_416 = tpu.memref_slice %arg8[%dma_wait3A_415] : memref<2688xf32, #tpu.memory_space<vmem>> -> memref<896xf32, #tpu.memory_space<vmem>>
      %dma_wait3A_417 = tpu.memref_slice %arg4[%add3A_23] : memref<301056xf32, #tpu.memory_space<hbm>> -> memref<896xf32, #tpu.memory_space<hbm>>
      tpu.wait_dma2 semaphore(%run_scoped3A : memref<!tpu.dma_semaphore, #tpu.memory_space<semaphore_mem>>) src(%dma_wait3A_417 : memref<896xf32, #tpu.memory_space<hbm>>) dst(%dma_wait3A_416 : memref<896xf32, #tpu.memory_space<vmem>>)
      tpu.yield
    }) : () -> ()
    %add3A_24 = arith.constant 200704 : i32
    %add3A_25 = arith.addi %add3A_24, %add3A_21 : i32
    "tpu.region"() ({
      %run_scoped3A = tpu.sem_alloc : memref<!tpu.dma_semaphore, #tpu.memory_space<semaphore_mem>>
      %dma_start3A_406 = arith.constant 1792 : i32
      %dma_start3A_407 = tpu.memref_slice %arg8[%dma_start3A_406] : memref<2688xf32, #tpu.memory_space<vmem>> -> memref<896xf32, #tpu.memory_space<vmem>>
      %dma_start3A_408 = tpu.memref_slice %arg4[%add3A_25] : memref<301056xf32, #tpu.memory_space<hbm>> -> memref<896xf32, #tpu.memory_space<hbm>>
      %dma_start3A_409 = arith.constant 1792 : i32
      %dma_start3A_410 = tpu.memref_slice %arg8[%dma_start3A_409] : memref<2688xf32, #tpu.memory_space<vmem>> -> memref<896xf32, #tpu.memory_space<vmem>>
      %dma_start3A_411 = tpu.memref_slice %arg4[%add3A_25] : memref<301056xf32, #tpu.memory_space<hbm>> -> memref<896xf32, #tpu.memory_space<hbm>>
      tpu.enqueue_dma source(%dma_start3A_411 : memref<896xf32, #tpu.memory_space<hbm>>) target(%dma_start3A_410 : memref<896xf32, #tpu.memory_space<vmem>>) target_semaphore(%run_scoped3A : memref<!tpu.dma_semaphore, #tpu.memory_space<semaphore_mem>>)
      %dma_wait3A_412 = arith.constant 1792 : i32
      %dma_wait3A_413 = tpu.memref_slice %arg8[%dma_wait3A_412] : memref<2688xf32, #tpu.memory_space<vmem>> -> memref<896xf32, #tpu.memory_space<vmem>>
      %dma_wait3A_414 = tpu.memref_slice %arg4[%add3A_25] : memref<301056xf32, #tpu.memory_space<hbm>> -> memref<896xf32, #tpu.memory_space<hbm>>
      %dma_wait3A_415 = arith.constant 1792 : i32
      %dma_wait3A_416 = tpu.memref_slice %arg8[%dma_wait3A_415] : memref<2688xf32, #tpu.memory_space<vmem>> -> memref<896xf32, #tpu.memory_space<vmem>>
      %dma_wait3A_417 = tpu.memref_slice %arg4[%add3A_25] : memref<301056xf32, #tpu.memory_space<hbm>> -> memref<896xf32, #tpu.memory_space<hbm>>
      tpu.wait_dma2 semaphore(%run_scoped3A : memref<!tpu.dma_semaphore, #tpu.memory_space<semaphore_mem>>) src(%dma_wait3A_417 : memref<896xf32, #tpu.memory_space<hbm>>) dst(%dma_wait3A_416 : memref<896xf32, #tpu.memory_space<vmem>>)
      tpu.yield
    }) : () -> ()
    %scan3A_26 = arith.constant 0 : i32
    %scan3A_27 = arith.constant 0 : i32
    %scan3A_28 = arith.constant 56 : i32
    %scan3A_29 = arith.addi %scan3A_27, %scan3A_28 : i32
    %scan3A_30 = arith.constant 1 : i32
    %scan3A_31 = scf.for %scan3A_406 = %scan3A_27 to %scan3A_29 step %scan3A_30 iter_args(%scan3A_407 = %scan3A_26) -> (i32)  : i32 {
      %mul3A_408 = arith.constant 16 : i32
      %mul3A_409 = arith.muli %scan3A_406, %mul3A_408 : i32
      %mul3A_410 = arith.constant 16 : i32
      %mul3A_411 = arith.muli %scan3A_406, %mul3A_410 : i32
      %get3A_412 = arith.index_cast %mul3A_411 : i32 to index
      %get3A_413 = tpu.vector_load %arg8[%get3A_412] {strides = array<i32>} : memref<2688xf32, #tpu.memory_space<vmem>>, vector<16xf32>,
      %mul3A_414 = arith.mulf %get3A_413, %get3A_1 : vector<16xf32>
      %mul3A_415 = arith.constant 16 : i32
      %mul3A_416 = arith.muli %scan3A_406, %mul3A_415 : i32
      %add3A_417 = arith.constant 896 : i32
      %add3A_418 = arith.addi %add3A_417, %mul3A_416 : i32
      %get3A_419 = arith.index_cast %add3A_418 : i32 to index
      %get3A_420 = tpu.vector_load %arg8[%get3A_419] {strides = array<i32>} : memref<2688xf32, #tpu.memory_space<vmem>>, vector<16xf32>,
      %mul3A_421 = arith.mulf %get3A_420, %get3A_3 : vector<16xf32>
      %add3A_422 = arith.addf %mul3A_414, %mul3A_421 : vector<16xf32>
      %mul3A_423 = arith.constant 16 : i32
      %mul3A_424 = arith.muli %scan3A_406, %mul3A_423 : i32
      %add3A_425 = arith.constant 1792 : i32
      %add3A_426 = arith.addi %add3A_425, %mul3A_424 : i32
      %get3A_427 = arith.index_cast %add3A_426 : i32 to index
      %get3A_428 = tpu.vector_load %arg8[%get3A_427] {strides = array<i32>} : memref<2688xf32, #tpu.memory_space<vmem>>, vector<16xf32>,
      %mul3A_429 = arith.mulf %get3A_428, %get3A_5 : vector<16xf32>
      %add3A_430 = arith.addf %add3A_422, %mul3A_429 : vector<16xf32>
      %swap3A = arith.index_cast %mul3A_409 : i32 to index
      %swap3A_431 = tpu.vector_load %arg12[%swap3A] {strides = array<i32>} : memref<4096xf32, #tpu.memory_space<vmem>>, vector<16xf32>,
      tpu.vector_store %arg12[%swap3A], %add3A_430 {strides = array<i32>} : memref<4096xf32, #tpu.memory_space<vmem>>, vector<16xf32>,
      %scan3A_432 = arith.constant 0 : i32
      scf.yield %scan3A_432 : i32
    }
    %scan3A_32 = arith.constant 56 : i32
    "tpu.region"() ({
      %run_scoped3A = tpu.sem_alloc : memref<!tpu.dma_semaphore, #tpu.memory_space<semaphore_mem>>
      %dma_start3A_406 = arith.constant 0 : i32
      %dma_start3A_407 = tpu.memref_slice %arg12[%dma_start3A_406] : memref<4096xf32, #tpu.memory_space<vmem>> -> memref<896xf32, #tpu.memory_space<vmem>>
      %dma_start3A_408 = tpu.memref_slice %arg14[%add3A_21] : memref<100352xf32, #tpu.memory_space<vmem_shared>> -> memref<896xf32, #tpu.memory_space<vmem_shared>>
      %dma_start3A_409 = tpu.memref_slice %arg14[%add3A_21] : memref<100352xf32, #tpu.memory_space<vmem_shared>> -> memref<896xf32, #tpu.memory_space<vmem_shared>>
      %dma_start3A_410 = arith.constant 0 : i32
      %dma_start3A_411 = tpu.memref_slice %arg12[%dma_start3A_410] : memref<4096xf32, #tpu.memory_space<vmem>> -> memref<896xf32, #tpu.memory_space<vmem>>
      tpu.enqueue_dma source(%dma_start3A_411 : memref<896xf32, #tpu.memory_space<vmem>>) target(%dma_start3A_409 : memref<896xf32, #tpu.memory_space<vmem_shared>>) target_semaphore(%run_scoped3A : memref<!tpu.dma_semaphore, #tpu.memory_space<semaphore_mem>>)
      %dma_wait3A_412 = arith.constant 0 : i32
      %dma_wait3A_413 = tpu.memref_slice %arg12[%dma_wait3A_412] : memref<4096xf32, #tpu.memory_space<vmem>> -> memref<896xf32, #tpu.memory_space<vmem>>
      %dma_wait3A_414 = tpu.memref_slice %arg14[%add3A_21] : memref<100352xf32, #tpu.memory_space<vmem_shared>> -> memref<896xf32, #tpu.memory_space<vmem_shared>>
      %dma_wait3A_415 = tpu.memref_slice %arg14[%add3A_21] : memref<100352xf32, #tpu.memory_space<vmem_shared>> -> memref<896xf32, #tpu.memory_space<vmem_shared>>
      %dma_wait3A_416 = arith.constant 0 : i32
      %dma_wait3A_417 = tpu.memref_slice %arg12[%dma_wait3A_416] : memref<4096xf32, #tpu.memory_space<vmem>> -> memref<896xf32, #tpu.memory_space<vmem>>
      tpu.wait_dma2 semaphore(%run_scoped3A : memref<!tpu.dma_semaphore, #tpu.memory_space<semaphore_mem>>) src(%dma_wait3A_417 : memref<896xf32, #tpu.memory_space<vmem>>) dst(%dma_wait3A_415 : memref<896xf32, #tpu.memory_space<vmem_shared>>)
      tpu.yield
    }) : () -> ()
    %add3A_33 = arith.constant 1792 : i32
    %add3A_34 = arith.addi %mul3A_7, %add3A_33 : i32
    "tpu.region"() ({
      %run_scoped3A = tpu.sem_alloc : memref<!tpu.dma_semaphore, #tpu.memory_space<semaphore_mem>>
      %dma_start3A_406 = arith.constant 0 : i32
      %dma_start3A_407 = tpu.memref_slice %arg8[%dma_start3A_406] : memref<2688xf32, #tpu.memory_space<vmem>> -> memref<896xf32, #tpu.memory_space<vmem>>
      %dma_start3A_408 = tpu.memref_slice %arg4[%add3A_34] : memref<301056xf32, #tpu.memory_space<hbm>> -> memref<896xf32, #tpu.memory_space<hbm>>
      %dma_start3A_409 = arith.constant 0 : i32
      %dma_start3A_410 = tpu.memref_slice %arg8[%dma_start3A_409] : memref<2688xf32, #tpu.memory_space<vmem>> -> memref<896xf32, #tpu.memory_space<vmem>>
      %dma_start3A_411 = tpu.memref_slice %arg4[%add3A_34] : memref<301056xf32, #tpu.memory_space<hbm>> -> memref<896xf32, #tpu.memory_space<hbm>>
      tpu.enqueue_dma source(%dma_start3A_411 : memref<896xf32, #tpu.memory_space<hbm>>) target(%dma_start3A_410 : memref<896xf32, #tpu.memory_space<vmem>>) target_semaphore(%run_scoped3A : memref<!tpu.dma_semaphore, #tpu.memory_space<semaphore_mem>>)
      %dma_wait3A_412 = arith.constant 0 : i32
      %dma_wait3A_413 = tpu.memref_slice %arg8[%dma_wait3A_412] : memref<2688xf32, #tpu.memory_space<vmem>> -> memref<896xf32, #tpu.memory_space<vmem>>
      %dma_wait3A_414 = tpu.memref_slice %arg4[%add3A_34] : memref<301056xf32, #tpu.memory_space<hbm>> -> memref<896xf32, #tpu.memory_space<hbm>>
      %dma_wait3A_415 = arith.constant 0 : i32
      %dma_wait3A_416 = tpu.memref_slice %arg8[%dma_wait3A_415] : memref<2688xf32, #tpu.memory_space<vmem>> -> memref<896xf32, #tpu.memory_space<vmem>>
      %dma_wait3A_417 = tpu.memref_slice %arg4[%add3A_34] : memref<301056xf32, #tpu.memory_space<hbm>> -> memref<896xf32, #tpu.memory_space<hbm>>
      tpu.wait_dma2 semaphore(%run_scoped3A : memref<!tpu.dma_semaphore, #tpu.memory_space<semaphore_mem>>) src(%dma_wait3A_417 : memref<896xf32, #tpu.memory_space<hbm>>) dst(%dma_wait3A_416 : memref<896xf32, #tpu.memory_space<vmem>>)
      tpu.yield
    }) : () -> ()
    %add3A_35 = arith.constant 100352 : i32
    %add3A_36 = arith.addi %add3A_35, %add3A_34 : i32
    "tpu.region"() ({
      %run_scoped3A = tpu.sem_alloc : memref<!tpu.dma_semaphore, #tpu.memory_space<semaphore_mem>>
      %dma_start3A_406 = arith.constant 896 : i32
      %dma_start3A_407 = tpu.memref_slice %arg8[%dma_start3A_406] : memref<2688xf32, #tpu.memory_space<vmem>> -> memref<896xf32, #tpu.memory_space<vmem>>
      %dma_start3A_408 = tpu.memref_slice %arg4[%add3A_36] : memref<301056xf32, #tpu.memory_space<hbm>> -> memref<896xf32, #tpu.memory_space<hbm>>
      %dma_start3A_409 = arith.constant 896 : i32
      %dma_start3A_410 = tpu.memref_slice %arg8[%dma_start3A_409] : memref<2688xf32, #tpu.memory_space<vmem>> -> memref<896xf32, #tpu.memory_space<vmem>>
      %dma_start3A_411 = tpu.memref_slice %arg4[%add3A_36] : memref<301056xf32, #tpu.memory_space<hbm>> -> memref<896xf32, #tpu.memory_space<hbm>>
      tpu.enqueue_dma source(%dma_start3A_411 : memref<896xf32, #tpu.memory_space<hbm>>) target(%dma_start3A_410 : memref<896xf32, #tpu.memory_space<vmem>>) target_semaphore(%run_scoped3A : memref<!tpu.dma_semaphore, #tpu.memory_space<semaphore_mem>>)
      %dma_wait3A_412 = arith.constant 896 : i32
      %dma_wait3A_413 = tpu.memref_slice %arg8[%dma_wait3A_412] : memref<2688xf32, #tpu.memory_space<vmem>> -> memref<896xf32, #tpu.memory_space<vmem>>
      %dma_wait3A_414 = tpu.memref_slice %arg4[%add3A_36] : memref<301056xf32, #tpu.memory_space<hbm>> -> memref<896xf32, #tpu.memory_space<hbm>>
      %dma_wait3A_415 = arith.constant 896 : i32
      %dma_wait3A_416 = tpu.memref_slice %arg8[%dma_wait3A_415] : memref<2688xf32, #tpu.memory_space<vmem>> -> memref<896xf32, #tpu.memory_space<vmem>>
      %dma_wait3A_417 = tpu.memref_slice %arg4[%add3A_36] : memref<301056xf32, #tpu.memory_space<hbm>> -> memref<896xf32, #tpu.memory_space<hbm>>
      tpu.wait_dma2 semaphore(%run_scoped3A : memref<!tpu.dma_semaphore, #tpu.memory_space<semaphore_mem>>) src(%dma_wait3A_417 : memref<896xf32, #tpu.memory_space<hbm>>) dst(%dma_wait3A_416 : memref<896xf32, #tpu.memory_space<vmem>>)
      tpu.yield
    }) : () -> ()
    %add3A_37 = arith.constant 200704 : i32
    %add3A_38 = arith.addi %add3A_37, %add3A_34 : i32
    "tpu.region"() ({
      %run_scoped3A = tpu.sem_alloc : memref<!tpu.dma_semaphore, #tpu.memory_space<semaphore_mem>>
      %dma_start3A_406 = arith.constant 1792 : i32
      %dma_start3A_407 = tpu.memref_slice %arg8[%dma_start3A_406] : memref<2688xf32, #tpu.memory_space<vmem>> -> memref<896xf32, #tpu.memory_space<vmem>>
      %dma_start3A_408 = tpu.memref_slice %arg4[%add3A_38] : memref<301056xf32, #tpu.memory_space<hbm>> -> memref<896xf32, #tpu.memory_space<hbm>>
      %dma_start3A_409 = arith.constant 1792 : i32
      %dma_start3A_410 = tpu.memref_slice %arg8[%dma_start3A_409] : memref<2688xf32, #tpu.memory_space<vmem>> -> memref<896xf32, #tpu.memory_space<vmem>>
      %dma_start3A_411 = tpu.memref_slice %arg4[%add3A_38] : memref<301056xf32, #tpu.memory_space<hbm>> -> memref<896xf32, #tpu.memory_space<hbm>>
      tpu.enqueue_dma source(%dma_start3A_411 : memref<896xf32, #tpu.memory_space<hbm>>) target(%dma_start3A_410 : memref<896xf32, #tpu.memory_space<vmem>>) target_semaphore(%run_scoped3A : memref<!tpu.dma_semaphore, #tpu.memory_space<semaphore_mem>>)
      %dma_wait3A_412 = arith.constant 1792 : i32
      %dma_wait3A_413 = tpu.memref_slice %arg8[%dma_wait3A_412] : memref<2688xf32, #tpu.memory_space<vmem>> -> memref<896xf32, #tpu.memory_space<vmem>>
      %dma_wait3A_414 = tpu.memref_slice %arg4[%add3A_38] : memref<301056xf32, #tpu.memory_space<hbm>> -> memref<896xf32, #tpu.memory_space<hbm>>
      %dma_wait3A_415 = arith.constant 1792 : i32
      %dma_wait3A_416 = tpu.memref_slice %arg8[%dma_wait3A_415] : memref<2688xf32, #tpu.memory_space<vmem>> -> memref<896xf32, #tpu.memory_space<vmem>>
      %dma_wait3A_417 = tpu.memref_slice %arg4[%add3A_38] : memref<301056xf32, #tpu.memory_space<hbm>> -> memref<896xf32, #tpu.memory_space<hbm>>
      tpu.wait_dma2 semaphore(%run_scoped3A : memref<!tpu.dma_semaphore, #tpu.memory_space<semaphore_mem>>) src(%dma_wait3A_417 : memref<896xf32, #tpu.memory_space<hbm>>) dst(%dma_wait3A_416 : memref<896xf32, #tpu.memory_space<vmem>>)
      tpu.yield
    }) : () -> ()
    %scan3A_39 = arith.constant 0 : i32
    %scan3A_40 = arith.constant 0 : i32
    %scan3A_41 = arith.constant 56 : i32
    %scan3A_42 = arith.addi %scan3A_40, %scan3A_41 : i32
    %scan3A_43 = arith.constant 1 : i32
    %scan3A_44 = scf.for %scan3A_406 = %scan3A_40 to %scan3A_42 step %scan3A_43 iter_args(%scan3A_407 = %scan3A_39) -> (i32)  : i32 {
      %mul3A_408 = arith.constant 16 : i32
      %mul3A_409 = arith.muli %scan3A_406, %mul3A_408 : i32
      %mul3A_410 = arith.constant 16 : i32
      %mul3A_411 = arith.muli %scan3A_406, %mul3A_410 : i32
      %get3A_412 = arith.index_cast %mul3A_411 : i32 to index
      %get3A_413 = tpu.vector_load %arg8[%get3A_412] {strides = array<i32>} : memref<2688xf32, #tpu.memory_space<vmem>>, vector<16xf32>,
      %mul3A_414 = arith.mulf %get3A_413, %get3A_1 : vector<16xf32>
      %mul3A_415 = arith.constant 16 : i32
      %mul3A_416 = arith.muli %scan3A_406, %mul3A_415 : i32
      %add3A_417 = arith.constant 896 : i32
      %add3A_418 = arith.addi %add3A_417, %mul3A_416 : i32
      %get3A_419 = arith.index_cast %add3A_418 : i32 to index
      %get3A_420 = tpu.vector_load %arg8[%get3A_419] {strides = array<i32>} : memref<2688xf32, #tpu.memory_space<vmem>>, vector<16xf32>,
      %mul3A_421 = arith.mulf %get3A_420, %get3A_3 : vector<16xf32>
      %add3A_422 = arith.addf %mul3A_414, %mul3A_421 : vector<16xf32>
      %mul3A_423 = arith.constant 16 : i32
      %mul3A_424 = arith.muli %scan3A_406, %mul3A_423 : i32
      %add3A_425 = arith.constant 1792 : i32
      %add3A_426 = arith.addi %add3A_425, %mul3A_424 : i32
      %get3A_427 = arith.index_cast %add3A_426 : i32 to index
      %get3A_428 = tpu.vector_load %arg8[%get3A_427] {strides = array<i32>} : memref<2688xf32, #tpu.memory_space<vmem>>, vector<16xf32>,
      %mul3A_429 = arith.mulf %get3A_428, %get3A_5 : vector<16xf32>
      %add3A_430 = arith.addf %add3A_422, %mul3A_429 : vector<16xf32>
      %swap3A = arith.index_cast %mul3A_409 : i32 to index
      %swap3A_431 = tpu.vector_load %arg12[%swap3A] {strides = array<i32>} : memref<4096xf32, #tpu.memory_space<vmem>>, vector<16xf32>,
      tpu.vector_store %arg12[%swap3A], %add3A_430 {strides = array<i32>} : memref<4096xf32, #tpu.memory_space<vmem>>, vector<16xf32>,
      %scan3A_432 = arith.constant 0 : i32
      scf.yield %scan3A_432 : i32
    }
    %scan3A_45 = arith.constant 56 : i32
    "tpu.region"() ({
      %run_scoped3A = tpu.sem_alloc : memref<!tpu.dma_semaphore, #tpu.memory_space<semaphore_mem>>
      %dma_start3A_406 = arith.constant 0 : i32
      %dma_start3A_407 = tpu.memref_slice %arg12[%dma_start3A_406] : memref<4096xf32, #tpu.memory_space<vmem>> -> memref<896xf32, #tpu.memory_space<vmem>>
      %dma_start3A_408 = tpu.memref_slice %arg14[%add3A_34] : memref<100352xf32, #tpu.memory_space<vmem_shared>> -> memref<896xf32, #tpu.memory_space<vmem_shared>>
      %dma_start3A_409 = tpu.memref_slice %arg14[%add3A_34] : memref<100352xf32, #tpu.memory_space<vmem_shared>> -> memref<896xf32, #tpu.memory_space<vmem_shared>>
      %dma_start3A_410 = arith.constant 0 : i32
      %dma_start3A_411 = tpu.memref_slice %arg12[%dma_start3A_410] : memref<4096xf32, #tpu.memory_space<vmem>> -> memref<896xf32, #tpu.memory_space<vmem>>
      tpu.enqueue_dma source(%dma_start3A_411 : memref<896xf32, #tpu.memory_space<vmem>>) target(%dma_start3A_409 : memref<896xf32, #tpu.memory_space<vmem_shared>>) target_semaphore(%run_scoped3A : memref<!tpu.dma_semaphore, #tpu.memory_space<semaphore_mem>>)
      %dma_wait3A_412 = arith.constant 0 : i32
      %dma_wait3A_413 = tpu.memref_slice %arg12[%dma_wait3A_412] : memref<4096xf32, #tpu.memory_space<vmem>> -> memref<896xf32, #tpu.memory_space<vmem>>
      %dma_wait3A_414 = tpu.memref_slice %arg14[%add3A_34] : memref<100352xf32, #tpu.memory_space<vmem_shared>> -> memref<896xf32, #tpu.memory_space<vmem_shared>>
      %dma_wait3A_415 = tpu.memref_slice %arg14[%add3A_34] : memref<100352xf32, #tpu.memory_space<vmem_shared>> -> memref<896xf32, #tpu.memory_space<vmem_shared>>
      %dma_wait3A_416 = arith.constant 0 : i32
      %dma_wait3A_417 = tpu.memref_slice %arg12[%dma_wait3A_416] : memref<4096xf32, #tpu.memory_space<vmem>> -> memref<896xf32, #tpu.memory_space<vmem>>
      tpu.wait_dma2 semaphore(%run_scoped3A : memref<!tpu.dma_semaphore, #tpu.memory_space<semaphore_mem>>) src(%dma_wait3A_417 : memref<896xf32, #tpu.memory_space<vmem>>) dst(%dma_wait3A_415 : memref<896xf32, #tpu.memory_space<vmem_shared>>)
      tpu.yield
    }) : () -> ()
    %add3A_46 = arith.constant 2688 : i32
    %add3A_47 = arith.addi %mul3A_7, %add3A_46 : i32
    "tpu.region"() ({
      %run_scoped3A = tpu.sem_alloc : memref<!tpu.dma_semaphore, #tpu.memory_space<semaphore_mem>>
      %dma_start3A_406 = arith.constant 0 : i32
      %dma_start3A_407 = tpu.memref_slice %arg8[%dma_start3A_406] : memref<2688xf32, #tpu.memory_space<vmem>> -> memref<896xf32, #tpu.memory_space<vmem>>
      %dma_start3A_408 = tpu.memref_slice %arg4[%add3A_47] : memref<301056xf32, #tpu.memory_space<hbm>> -> memref<896xf32, #tpu.memory_space<hbm>>
      %dma_start3A_409 = arith.constant 0 : i32
      %dma_start3A_410 = tpu.memref_slice %arg8[%dma_start3A_409] : memref<2688xf32, #tpu.memory_space<vmem>> -> memref<896xf32, #tpu.memory_space<vmem>>
      %dma_start3A_411 = tpu.memref_slice %arg4[%add3A_47] : memref<301056xf32, #tpu.memory_space<hbm>> -> memref<896xf32, #tpu.memory_space<hbm>>
      tpu.enqueue_dma source(%dma_start3A_411 : memref<896xf32, #tpu.memory_space<hbm>>) target(%dma_start3A_410 : memref<896xf32, #tpu.memory_space<vmem>>) target_semaphore(%run_scoped3A : memref<!tpu.dma_semaphore, #tpu.memory_space<semaphore_mem>>)
      %dma_wait3A_412 = arith.constant 0 : i32
      %dma_wait3A_413 = tpu.memref_slice %arg8[%dma_wait3A_412] : memref<2688xf32, #tpu.memory_space<vmem>> -> memref<896xf32, #tpu.memory_space<vmem>>
      %dma_wait3A_414 = tpu.memref_slice %arg4[%add3A_47] : memref<301056xf32, #tpu.memory_space<hbm>> -> memref<896xf32, #tpu.memory_space<hbm>>
      %dma_wait3A_415 = arith.constant 0 : i32
      %dma_wait3A_416 = tpu.memref_slice %arg8[%dma_wait3A_415] : memref<2688xf32, #tpu.memory_space<vmem>> -> memref<896xf32, #tpu.memory_space<vmem>>
      %dma_wait3A_417 = tpu.memref_slice %arg4[%add3A_47] : memref<301056xf32, #tpu.memory_space<hbm>> -> memref<896xf32, #tpu.memory_space<hbm>>
      tpu.wait_dma2 semaphore(%run_scoped3A : memref<!tpu.dma_semaphore, #tpu.memory_space<semaphore_mem>>) src(%dma_wait3A_417 : memref<896xf32, #tpu.memory_space<hbm>>) dst(%dma_wait3A_416 : memref<896xf32, #tpu.memory_space<vmem>>)
      tpu.yield
    }) : () -> ()
    %add3A_48 = arith.constant 100352 : i32
    %add3A_49 = arith.addi %add3A_48, %add3A_47 : i32
    "tpu.region"() ({
      %run_scoped3A = tpu.sem_alloc : memref<!tpu.dma_semaphore, #tpu.memory_space<semaphore_mem>>
      %dma_start3A_406 = arith.constant 896 : i32
      %dma_start3A_407 = tpu.memref_slice %arg8[%dma_start3A_406] : memref<2688xf32, #tpu.memory_space<vmem>> -> memref<896xf32, #tpu.memory_space<vmem>>
      %dma_start3A_408 = tpu.memref_slice %arg4[%add3A_49] : memref<301056xf32, #tpu.memory_space<hbm>> -> memref<896xf32, #tpu.memory_space<hbm>>
      %dma_start3A_409 = arith.constant 896 : i32
      %dma_start3A_410 = tpu.memref_slice %arg8[%dma_start3A_409] : memref<2688xf32, #tpu.memory_space<vmem>> -> memref<896xf32, #tpu.memory_space<vmem>>
      %dma_start3A_411 = tpu.memref_slice %arg4[%add3A_49] : memref<301056xf32, #tpu.memory_space<hbm>> -> memref<896xf32, #tpu.memory_space<hbm>>
      tpu.enqueue_dma source(%dma_start3A_411 : memref<896xf32, #tpu.memory_space<hbm>>) target(%dma_start3A_410 : memref<896xf32, #tpu.memory_space<vmem>>) target_semaphore(%run_scoped3A : memref<!tpu.dma_semaphore, #tpu.memory_space<semaphore_mem>>)
      %dma_wait3A_412 = arith.constant 896 : i32
      %dma_wait3A_413 = tpu.memref_slice %arg8[%dma_wait3A_412] : memref<2688xf32, #tpu.memory_space<vmem>> -> memref<896xf32, #tpu.memory_space<vmem>>
      %dma_wait3A_414 = tpu.memref_slice %arg4[%add3A_49] : memref<301056xf32, #tpu.memory_space<hbm>> -> memref<896xf32, #tpu.memory_space<hbm>>
      %dma_wait3A_415 = arith.constant 896 : i32
      %dma_wait3A_416 = tpu.memref_slice %arg8[%dma_wait3A_415] : memref<2688xf32, #tpu.memory_space<vmem>> -> memref<896xf32, #tpu.memory_space<vmem>>
      %dma_wait3A_417 = tpu.memref_slice %arg4[%add3A_49] : memref<301056xf32, #tpu.memory_space<hbm>> -> memref<896xf32, #tpu.memory_space<hbm>>
      tpu.wait_dma2 semaphore(%run_scoped3A : memref<!tpu.dma_semaphore, #tpu.memory_space<semaphore_mem>>) src(%dma_wait3A_417 : memref<896xf32, #tpu.memory_space<hbm>>) dst(%dma_wait3A_416 : memref<896xf32, #tpu.memory_space<vmem>>)
      tpu.yield
    }) : () -> ()
    %add3A_50 = arith.constant 200704 : i32
    %add3A_51 = arith.addi %add3A_50, %add3A_47 : i32
    "tpu.region"() ({
      %run_scoped3A = tpu.sem_alloc : memref<!tpu.dma_semaphore, #tpu.memory_space<semaphore_mem>>
      %dma_start3A_406 = arith.constant 1792 : i32
      %dma_start3A_407 = tpu.memref_slice %arg8[%dma_start3A_406] : memref<2688xf32, #tpu.memory_space<vmem>> -> memref<896xf32, #tpu.memory_space<vmem>>
      %dma_start3A_408 = tpu.memref_slice %arg4[%add3A_51] : memref<301056xf32, #tpu.memory_space<hbm>> -> memref<896xf32, #tpu.memory_space<hbm>>
      %dma_start3A_409 = arith.constant 1792 : i32
      %dma_start3A_410 = tpu.memref_slice %arg8[%dma_start3A_409] : memref<2688xf32, #tpu.memory_space<vmem>> -> memref<896xf32, #tpu.memory_space<vmem>>
      %dma_start3A_411 = tpu.memref_slice %arg4[%add3A_51] : memref<301056xf32, #tpu.memory_space<hbm>> -> memref<896xf32, #tpu.memory_space<hbm>>
      tpu.enqueue_dma source(%dma_start3A_411 : memref<896xf32, #tpu.memory_space<hbm>>) target(%dma_start3A_410 : memref<896xf32, #tpu.memory_space<vmem>>) target_semaphore(%run_scoped3A : memref<!tpu.dma_semaphore, #tpu.memory_space<semaphore_mem>>)
      %dma_wait3A_412 = arith.constant 1792 : i32
      %dma_wait3A_413 = tpu.memref_slice %arg8[%dma_wait3A_412] : memref<2688xf32, #tpu.memory_space<vmem>> -> memref<896xf32, #tpu.memory_space<vmem>>
      %dma_wait3A_414 = tpu.memref_slice %arg4[%add3A_51] : memref<301056xf32, #tpu.memory_space<hbm>> -> memref<896xf32, #tpu.memory_space<hbm>>
      %dma_wait3A_415 = arith.constant 1792 : i32
      %dma_wait3A_416 = tpu.memref_slice %arg8[%dma_wait3A_415] : memref<2688xf32, #tpu.memory_space<vmem>> -> memref<896xf32, #tpu.memory_space<vmem>>
      %dma_wait3A_417 = tpu.memref_slice %arg4[%add3A_51] : memref<301056xf32, #tpu.memory_space<hbm>> -> memref<896xf32, #tpu.memory_space<hbm>>
      tpu.wait_dma2 semaphore(%run_scoped3A : memref<!tpu.dma_semaphore, #tpu.memory_space<semaphore_mem>>) src(%dma_wait3A_417 : memref<896xf32, #tpu.memory_space<hbm>>) dst(%dma_wait3A_416 : memref<896xf32, #tpu.memory_space<vmem>>)
      tpu.yield
    }) : () -> ()
    %scan3A_52 = arith.constant 0 : i32
    %scan3A_53 = arith.constant 0 : i32
    %scan3A_54 = arith.constant 56 : i32
    %scan3A_55 = arith.addi %scan3A_53, %scan3A_54 : i32
    %scan3A_56 = arith.constant 1 : i32
    %scan3A_57 = scf.for %scan3A_406 = %scan3A_53 to %scan3A_55 step %scan3A_56 iter_args(%scan3A_407 = %scan3A_52) -> (i32)  : i32 {
      %mul3A_408 = arith.constant 16 : i32
      %mul3A_409 = arith.muli %scan3A_406, %mul3A_408 : i32
      %mul3A_410 = arith.constant 16 : i32
      %mul3A_411 = arith.muli %scan3A_406, %mul3A_410 : i32
      %get3A_412 = arith.index_cast %mul3A_411 : i32 to index
      %get3A_413 = tpu.vector_load %arg8[%get3A_412] {strides = array<i32>} : memref<2688xf32, #tpu.memory_space<vmem>>, vector<16xf32>,
      %mul3A_414 = arith.mulf %get3A_413, %get3A_1 : vector<16xf32>
      %mul3A_415 = arith.constant 16 : i32
      %mul3A_416 = arith.muli %scan3A_406, %mul3A_415 : i32
      %add3A_417 = arith.constant 896 : i32
      %add3A_418 = arith.addi %add3A_417, %mul3A_416 : i32
      %get3A_419 = arith.index_cast %add3A_418 : i32 to index
      %get3A_420 = tpu.vector_load %arg8[%get3A_419] {strides = array<i32>} : memref<2688xf32, #tpu.memory_space<vmem>>, vector<16xf32>,
      %mul3A_421 = arith.mulf %get3A_420, %get3A_3 : vector<16xf32>
      %add3A_422 = arith.addf %mul3A_414, %mul3A_421 : vector<16xf32>
      %mul3A_423 = arith.constant 16 : i32
      %mul3A_424 = arith.muli %scan3A_406, %mul3A_423 : i32
      %add3A_425 = arith.constant 1792 : i32
      %add3A_426 = arith.addi %add3A_425, %mul3A_424 : i32
      %get3A_427 = arith.index_cast %add3A_426 : i32 to index
      %get3A_428 = tpu.vector_load %arg8[%get3A_427] {strides = array<i32>} : memref<2688xf32, #tpu.memory_space<vmem>>, vector<16xf32>,
      %mul3A_429 = arith.mulf %get3A_428, %get3A_5 : vector<16xf32>
      %add3A_430 = arith.addf %add3A_422, %mul3A_429 : vector<16xf32>
      %swap3A = arith.index_cast %mul3A_409 : i32 to index
      %swap3A_431 = tpu.vector_load %arg12[%swap3A] {strides = array<i32>} : memref<4096xf32, #tpu.memory_space<vmem>>, vector<16xf32>,
      tpu.vector_store %arg12[%swap3A], %add3A_430 {strides = array<i32>} : memref<4096xf32, #tpu.memory_space<vmem>>, vector<16xf32>,
      %scan3A_432 = arith.constant 0 : i32
      scf.yield %scan3A_432 : i32
    }
    %scan3A_58 = arith.constant 56 : i32
    "tpu.region"() ({
      %run_scoped3A = tpu.sem_alloc : memref<!tpu.dma_semaphore, #tpu.memory_space<semaphore_mem>>
      %dma_start3A_406 = arith.constant 0 : i32
      %dma_start3A_407 = tpu.memref_slice %arg12[%dma_start3A_406] : memref<4096xf32, #tpu.memory_space<vmem>> -> memref<896xf32, #tpu.memory_space<vmem>>
      %dma_start3A_408 = tpu.memref_slice %arg14[%add3A_47] : memref<100352xf32, #tpu.memory_space<vmem_shared>> -> memref<896xf32, #tpu.memory_space<vmem_shared>>
      %dma_start3A_409 = tpu.memref_slice %arg14[%add3A_47] : memref<100352xf32, #tpu.memory_space<vmem_shared>> -> memref<896xf32, #tpu.memory_space<vmem_shared>>
      %dma_start3A_410 = arith.constant 0 : i32
      %dma_start3A_411 = tpu.memref_slice %arg12[%dma_start3A_410] : memref<4096xf32, #tpu.memory_space<vmem>> -> memref<896xf32, #tpu.memory_space<vmem>>
      tpu.enqueue_dma source(%dma_start3A_411 : memref<896xf32, #tpu.memory_space<vmem>>) target(%dma_start3A_409 : memref<896xf32, #tpu.memory_space<vmem_shared>>) target_semaphore(%run_scoped3A : memref<!tpu.dma_semaphore, #tpu.memory_space<semaphore_mem>>)
      %dma_wait3A_412 = arith.constant 0 : i32
      %dma_wait3A_413 = tpu.memref_slice %arg12[%dma_wait3A_412] : memref<4096xf32, #tpu.memory_space<vmem>> -> memref<896xf32, #tpu.memory_space<vmem>>
      %dma_wait3A_414 = tpu.memref_slice %arg14[%add3A_47] : memref<100352xf32, #tpu.memory_space<vmem_shared>> -> memref<896xf32, #tpu.memory_space<vmem_shared>>
      %dma_wait3A_415 = tpu.memref_slice %arg14[%add3A_47] : memref<100352xf32, #tpu.memory_space<vmem_shared>> -> memref<896xf32, #tpu.memory_space<vmem_shared>>
      %dma_wait3A_416 = arith.constant 0 : i32
      %dma_wait3A_417 = tpu.memref_slice %arg12[%dma_wait3A_416] : memref<4096xf32, #tpu.memory_space<vmem>> -> memref<896xf32, #tpu.memory_space<vmem>>
      tpu.wait_dma2 semaphore(%run_scoped3A : memref<!tpu.dma_semaphore, #tpu.memory_space<semaphore_mem>>) src(%dma_wait3A_417 : memref<896xf32, #tpu.memory_space<vmem>>) dst(%dma_wait3A_415 : memref<896xf32, #tpu.memory_space<vmem_shared>>)
      tpu.yield
    }) : () -> ()
    %add3A_59 = arith.constant 3584 : i32
    %add3A_60 = arith.addi %mul3A_7, %add3A_59 : i32
    "tpu.region"() ({
      %run_scoped3A = tpu.sem_alloc : memref<!tpu.dma_semaphore, #tpu.memory_space<semaphore_mem>>
      %dma_start3A_406 = arith.constant 0 : i32
      %dma_start3A_407 = tpu.memref_slice %arg8[%dma_start3A_406] : memref<2688xf32, #tpu.memory_space<vmem>> -> memref<896xf32, #tpu.memory_space<vmem>>
      %dma_start3A_408 = tpu.memref_slice %arg4[%add3A_60] : memref<301056xf32, #tpu.memory_space<hbm>> -> memref<896xf32, #tpu.memory_space<hbm>>
      %dma_start3A_409 = arith.constant 0 : i32
      %dma_start3A_410 = tpu.memref_slice %arg8[%dma_start3A_409] : memref<2688xf32, #tpu.memory_space<vmem>> -> memref<896xf32, #tpu.memory_space<vmem>>
      %dma_start3A_411 = tpu.memref_slice %arg4[%add3A_60] : memref<301056xf32, #tpu.memory_space<hbm>> -> memref<896xf32, #tpu.memory_space<hbm>>
      tpu.enqueue_dma source(%dma_start3A_411 : memref<896xf32, #tpu.memory_space<hbm>>) target(%dma_start3A_410 : memref<896xf32, #tpu.memory_space<vmem>>) target_semaphore(%run_scoped3A : memref<!tpu.dma_semaphore, #tpu.memory_space<semaphore_mem>>)
      %dma_wait3A_412 = arith.constant 0 : i32
      %dma_wait3A_413 = tpu.memref_slice %arg8[%dma_wait3A_412] : memref<2688xf32, #tpu.memory_space<vmem>> -> memref<896xf32, #tpu.memory_space<vmem>>
      %dma_wait3A_414 = tpu.memref_slice %arg4[%add3A_60] : memref<301056xf32, #tpu.memory_space<hbm>> -> memref<896xf32, #tpu.memory_space<hbm>>
      %dma_wait3A_415 = arith.constant 0 : i32
      %dma_wait3A_416 = tpu.memref_slice %arg8[%dma_wait3A_415] : memref<2688xf32, #tpu.memory_space<vmem>> -> memref<896xf32, #tpu.memory_space<vmem>>
      %dma_wait3A_417 = tpu.memref_slice %arg4[%add3A_60] : memref<301056xf32, #tpu.memory_space<hbm>> -> memref<896xf32, #tpu.memory_space<hbm>>
      tpu.wait_dma2 semaphore(%run_scoped3A : memref<!tpu.dma_semaphore, #tpu.memory_space<semaphore_mem>>) src(%dma_wait3A_417 : memref<896xf32, #tpu.memory_space<hbm>>) dst(%dma_wait3A_416 : memref<896xf32, #tpu.memory_space<vmem>>)
      tpu.yield
    }) : () -> ()
    %add3A_61 = arith.constant 100352 : i32
    %add3A_62 = arith.addi %add3A_61, %add3A_60 : i32
    "tpu.region"() ({
      %run_scoped3A = tpu.sem_alloc : memref<!tpu.dma_semaphore, #tpu.memory_space<semaphore_mem>>
      %dma_start3A_406 = arith.constant 896 : i32
      %dma_start3A_407 = tpu.memref_slice %arg8[%dma_start3A_406] : memref<2688xf32, #tpu.memory_space<vmem>> -> memref<896xf32, #tpu.memory_space<vmem>>
      %dma_start3A_408 = tpu.memref_slice %arg4[%add3A_62] : memref<301056xf32, #tpu.memory_space<hbm>> -> memref<896xf32, #tpu.memory_space<hbm>>
      %dma_start3A_409 = arith.constant 896 : i32
      %dma_start3A_410 = tpu.memref_slice %arg8[%dma_start3A_409] : memref<2688xf32, #tpu.memory_space<vmem>> -> memref<896xf32, #tpu.memory_space<vmem>>
      %dma_start3A_411 = tpu.memref_slice %arg4[%add3A_62] : memref<301056xf32, #tpu.memory_space<hbm>> -> memref<896xf32, #tpu.memory_space<hbm>>
      tpu.enqueue_dma source(%dma_start3A_411 : memref<896xf32, #tpu.memory_space<hbm>>) target(%dma_start3A_410 : memref<896xf32, #tpu.memory_space<vmem>>) target_semaphore(%run_scoped3A : memref<!tpu.dma_semaphore, #tpu.memory_space<semaphore_mem>>)
      %dma_wait3A_412 = arith.constant 896 : i32
      %dma_wait3A_413 = tpu.memref_slice %arg8[%dma_wait3A_412] : memref<2688xf32, #tpu.memory_space<vmem>> -> memref<896xf32, #tpu.memory_space<vmem>>
      %dma_wait3A_414 = tpu.memref_slice %arg4[%add3A_62] : memref<301056xf32, #tpu.memory_space<hbm>> -> memref<896xf32, #tpu.memory_space<hbm>>
      %dma_wait3A_415 = arith.constant 896 : i32
      %dma_wait3A_416 = tpu.memref_slice %arg8[%dma_wait3A_415] : memref<2688xf32, #tpu.memory_space<vmem>> -> memref<896xf32, #tpu.memory_space<vmem>>
      %dma_wait3A_417 = tpu.memref_slice %arg4[%add3A_62] : memref<301056xf32, #tpu.memory_space<hbm>> -> memref<896xf32, #tpu.memory_space<hbm>>
      tpu.wait_dma2 semaphore(%run_scoped3A : memref<!tpu.dma_semaphore, #tpu.memory_space<semaphore_mem>>) src(%dma_wait3A_417 : memref<896xf32, #tpu.memory_space<hbm>>) dst(%dma_wait3A_416 : memref<896xf32, #tpu.memory_space<vmem>>)
      tpu.yield
    }) : () -> ()
    %add3A_63 = arith.constant 200704 : i32
    %add3A_64 = arith.addi %add3A_63, %add3A_60 : i32
    "tpu.region"() ({
      %run_scoped3A = tpu.sem_alloc : memref<!tpu.dma_semaphore, #tpu.memory_space<semaphore_mem>>
      %dma_start3A_406 = arith.constant 1792 : i32
      %dma_start3A_407 = tpu.memref_slice %arg8[%dma_start3A_406] : memref<2688xf32, #tpu.memory_space<vmem>> -> memref<896xf32, #tpu.memory_space<vmem>>
      %dma_start3A_408 = tpu.memref_slice %arg4[%add3A_64] : memref<301056xf32, #tpu.memory_space<hbm>> -> memref<896xf32, #tpu.memory_space<hbm>>
      %dma_start3A_409 = arith.constant 1792 : i32
      %dma_start3A_410 = tpu.memref_slice %arg8[%dma_start3A_409] : memref<2688xf32, #tpu.memory_space<vmem>> -> memref<896xf32, #tpu.memory_space<vmem>>
      %dma_start3A_411 = tpu.memref_slice %arg4[%add3A_64] : memref<301056xf32, #tpu.memory_space<hbm>> -> memref<896xf32, #tpu.memory_space<hbm>>
      tpu.enqueue_dma source(%dma_start3A_411 : memref<896xf32, #tpu.memory_space<hbm>>) target(%dma_start3A_410 : memref<896xf32, #tpu.memory_space<vmem>>) target_semaphore(%run_scoped3A : memref<!tpu.dma_semaphore, #tpu.memory_space<semaphore_mem>>)
      %dma_wait3A_412 = arith.constant 1792 : i32
      %dma_wait3A_413 = tpu.memref_slice %arg8[%dma_wait3A_412] : memref<2688xf32, #tpu.memory_space<vmem>> -> memref<896xf32, #tpu.memory_space<vmem>>
      %dma_wait3A_414 = tpu.memref_slice %arg4[%add3A_64] : memref<301056xf32, #tpu.memory_space<hbm>> -> memref<896xf32, #tpu.memory_space<hbm>>
      %dma_wait3A_415 = arith.constant 1792 : i32
      %dma_wait3A_416 = tpu.memref_slice %arg8[%dma_wait3A_415] : memref<2688xf32, #tpu.memory_space<vmem>> -> memref<896xf32, #tpu.memory_space<vmem>>
      %dma_wait3A_417 = tpu.memref_slice %arg4[%add3A_64] : memref<301056xf32, #tpu.memory_space<hbm>> -> memref<896xf32, #tpu.memory_space<hbm>>
      tpu.wait_dma2 semaphore(%run_scoped3A : memref<!tpu.dma_semaphore, #tpu.memory_space<semaphore_mem>>) src(%dma_wait3A_417 : memref<896xf32, #tpu.memory_space<hbm>>) dst(%dma_wait3A_416 : memref<896xf32, #tpu.memory_space<vmem>>)
      tpu.yield
    }) : () -> ()
    %scan3A_65 = arith.constant 0 : i32
    %scan3A_66 = arith.constant 0 : i32
    %scan3A_67 = arith.constant 56 : i32
    %scan3A_68 = arith.addi %scan3A_66, %scan3A_67 : i32
    %scan3A_69 = arith.constant 1 : i32
    %scan3A_70 = scf.for %scan3A_406 = %scan3A_66 to %scan3A_68 step %scan3A_69 iter_args(%scan3A_407 = %scan3A_65) -> (i32)  : i32 {
      %mul3A_408 = arith.constant 16 : i32
      %mul3A_409 = arith.muli %scan3A_406, %mul3A_408 : i32
      %mul3A_410 = arith.constant 16 : i32
      %mul3A_411 = arith.muli %scan3A_406, %mul3A_410 : i32
      %get3A_412 = arith.index_cast %mul3A_411 : i32 to index
      %get3A_413 = tpu.vector_load %arg8[%get3A_412] {strides = array<i32>} : memref<2688xf32, #tpu.memory_space<vmem>>, vector<16xf32>,
      %mul3A_414 = arith.mulf %get3A_413, %get3A_1 : vector<16xf32>
      %mul3A_415 = arith.constant 16 : i32
      %mul3A_416 = arith.muli %scan3A_406, %mul3A_415 : i32
      %add3A_417 = arith.constant 896 : i32
      %add3A_418 = arith.addi %add3A_417, %mul3A_416 : i32
      %get3A_419 = arith.index_cast %add3A_418 : i32 to index
      %get3A_420 = tpu.vector_load %arg8[%get3A_419] {strides = array<i32>} : memref<2688xf32, #tpu.memory_space<vmem>>, vector<16xf32>,
      %mul3A_421 = arith.mulf %get3A_420, %get3A_3 : vector<16xf32>
      %add3A_422 = arith.addf %mul3A_414, %mul3A_421 : vector<16xf32>
      %mul3A_423 = arith.constant 16 : i32
      %mul3A_424 = arith.muli %scan3A_406, %mul3A_423 : i32
      %add3A_425 = arith.constant 1792 : i32
      %add3A_426 = arith.addi %add3A_425, %mul3A_424 : i32
      %get3A_427 = arith.index_cast %add3A_426 : i32 to index
      %get3A_428 = tpu.vector_load %arg8[%get3A_427] {strides = array<i32>} : memref<2688xf32, #tpu.memory_space<vmem>>, vector<16xf32>,
      %mul3A_429 = arith.mulf %get3A_428, %get3A_5 : vector<16xf32>
      %add3A_430 = arith.addf %add3A_422, %mul3A_429 : vector<16xf32>
      %swap3A = arith.index_cast %mul3A_409 : i32 to index
      %swap3A_431 = tpu.vector_load %arg12[%swap3A] {strides = array<i32>} : memref<4096xf32, #tpu.memory_space<vmem>>, vector<16xf32>,
      tpu.vector_store %arg12[%swap3A], %add3A_430 {strides = array<i32>} : memref<4096xf32, #tpu.memory_space<vmem>>, vector<16xf32>,
      %scan3A_432 = arith.constant 0 : i32
      scf.yield %scan3A_432 : i32
    }
    %scan3A_71 = arith.constant 56 : i32
    "tpu.region"() ({
      %run_scoped3A = tpu.sem_alloc : memref<!tpu.dma_semaphore, #tpu.memory_space<semaphore_mem>>
      %dma_start3A_406 = arith.constant 0 : i32
      %dma_start3A_407 = tpu.memref_slice %arg12[%dma_start3A_406] : memref<4096xf32, #tpu.memory_space<vmem>> -> memref<896xf32, #tpu.memory_space<vmem>>
      %dma_start3A_408 = tpu.memref_slice %arg14[%add3A_60] : memref<100352xf32, #tpu.memory_space<vmem_shared>> -> memref<896xf32, #tpu.memory_space<vmem_shared>>
      %dma_start3A_409 = tpu.memref_slice %arg14[%add3A_60] : memref<100352xf32, #tpu.memory_space<vmem_shared>> -> memref<896xf32, #tpu.memory_space<vmem_shared>>
      %dma_start3A_410 = arith.constant 0 : i32
      %dma_start3A_411 = tpu.memref_slice %arg12[%dma_start3A_410] : memref<4096xf32, #tpu.memory_space<vmem>> -> memref<896xf32, #tpu.memory_space<vmem>>
      tpu.enqueue_dma source(%dma_start3A_411 : memref<896xf32, #tpu.memory_space<vmem>>) target(%dma_start3A_409 : memref<896xf32, #tpu.memory_space<vmem_shared>>) target_semaphore(%run_scoped3A : memref<!tpu.dma_semaphore, #tpu.memory_space<semaphore_mem>>)
      %dma_wait3A_412 = arith.constant 0 : i32
      %dma_wait3A_413 = tpu.memref_slice %arg12[%dma_wait3A_412] : memref<4096xf32, #tpu.memory_space<vmem>> -> memref<896xf32, #tpu.memory_space<vmem>>
      %dma_wait3A_414 = tpu.memref_slice %arg14[%add3A_60] : memref<100352xf32, #tpu.memory_space<vmem_shared>> -> memref<896xf32, #tpu.memory_space<vmem_shared>>
      %dma_wait3A_415 = tpu.memref_slice %arg14[%add3A_60] : memref<100352xf32, #tpu.memory_space<vmem_shared>> -> memref<896xf32, #tpu.memory_space<vmem_shared>>
      %dma_wait3A_416 = arith.constant 0 : i32
      %dma_wait3A_417 = tpu.memref_slice %arg12[%dma_wait3A_416] : memref<4096xf32, #tpu.memory_space<vmem>> -> memref<896xf32, #tpu.memory_space<vmem>>
      tpu.wait_dma2 semaphore(%run_scoped3A : memref<!tpu.dma_semaphore, #tpu.memory_space<semaphore_mem>>) src(%dma_wait3A_417 : memref<896xf32, #tpu.memory_space<vmem>>) dst(%dma_wait3A_415 : memref<896xf32, #tpu.memory_space<vmem_shared>>)
      tpu.yield
    }) : () -> ()
    %add3A_72 = arith.constant 4480 : i32
    %add3A_73 = arith.addi %mul3A_7, %add3A_72 : i32
    "tpu.region"() ({
      %run_scoped3A = tpu.sem_alloc : memref<!tpu.dma_semaphore, #tpu.memory_space<semaphore_mem>>
      %dma_start3A_406 = arith.constant 0 : i32
      %dma_start3A_407 = tpu.memref_slice %arg8[%dma_start3A_406] : memref<2688xf32, #tpu.memory_space<vmem>> -> memref<896xf32, #tpu.memory_space<vmem>>
      %dma_start3A_408 = tpu.memref_slice %arg4[%add3A_73] : memref<301056xf32, #tpu.memory_space<hbm>> -> memref<896xf32, #tpu.memory_space<hbm>>
      %dma_start3A_409 = arith.constant 0 : i32
      %dma_start3A_410 = tpu.memref_slice %arg8[%dma_start3A_409] : memref<2688xf32, #tpu.memory_space<vmem>> -> memref<896xf32, #tpu.memory_space<vmem>>
      %dma_start3A_411 = tpu.memref_slice %arg4[%add3A_73] : memref<301056xf32, #tpu.memory_space<hbm>> -> memref<896xf32, #tpu.memory_space<hbm>>
      tpu.enqueue_dma source(%dma_start3A_411 : memref<896xf32, #tpu.memory_space<hbm>>) target(%dma_start3A_410 : memref<896xf32, #tpu.memory_space<vmem>>) target_semaphore(%run_scoped3A : memref<!tpu.dma_semaphore, #tpu.memory_space<semaphore_mem>>)
      %dma_wait3A_412 = arith.constant 0 : i32
      %dma_wait3A_413 = tpu.memref_slice %arg8[%dma_wait3A_412] : memref<2688xf32, #tpu.memory_space<vmem>> -> memref<896xf32, #tpu.memory_space<vmem>>
      %dma_wait3A_414 = tpu.memref_slice %arg4[%add3A_73] : memref<301056xf32, #tpu.memory_space<hbm>> -> memref<896xf32, #tpu.memory_space<hbm>>
      %dma_wait3A_415 = arith.constant 0 : i32
      %dma_wait3A_416 = tpu.memref_slice %arg8[%dma_wait3A_415] : memref<2688xf32, #tpu.memory_space<vmem>> -> memref<896xf32, #tpu.memory_space<vmem>>
      %dma_wait3A_417 = tpu.memref_slice %arg4[%add3A_73] : memref<301056xf32, #tpu.memory_space<hbm>> -> memref<896xf32, #tpu.memory_space<hbm>>
      tpu.wait_dma2 semaphore(%run_scoped3A : memref<!tpu.dma_semaphore, #tpu.memory_space<semaphore_mem>>) src(%dma_wait3A_417 : memref<896xf32, #tpu.memory_space<hbm>>) dst(%dma_wait3A_416 : memref<896xf32, #tpu.memory_space<vmem>>)
      tpu.yield
    }) : () -> ()
    %add3A_74 = arith.constant 100352 : i32
    %add3A_75 = arith.addi %add3A_74, %add3A_73 : i32
    "tpu.region"() ({
      %run_scoped3A = tpu.sem_alloc : memref<!tpu.dma_semaphore, #tpu.memory_space<semaphore_mem>>
      %dma_start3A_406 = arith.constant 896 : i32
      %dma_start3A_407 = tpu.memref_slice %arg8[%dma_start3A_406] : memref<2688xf32, #tpu.memory_space<vmem>> -> memref<896xf32, #tpu.memory_space<vmem>>
      %dma_start3A_408 = tpu.memref_slice %arg4[%add3A_75] : memref<301056xf32, #tpu.memory_space<hbm>> -> memref<896xf32, #tpu.memory_space<hbm>>
      %dma_start3A_409 = arith.constant 896 : i32
      %dma_start3A_410 = tpu.memref_slice %arg8[%dma_start3A_409] : memref<2688xf32, #tpu.memory_space<vmem>> -> memref<896xf32, #tpu.memory_space<vmem>>
      %dma_start3A_411 = tpu.memref_slice %arg4[%add3A_75] : memref<301056xf32, #tpu.memory_space<hbm>> -> memref<896xf32, #tpu.memory_space<hbm>>
      tpu.enqueue_dma source(%dma_start3A_411 : memref<896xf32, #tpu.memory_space<hbm>>) target(%dma_start3A_410 : memref<896xf32, #tpu.memory_space<vmem>>) target_semaphore(%run_scoped3A : memref<!tpu.dma_semaphore, #tpu.memory_space<semaphore_mem>>)
      %dma_wait3A_412 = arith.constant 896 : i32
      %dma_wait3A_413 = tpu.memref_slice %arg8[%dma_wait3A_412] : memref<2688xf32, #tpu.memory_space<vmem>> -> memref<896xf32, #tpu.memory_space<vmem>>
      %dma_wait3A_414 = tpu.memref_slice %arg4[%add3A_75] : memref<301056xf32, #tpu.memory_space<hbm>> -> memref<896xf32, #tpu.memory_space<hbm>>
      %dma_wait3A_415 = arith.constant 896 : i32
      %dma_wait3A_416 = tpu.memref_slice %arg8[%dma_wait3A_415] : memref<2688xf32, #tpu.memory_space<vmem>> -> memref<896xf32, #tpu.memory_space<vmem>>
      %dma_wait3A_417 = tpu.memref_slice %arg4[%add3A_75] : memref<301056xf32, #tpu.memory_space<hbm>> -> memref<896xf32, #tpu.memory_space<hbm>>
      tpu.wait_dma2 semaphore(%run_scoped3A : memref<!tpu.dma_semaphore, #tpu.memory_space<semaphore_mem>>) src(%dma_wait3A_417 : memref<896xf32, #tpu.memory_space<hbm>>) dst(%dma_wait3A_416 : memref<896xf32, #tpu.memory_space<vmem>>)
      tpu.yield
    }) : () -> ()
    %add3A_76 = arith.constant 200704 : i32
    %add3A_77 = arith.addi %add3A_76, %add3A_73 : i32
    "tpu.region"() ({
      %run_scoped3A = tpu.sem_alloc : memref<!tpu.dma_semaphore, #tpu.memory_space<semaphore_mem>>
      %dma_start3A_406 = arith.constant 1792 : i32
      %dma_start3A_407 = tpu.memref_slice %arg8[%dma_start3A_406] : memref<2688xf32, #tpu.memory_space<vmem>> -> memref<896xf32, #tpu.memory_space<vmem>>
      %dma_start3A_408 = tpu.memref_slice %arg4[%add3A_77] : memref<301056xf32, #tpu.memory_space<hbm>> -> memref<896xf32, #tpu.memory_space<hbm>>
      %dma_start3A_409 = arith.constant 1792 : i32
      %dma_start3A_410 = tpu.memref_slice %arg8[%dma_start3A_409] : memref<2688xf32, #tpu.memory_space<vmem>> -> memref<896xf32, #tpu.memory_space<vmem>>
      %dma_start3A_411 = tpu.memref_slice %arg4[%add3A_77] : memref<301056xf32, #tpu.memory_space<hbm>> -> memref<896xf32, #tpu.memory_space<hbm>>
      tpu.enqueue_dma source(%dma_start3A_411 : memref<896xf32, #tpu.memory_space<hbm>>) target(%dma_start3A_410 : memref<896xf32, #tpu.memory_space<vmem>>) target_semaphore(%run_scoped3A : memref<!tpu.dma_semaphore, #tpu.memory_space<semaphore_mem>>)
      %dma_wait3A_412 = arith.constant 1792 : i32
      %dma_wait3A_413 = tpu.memref_slice %arg8[%dma_wait3A_412] : memref<2688xf32, #tpu.memory_space<vmem>> -> memref<896xf32, #tpu.memory_space<vmem>>
      %dma_wait3A_414 = tpu.memref_slice %arg4[%add3A_77] : memref<301056xf32, #tpu.memory_space<hbm>> -> memref<896xf32, #tpu.memory_space<hbm>>
      %dma_wait3A_415 = arith.constant 1792 : i32
      %dma_wait3A_416 = tpu.memref_slice %arg8[%dma_wait3A_415] : memref<2688xf32, #tpu.memory_space<vmem>> -> memref<896xf32, #tpu.memory_space<vmem>>
      %dma_wait3A_417 = tpu.memref_slice %arg4[%add3A_77] : memref<301056xf32, #tpu.memory_space<hbm>> -> memref<896xf32, #tpu.memory_space<hbm>>
      tpu.wait_dma2 semaphore(%run_scoped3A : memref<!tpu.dma_semaphore, #tpu.memory_space<semaphore_mem>>) src(%dma_wait3A_417 : memref<896xf32, #tpu.memory_space<hbm>>) dst(%dma_wait3A_416 : memref<896xf32, #tpu.memory_space<vmem>>)
      tpu.yield
    }) : () -> ()
    %scan3A_78 = arith.constant 0 : i32
    %scan3A_79 = arith.constant 0 : i32
    %scan3A_80 = arith.constant 56 : i32
    %scan3A_81 = arith.addi %scan3A_79, %scan3A_80 : i32
    %scan3A_82 = arith.constant 1 : i32
    %scan3A_83 = scf.for %scan3A_406 = %scan3A_79 to %scan3A_81 step %scan3A_82 iter_args(%scan3A_407 = %scan3A_78) -> (i32)  : i32 {
      %mul3A_408 = arith.constant 16 : i32
      %mul3A_409 = arith.muli %scan3A_406, %mul3A_408 : i32
      %mul3A_410 = arith.constant 16 : i32
      %mul3A_411 = arith.muli %scan3A_406, %mul3A_410 : i32
      %get3A_412 = arith.index_cast %mul3A_411 : i32 to index
      %get3A_413 = tpu.vector_load %arg8[%get3A_412] {strides = array<i32>} : memref<2688xf32, #tpu.memory_space<vmem>>, vector<16xf32>,
      %mul3A_414 = arith.mulf %get3A_413, %get3A_1 : vector<16xf32>
      %mul3A_415 = arith.constant 16 : i32
      %mul3A_416 = arith.muli %scan3A_406, %mul3A_415 : i32
      %add3A_417 = arith.constant 896 : i32
      %add3A_418 = arith.addi %add3A_417, %mul3A_416 : i32
      %get3A_419 = arith.index_cast %add3A_418 : i32 to index
      %get3A_420 = tpu.vector_load %arg8[%get3A_419] {strides = array<i32>} : memref<2688xf32, #tpu.memory_space<vmem>>, vector<16xf32>,
      %mul3A_421 = arith.mulf %get3A_420, %get3A_3 : vector<16xf32>
      %add3A_422 = arith.addf %mul3A_414, %mul3A_421 : vector<16xf32>
      %mul3A_423 = arith.constant 16 : i32
      %mul3A_424 = arith.muli %scan3A_406, %mul3A_423 : i32
      %add3A_425 = arith.constant 1792 : i32
      %add3A_426 = arith.addi %add3A_425, %mul3A_424 : i32
      %get3A_427 = arith.index_cast %add3A_426 : i32 to index
      %get3A_428 = tpu.vector_load %arg8[%get3A_427] {strides = array<i32>} : memref<2688xf32, #tpu.memory_space<vmem>>, vector<16xf32>,
      %mul3A_429 = arith.mulf %get3A_428, %get3A_5 : vector<16xf32>
      %add3A_430 = arith.addf %add3A_422, %mul3A_429 : vector<16xf32>
      %swap3A = arith.index_cast %mul3A_409 : i32 to index
      %swap3A_431 = tpu.vector_load %arg12[%swap3A] {strides = array<i32>} : memref<4096xf32, #tpu.memory_space<vmem>>, vector<16xf32>,
      tpu.vector_store %arg12[%swap3A], %add3A_430 {strides = array<i32>} : memref<4096xf32, #tpu.memory_space<vmem>>, vector<16xf32>,
      %scan3A_432 = arith.constant 0 : i32
      scf.yield %scan3A_432 : i32
    }
    %scan3A_84 = arith.constant 56 : i32
    "tpu.region"() ({
      %run_scoped3A = tpu.sem_alloc : memref<!tpu.dma_semaphore, #tpu.memory_space<semaphore_mem>>
      %dma_start3A_406 = arith.constant 0 : i32
      %dma_start3A_407 = tpu.memref_slice %arg12[%dma_start3A_406] : memref<4096xf32, #tpu.memory_space<vmem>> -> memref<896xf32, #tpu.memory_space<vmem>>
      %dma_start3A_408 = tpu.memref_slice %arg14[%add3A_73] : memref<100352xf32, #tpu.memory_space<vmem_shared>> -> memref<896xf32, #tpu.memory_space<vmem_shared>>
      %dma_start3A_409 = tpu.memref_slice %arg14[%add3A_73] : memref<100352xf32, #tpu.memory_space<vmem_shared>> -> memref<896xf32, #tpu.memory_space<vmem_shared>>
      %dma_start3A_410 = arith.constant 0 : i32
      %dma_start3A_411 = tpu.memref_slice %arg12[%dma_start3A_410] : memref<4096xf32, #tpu.memory_space<vmem>> -> memref<896xf32, #tpu.memory_space<vmem>>
      tpu.enqueue_dma source(%dma_start3A_411 : memref<896xf32, #tpu.memory_space<vmem>>) target(%dma_start3A_409 : memref<896xf32, #tpu.memory_space<vmem_shared>>) target_semaphore(%run_scoped3A : memref<!tpu.dma_semaphore, #tpu.memory_space<semaphore_mem>>)
      %dma_wait3A_412 = arith.constant 0 : i32
      %dma_wait3A_413 = tpu.memref_slice %arg12[%dma_wait3A_412] : memref<4096xf32, #tpu.memory_space<vmem>> -> memref<896xf32, #tpu.memory_space<vmem>>
      %dma_wait3A_414 = tpu.memref_slice %arg14[%add3A_73] : memref<100352xf32, #tpu.memory_space<vmem_shared>> -> memref<896xf32, #tpu.memory_space<vmem_shared>>
      %dma_wait3A_415 = tpu.memref_slice %arg14[%add3A_73] : memref<100352xf32, #tpu.memory_space<vmem_shared>> -> memref<896xf32, #tpu.memory_space<vmem_shared>>
      %dma_wait3A_416 = arith.constant 0 : i32
      %dma_wait3A_417 = tpu.memref_slice %arg12[%dma_wait3A_416] : memref<4096xf32, #tpu.memory_space<vmem>> -> memref<896xf32, #tpu.memory_space<vmem>>
      tpu.wait_dma2 semaphore(%run_scoped3A : memref<!tpu.dma_semaphore, #tpu.memory_space<semaphore_mem>>) src(%dma_wait3A_417 : memref<896xf32, #tpu.memory_space<vmem>>) dst(%dma_wait3A_415 : memref<896xf32, #tpu.memory_space<vmem_shared>>)
      tpu.yield
    }) : () -> ()
    %add3A_85 = arith.constant 5376 : i32
    %add3A_86 = arith.addi %mul3A_7, %add3A_85 : i32
    "tpu.region"() ({
      %run_scoped3A = tpu.sem_alloc : memref<!tpu.dma_semaphore, #tpu.memory_space<semaphore_mem>>
      %dma_start3A_406 = arith.constant 0 : i32
      %dma_start3A_407 = tpu.memref_slice %arg8[%dma_start3A_406] : memref<2688xf32, #tpu.memory_space<vmem>> -> memref<896xf32, #tpu.memory_space<vmem>>
      %dma_start3A_408 = tpu.memref_slice %arg4[%add3A_86] : memref<301056xf32, #tpu.memory_space<hbm>> -> memref<896xf32, #tpu.memory_space<hbm>>
      %dma_start3A_409 = arith.constant 0 : i32
      %dma_start3A_410 = tpu.memref_slice %arg8[%dma_start3A_409] : memref<2688xf32, #tpu.memory_space<vmem>> -> memref<896xf32, #tpu.memory_space<vmem>>
      %dma_start3A_411 = tpu.memref_slice %arg4[%add3A_86] : memref<301056xf32, #tpu.memory_space<hbm>> -> memref<896xf32, #tpu.memory_space<hbm>>
      tpu.enqueue_dma source(%dma_start3A_411 : memref<896xf32, #tpu.memory_space<hbm>>) target(%dma_start3A_410 : memref<896xf32, #tpu.memory_space<vmem>>) target_semaphore(%run_scoped3A : memref<!tpu.dma_semaphore, #tpu.memory_space<semaphore_mem>>)
      %dma_wait3A_412 = arith.constant 0 : i32
      %dma_wait3A_413 = tpu.memref_slice %arg8[%dma_wait3A_412] : memref<2688xf32, #tpu.memory_space<vmem>> -> memref<896xf32, #tpu.memory_space<vmem>>
      %dma_wait3A_414 = tpu.memref_slice %arg4[%add3A_86] : memref<301056xf32, #tpu.memory_space<hbm>> -> memref<896xf32, #tpu.memory_space<hbm>>
      %dma_wait3A_415 = arith.constant 0 : i32
      %dma_wait3A_416 = tpu.memref_slice %arg8[%dma_wait3A_415] : memref<2688xf32, #tpu.memory_space<vmem>> -> memref<896xf32, #tpu.memory_space<vmem>>
      %dma_wait3A_417 = tpu.memref_slice %arg4[%add3A_86] : memref<301056xf32, #tpu.memory_space<hbm>> -> memref<896xf32, #tpu.memory_space<hbm>>
      tpu.wait_dma2 semaphore(%run_scoped3A : memref<!tpu.dma_semaphore, #tpu.memory_space<semaphore_mem>>) src(%dma_wait3A_417 : memref<896xf32, #tpu.memory_space<hbm>>) dst(%dma_wait3A_416 : memref<896xf32, #tpu.memory_space<vmem>>)
      tpu.yield
    }) : () -> ()
    %add3A_87 = arith.constant 100352 : i32
    %add3A_88 = arith.addi %add3A_87, %add3A_86 : i32
    "tpu.region"() ({
      %run_scoped3A = tpu.sem_alloc : memref<!tpu.dma_semaphore, #tpu.memory_space<semaphore_mem>>
      %dma_start3A_406 = arith.constant 896 : i32
      %dma_start3A_407 = tpu.memref_slice %arg8[%dma_start3A_406] : memref<2688xf32, #tpu.memory_space<vmem>> -> memref<896xf32, #tpu.memory_space<vmem>>
      %dma_start3A_408 = tpu.memref_slice %arg4[%add3A_88] : memref<301056xf32, #tpu.memory_space<hbm>> -> memref<896xf32, #tpu.memory_space<hbm>>
      %dma_start3A_409 = arith.constant 896 : i32
      %dma_start3A_410 = tpu.memref_slice %arg8[%dma_start3A_409] : memref<2688xf32, #tpu.memory_space<vmem>> -> memref<896xf32, #tpu.memory_space<vmem>>
      %dma_start3A_411 = tpu.memref_slice %arg4[%add3A_88] : memref<301056xf32, #tpu.memory_space<hbm>> -> memref<896xf32, #tpu.memory_space<hbm>>
      tpu.enqueue_dma source(%dma_start3A_411 : memref<896xf32, #tpu.memory_space<hbm>>) target(%dma_start3A_410 : memref<896xf32, #tpu.memory_space<vmem>>) target_semaphore(%run_scoped3A : memref<!tpu.dma_semaphore, #tpu.memory_space<semaphore_mem>>)
      %dma_wait3A_412 = arith.constant 896 : i32
      %dma_wait3A_413 = tpu.memref_slice %arg8[%dma_wait3A_412] : memref<2688xf32, #tpu.memory_space<vmem>> -> memref<896xf32, #tpu.memory_space<vmem>>
      %dma_wait3A_414 = tpu.memref_slice %arg4[%add3A_88] : memref<301056xf32, #tpu.memory_space<hbm>> -> memref<896xf32, #tpu.memory_space<hbm>>
      %dma_wait3A_415 = arith.constant 896 : i32
      %dma_wait3A_416 = tpu.memref_slice %arg8[%dma_wait3A_415] : memref<2688xf32, #tpu.memory_space<vmem>> -> memref<896xf32, #tpu.memory_space<vmem>>
      %dma_wait3A_417 = tpu.memref_slice %arg4[%add3A_88] : memref<301056xf32, #tpu.memory_space<hbm>> -> memref<896xf32, #tpu.memory_space<hbm>>
      tpu.wait_dma2 semaphore(%run_scoped3A : memref<!tpu.dma_semaphore, #tpu.memory_space<semaphore_mem>>) src(%dma_wait3A_417 : memref<896xf32, #tpu.memory_space<hbm>>) dst(%dma_wait3A_416 : memref<896xf32, #tpu.memory_space<vmem>>)
      tpu.yield
    }) : () -> ()
    %add3A_89 = arith.constant 200704 : i32
    %add3A_90 = arith.addi %add3A_89, %add3A_86 : i32
    "tpu.region"() ({
      %run_scoped3A = tpu.sem_alloc : memref<!tpu.dma_semaphore, #tpu.memory_space<semaphore_mem>>
      %dma_start3A_406 = arith.constant 1792 : i32
      %dma_start3A_407 = tpu.memref_slice %arg8[%dma_start3A_406] : memref<2688xf32, #tpu.memory_space<vmem>> -> memref<896xf32, #tpu.memory_space<vmem>>
      %dma_start3A_408 = tpu.memref_slice %arg4[%add3A_90] : memref<301056xf32, #tpu.memory_space<hbm>> -> memref<896xf32, #tpu.memory_space<hbm>>
      %dma_start3A_409 = arith.constant 1792 : i32
      %dma_start3A_410 = tpu.memref_slice %arg8[%dma_start3A_409] : memref<2688xf32, #tpu.memory_space<vmem>> -> memref<896xf32, #tpu.memory_space<vmem>>
      %dma_start3A_411 = tpu.memref_slice %arg4[%add3A_90] : memref<301056xf32, #tpu.memory_space<hbm>> -> memref<896xf32, #tpu.memory_space<hbm>>
      tpu.enqueue_dma source(%dma_start3A_411 : memref<896xf32, #tpu.memory_space<hbm>>) target(%dma_start3A_410 : memref<896xf32, #tpu.memory_space<vmem>>) target_semaphore(%run_scoped3A : memref<!tpu.dma_semaphore, #tpu.memory_space<semaphore_mem>>)
      %dma_wait3A_412 = arith.constant 1792 : i32
      %dma_wait3A_413 = tpu.memref_slice %arg8[%dma_wait3A_412] : memref<2688xf32, #tpu.memory_space<vmem>> -> memref<896xf32, #tpu.memory_space<vmem>>
      %dma_wait3A_414 = tpu.memref_slice %arg4[%add3A_90] : memref<301056xf32, #tpu.memory_space<hbm>> -> memref<896xf32, #tpu.memory_space<hbm>>
      %dma_wait3A_415 = arith.constant 1792 : i32
      %dma_wait3A_416 = tpu.memref_slice %arg8[%dma_wait3A_415] : memref<2688xf32, #tpu.memory_space<vmem>> -> memref<896xf32, #tpu.memory_space<vmem>>
      %dma_wait3A_417 = tpu.memref_slice %arg4[%add3A_90] : memref<301056xf32, #tpu.memory_space<hbm>> -> memref<896xf32, #tpu.memory_space<hbm>>
      tpu.wait_dma2 semaphore(%run_scoped3A : memref<!tpu.dma_semaphore, #tpu.memory_space<semaphore_mem>>) src(%dma_wait3A_417 : memref<896xf32, #tpu.memory_space<hbm>>) dst(%dma_wait3A_416 : memref<896xf32, #tpu.memory_space<vmem>>)
      tpu.yield
    }) : () -> ()
    %scan3A_91 = arith.constant 0 : i32
    %scan3A_92 = arith.constant 0 : i32
    %scan3A_93 = arith.constant 56 : i32
    %scan3A_94 = arith.addi %scan3A_92, %scan3A_93 : i32
    %scan3A_95 = arith.constant 1 : i32
    %scan3A_96 = scf.for %scan3A_406 = %scan3A_92 to %scan3A_94 step %scan3A_95 iter_args(%scan3A_407 = %scan3A_91) -> (i32)  : i32 {
      %mul3A_408 = arith.constant 16 : i32
      %mul3A_409 = arith.muli %scan3A_406, %mul3A_408 : i32
      %mul3A_410 = arith.constant 16 : i32
      %mul3A_411 = arith.muli %scan3A_406, %mul3A_410 : i32
      %get3A_412 = arith.index_cast %mul3A_411 : i32 to index
      %get3A_413 = tpu.vector_load %arg8[%get3A_412] {strides = array<i32>} : memref<2688xf32, #tpu.memory_space<vmem>>, vector<16xf32>,
      %mul3A_414 = arith.mulf %get3A_413, %get3A_1 : vector<16xf32>
      %mul3A_415 = arith.constant 16 : i32
      %mul3A_416 = arith.muli %scan3A_406, %mul3A_415 : i32
      %add3A_417 = arith.constant 896 : i32
      %add3A_418 = arith.addi %add3A_417, %mul3A_416 : i32
      %get3A_419 = arith.index_cast %add3A_418 : i32 to index
      %get3A_420 = tpu.vector_load %arg8[%get3A_419] {strides = array<i32>} : memref<2688xf32, #tpu.memory_space<vmem>>, vector<16xf32>,
      %mul3A_421 = arith.mulf %get3A_420, %get3A_3 : vector<16xf32>
      %add3A_422 = arith.addf %mul3A_414, %mul3A_421 : vector<16xf32>
      %mul3A_423 = arith.constant 16 : i32
      %mul3A_424 = arith.muli %scan3A_406, %mul3A_423 : i32
      %add3A_425 = arith.constant 1792 : i32
      %add3A_426 = arith.addi %add3A_425, %mul3A_424 : i32
      %get3A_427 = arith.index_cast %add3A_426 : i32 to index
      %get3A_428 = tpu.vector_load %arg8[%get3A_427] {strides = array<i32>} : memref<2688xf32, #tpu.memory_space<vmem>>, vector<16xf32>,
      %mul3A_429 = arith.mulf %get3A_428, %get3A_5 : vector<16xf32>
      %add3A_430 = arith.addf %add3A_422, %mul3A_429 : vector<16xf32>
      %swap3A = arith.index_cast %mul3A_409 : i32 to index
      %swap3A_431 = tpu.vector_load %arg12[%swap3A] {strides = array<i32>} : memref<4096xf32, #tpu.memory_space<vmem>>, vector<16xf32>,
      tpu.vector_store %arg12[%swap3A], %add3A_430 {strides = array<i32>} : memref<4096xf32, #tpu.memory_space<vmem>>, vector<16xf32>,
      %scan3A_432 = arith.constant 0 : i32
      scf.yield %scan3A_432 : i32
    }
    %scan3A_97 = arith.constant 56 : i32
    "tpu.region"() ({
      %run_scoped3A = tpu.sem_alloc : memref<!tpu.dma_semaphore, #tpu.memory_space<semaphore_mem>>
      %dma_start3A_406 = arith.constant 0 : i32
      %dma_start3A_407 = tpu.memref_slice %arg12[%dma_start3A_406] : memref<4096xf32, #tpu.memory_space<vmem>> -> memref<896xf32, #tpu.memory_space<vmem>>
      %dma_start3A_408 = tpu.memref_slice %arg14[%add3A_86] : memref<100352xf32, #tpu.memory_space<vmem_shared>> -> memref<896xf32, #tpu.memory_space<vmem_shared>>
      %dma_start3A_409 = tpu.memref_slice %arg14[%add3A_86] : memref<100352xf32, #tpu.memory_space<vmem_shared>> -> memref<896xf32, #tpu.memory_space<vmem_shared>>
      %dma_start3A_410 = arith.constant 0 : i32
      %dma_start3A_411 = tpu.memref_slice %arg12[%dma_start3A_410] : memref<4096xf32, #tpu.memory_space<vmem>> -> memref<896xf32, #tpu.memory_space<vmem>>
      tpu.enqueue_dma source(%dma_start3A_411 : memref<896xf32, #tpu.memory_space<vmem>>) target(%dma_start3A_409 : memref<896xf32, #tpu.memory_space<vmem_shared>>) target_semaphore(%run_scoped3A : memref<!tpu.dma_semaphore, #tpu.memory_space<semaphore_mem>>)
      %dma_wait3A_412 = arith.constant 0 : i32
      %dma_wait3A_413 = tpu.memref_slice %arg12[%dma_wait3A_412] : memref<4096xf32, #tpu.memory_space<vmem>> -> memref<896xf32, #tpu.memory_space<vmem>>
      %dma_wait3A_414 = tpu.memref_slice %arg14[%add3A_86] : memref<100352xf32, #tpu.memory_space<vmem_shared>> -> memref<896xf32, #tpu.memory_space<vmem_shared>>
      %dma_wait3A_415 = tpu.memref_slice %arg14[%add3A_86] : memref<100352xf32, #tpu.memory_space<vmem_shared>> -> memref<896xf32, #tpu.memory_space<vmem_shared>>
      %dma_wait3A_416 = arith.constant 0 : i32
      %dma_wait3A_417 = tpu.memref_slice %arg12[%dma_wait3A_416] : memref<4096xf32, #tpu.memory_space<vmem>> -> memref<896xf32, #tpu.memory_space<vmem>>
      tpu.wait_dma2 semaphore(%run_scoped3A : memref<!tpu.dma_semaphore, #tpu.memory_space<semaphore_mem>>) src(%dma_wait3A_417 : memref<896xf32, #tpu.memory_space<vmem>>) dst(%dma_wait3A_415 : memref<896xf32, #tpu.memory_space<vmem_shared>>)
      tpu.yield
    }) : () -> ()
    %broadcast_in_dim3A = arith.constant 0.000000e+00 : f32
    %broadcast_in_dim3A_98 = vector.broadcast %broadcast_in_dim3A : f32 to vector<16xf32>
    %scan3A_99 = arith.constant 0 : i32
    %scan3A_100 = arith.constant 0 : i32
    %scan3A_101 = arith.constant 784 : i32
    %scan3A_102 = arith.addi %scan3A_100, %scan3A_101 : i32
    %scan3A_103 = arith.constant 1 : i32
    %scan3A_104 = scf.for %scan3A_406 = %scan3A_100 to %scan3A_102 step %scan3A_103 iter_args(%scan3A_407 = %scan3A_99) -> (i32)  : i32 {
      %mul3A_408 = arith.constant 128 : i32
      %mul3A_409 = arith.muli %scan3A_406, %mul3A_408 : i32
      %add3A_410 = arith.constant 0 : i32
      %add3A_411 = arith.addi %mul3A_409, %add3A_410 : i32
      %swap3A = arith.index_cast %add3A_411 : i32 to index
      %swap3A_412 = tpu.vector_load %arg7[%swap3A] {strides = array<i32>} : memref<100352xf32, #tpu.memory_space<vmem>>, vector<16xf32>,
      tpu.vector_store %arg7[%swap3A], %broadcast_in_dim3A_98 {strides = array<i32>} : memref<100352xf32, #tpu.memory_space<vmem>>, vector<16xf32>,
      %mul3A_413 = arith.constant 128 : i32
      %mul3A_414 = arith.muli %scan3A_406, %mul3A_413 : i32
      %add3A_415 = arith.constant 16 : i32
      %add3A_416 = arith.addi %mul3A_414, %add3A_415 : i32
      %swap3A_417 = arith.index_cast %add3A_416 : i32 to index
      %swap3A_418 = tpu.vector_load %arg7[%swap3A_417] {strides = array<i32>} : memref<100352xf32, #tpu.memory_space<vmem>>, vector<16xf32>,
      tpu.vector_store %arg7[%swap3A_417], %broadcast_in_dim3A_98 {strides = array<i32>} : memref<100352xf32, #tpu.memory_space<vmem>>, vector<16xf32>,
      %mul3A_419 = arith.constant 128 : i32
      %mul3A_420 = arith.muli %scan3A_406, %mul3A_419 : i32
      %add3A_421 = arith.constant 32 : i32
      %add3A_422 = arith.addi %mul3A_420, %add3A_421 : i32
      %swap3A_423 = arith.index_cast %add3A_422 : i32 to index
      %swap3A_424 = tpu.vector_load %arg7[%swap3A_423] {strides = array<i32>} : memref<100352xf32, #tpu.memory_space<vmem>>, vector<16xf32>,
      tpu.vector_store %arg7[%swap3A_423], %broadcast_in_dim3A_98 {strides = array<i32>} : memref<100352xf32, #tpu.memory_space<vmem>>, vector<16xf32>,
      %mul3A_425 = arith.constant 128 : i32
      %mul3A_426 = arith.muli %scan3A_406, %mul3A_425 : i32
      %add3A_427 = arith.constant 48 : i32
      %add3A_428 = arith.addi %mul3A_426, %add3A_427 : i32
      %swap3A_429 = arith.index_cast %add3A_428 : i32 to index
      %swap3A_430 = tpu.vector_load %arg7[%swap3A_429] {strides = array<i32>} : memref<100352xf32, #tpu.memory_space<vmem>>, vector<16xf32>,
      tpu.vector_store %arg7[%swap3A_429], %broadcast_in_dim3A_98 {strides = array<i32>} : memref<100352xf32, #tpu.memory_space<vmem>>, vector<16xf32>,
      %mul3A_431 = arith.constant 128 : i32
      %mul3A_432 = arith.muli %scan3A_406, %mul3A_431 : i32
      %add3A_433 = arith.constant 64 : i32
      %add3A_434 = arith.addi %mul3A_432, %add3A_433 : i32
      %swap3A_435 = arith.index_cast %add3A_434 : i32 to index
      %swap3A_436 = tpu.vector_load %arg7[%swap3A_435] {strides = array<i32>} : memref<100352xf32, #tpu.memory_space<vmem>>, vector<16xf32>,
      tpu.vector_store %arg7[%swap3A_435], %broadcast_in_dim3A_98 {strides = array<i32>} : memref<100352xf32, #tpu.memory_space<vmem>>, vector<16xf32>,
      %mul3A_437 = arith.constant 128 : i32
      %mul3A_438 = arith.muli %scan3A_406, %mul3A_437 : i32
      %add3A_439 = arith.constant 80 : i32
      %add3A_440 = arith.addi %mul3A_438, %add3A_439 : i32
      %swap3A_441 = arith.index_cast %add3A_440 : i32 to index
      %swap3A_442 = tpu.vector_load %arg7[%swap3A_441] {strides = array<i32>} : memref<100352xf32, #tpu.memory_space<vmem>>, vector<16xf32>,
      tpu.vector_store %arg7[%swap3A_441], %broadcast_in_dim3A_98 {strides = array<i32>} : memref<100352xf32, #tpu.memory_space<vmem>>, vector<16xf32>,
      %mul3A_443 = arith.constant 128 : i32
      %mul3A_444 = arith.muli %scan3A_406, %mul3A_443 : i32
      %add3A_445 = arith.constant 96 : i32
      %add3A_446 = arith.addi %mul3A_444, %add3A_445 : i32
      %swap3A_447 = arith.index_cast %add3A_446 : i32 to index
      %swap3A_448 = tpu.vector_load %arg7[%swap3A_447] {strides = array<i32>} : memref<100352xf32, #tpu.memory_space<vmem>>, vector<16xf32>,
      tpu.vector_store %arg7[%swap3A_447], %broadcast_in_dim3A_98 {strides = array<i32>} : memref<100352xf32, #tpu.memory_space<vmem>>, vector<16xf32>,
      %mul3A_449 = arith.constant 128 : i32
      %mul3A_450 = arith.muli %scan3A_406, %mul3A_449 : i32
      %add3A_451 = arith.constant 112 : i32
      %add3A_452 = arith.addi %mul3A_450, %add3A_451 : i32
      %swap3A_453 = arith.index_cast %add3A_452 : i32 to index
      %swap3A_454 = tpu.vector_load %arg7[%swap3A_453] {strides = array<i32>} : memref<100352xf32, #tpu.memory_space<vmem>>, vector<16xf32>,
      tpu.vector_store %arg7[%swap3A_453], %broadcast_in_dim3A_98 {strides = array<i32>} : memref<100352xf32, #tpu.memory_space<vmem>>, vector<16xf32>,
      %scan3A_455 = arith.constant 0 : i32
      scf.yield %scan3A_455 : i32
    }
    %scan3A_105 = arith.constant 784 : i32
    %barrier3A = arith.constant 0 : index
    tpu.barrier barrier_id(%barrier3A)
    %mul3A_106 = arith.constant 100352 : i32
    %mul3A_107 = arith.muli %add3A, %mul3A_106 : i32
    %rem3A = arith.constant 0 : i32
    %rem3A_108 = arith.constant 49 : i32
    %rem3A_109 = arith.remsi %rem3A, %rem3A_108 : i32
    %mul3A_110 = arith.constant 2048 : i32
    %mul3A_111 = arith.muli %rem3A_109, %mul3A_110 : i32
    %add3A_112 = arith.addi %mul3A_107, %mul3A_111 : i32
    %dma_start3A = arith.constant 0 : i32
    %dma_start3A_113 = tpu.memref_slice %arg10[%dma_start3A] : memref<6144xi32, #tpu.memory_space<vmem>> -> memref<2048xi32, #tpu.memory_space<vmem>>
    %dma_start3A_114 = tpu.memref_slice %arg2[%add3A_112] : memref<3211264xi32, #tpu.memory_space<hbm>> -> memref<2048xi32, #tpu.memory_space<hbm>>
    %dma_start3A_115 = arith.constant 0 : i32
    %dma_start3A_116 = tpu.memref_slice %arg10[%dma_start3A_115] : memref<6144xi32, #tpu.memory_space<vmem>> -> memref<2048xi32, #tpu.memory_space<vmem>>
    %dma_start3A_117 = tpu.memref_slice %arg2[%add3A_112] : memref<3211264xi32, #tpu.memory_space<hbm>> -> memref<2048xi32, #tpu.memory_space<hbm>>
    tpu.enqueue_dma source(%dma_start3A_117 : memref<2048xi32, #tpu.memory_space<hbm>>) target(%dma_start3A_116 : memref<2048xi32, #tpu.memory_space<vmem>>) target_semaphore(%arg16 : memref<!tpu.dma_semaphore, #tpu.memory_space<semaphore_mem>>)
    %dma_start3A_118 = arith.constant 0 : i32
    %dma_start3A_119 = tpu.memref_slice %arg11[%dma_start3A_118] : memref<6144xi32, #tpu.memory_space<vmem>> -> memref<2048xi32, #tpu.memory_space<vmem>>
    %dma_start3A_120 = tpu.memref_slice %arg3[%add3A_112] : memref<3211264xi32, #tpu.memory_space<hbm>> -> memref<2048xi32, #tpu.memory_space<hbm>>
    %dma_start3A_121 = arith.constant 0 : i32
    %dma_start3A_122 = tpu.memref_slice %arg11[%dma_start3A_121] : memref<6144xi32, #tpu.memory_space<vmem>> -> memref<2048xi32, #tpu.memory_space<vmem>>
    %dma_start3A_123 = tpu.memref_slice %arg3[%add3A_112] : memref<3211264xi32, #tpu.memory_space<hbm>> -> memref<2048xi32, #tpu.memory_space<hbm>>
    tpu.enqueue_dma source(%dma_start3A_123 : memref<2048xi32, #tpu.memory_space<hbm>>) target(%dma_start3A_122 : memref<2048xi32, #tpu.memory_space<vmem>>) target_semaphore(%arg16 : memref<!tpu.dma_semaphore, #tpu.memory_space<semaphore_mem>>)
    %dma_wait3A = arith.constant 0 : i32
    %dma_wait3A_124 = tpu.memref_slice %arg11[%dma_wait3A] : memref<6144xi32, #tpu.memory_space<vmem>> -> memref<4096xi32, #tpu.memory_space<vmem>>
    %dma_wait3A_125 = arith.constant 0 : i32
    %dma_wait3A_126 = tpu.memref_slice %arg2[%dma_wait3A_125] : memref<3211264xi32, #tpu.memory_space<hbm>> -> memref<4096xi32, #tpu.memory_space<hbm>>
    %dma_wait3A_127 = arith.constant 0 : i32
    %dma_wait3A_128 = tpu.memref_slice %arg11[%dma_wait3A_127] : memref<6144xi32, #tpu.memory_space<vmem>> -> memref<4096xi32, #tpu.memory_space<vmem>>
    %dma_wait3A_129 = arith.constant 0 : i32
    %dma_wait3A_130 = tpu.memref_slice %arg2[%dma_wait3A_129] : memref<3211264xi32, #tpu.memory_space<hbm>> -> memref<4096xi32, #tpu.memory_space<hbm>>
    tpu.wait_dma2 semaphore(%arg16 : memref<!tpu.dma_semaphore, #tpu.memory_space<semaphore_mem>>) src(%dma_wait3A_130 : memref<4096xi32, #tpu.memory_space<hbm>>) dst(%dma_wait3A_128 : memref<4096xi32, #tpu.memory_space<vmem>>)
    %dma_start3A_131 = arith.constant 0 : i32
    %dma_start3A_132 = tpu.memref_slice %arg12[%dma_start3A_131] : memref<4096xf32, #tpu.memory_space<vmem>> -> memref<128xf32, #tpu.memory_space<vmem>>
    %dma_start3A_133 = arith.constant 0 : i32
    %dma_start3A_134 = tpu.memref_slice %arg10[%dma_start3A_133] : memref<6144xi32, #tpu.memory_space<vmem>> -> memref<128xi32, #tpu.memory_space<vmem>>
    %dma_start3A_135 = arith.constant 0 : i32
    %dma_start3A_136 = tpu.memref_slice %arg14[%dma_start3A_135] : memref<100352xf32, #tpu.memory_space<vmem_shared>> -> memref<100352xf32, #tpu.memory_space<vmem_shared>>
    tpu.enqueue_indirect_dma source(%dma_start3A_136 : memref<100352xf32, #tpu.memory_space<vmem_shared>>) target(%dma_start3A_132 : memref<128xf32, #tpu.memory_space<vmem>>) offsets(%dma_start3A_134 : memref<128xi32, #tpu.memory_space<vmem>>) semaphore(%arg15 : memref<!tpu.dma_semaphore, #tpu.memory_space<semaphore_mem>>)
    %dma_start3A_137 = arith.constant 0 : i32
    %dma_start3A_138 = tpu.memref_slice %arg13[%dma_start3A_137] : memref<4096xf32, #tpu.memory_space<vmem>> -> memref<128xf32, #tpu.memory_space<vmem>>
    %dma_start3A_139 = arith.constant 0 : i32
    %dma_start3A_140 = tpu.memref_slice %arg11[%dma_start3A_139] : memref<6144xi32, #tpu.memory_space<vmem>> -> memref<128xi32, #tpu.memory_space<vmem>>
    %dma_start3A_141 = arith.constant 0 : i32
    %dma_start3A_142 = tpu.memref_slice %arg14[%dma_start3A_141] : memref<100352xf32, #tpu.memory_space<vmem_shared>> -> memref<100352xf32, #tpu.memory_space<vmem_shared>>
    tpu.enqueue_indirect_dma source(%dma_start3A_142 : memref<100352xf32, #tpu.memory_space<vmem_shared>>) target(%dma_start3A_138 : memref<128xf32, #tpu.memory_space<vmem>>) offsets(%dma_start3A_140 : memref<128xi32, #tpu.memory_space<vmem>>) semaphore(%arg15 : memref<!tpu.dma_semaphore, #tpu.memory_space<semaphore_mem>>)
    %dma_start3A_143 = arith.constant 128 : i32
    %dma_start3A_144 = tpu.memref_slice %arg12[%dma_start3A_143] : memref<4096xf32, #tpu.memory_space<vmem>> -> memref<128xf32, #tpu.memory_space<vmem>>
    %dma_start3A_145 = arith.constant 128 : i32
    %dma_start3A_146 = tpu.memref_slice %arg10[%dma_start3A_145] : memref<6144xi32, #tpu.memory_space<vmem>> -> memref<128xi32, #tpu.memory_space<vmem>>
    %dma_start3A_147 = arith.constant 0 : i32
    %dma_start3A_148 = tpu.memref_slice %arg14[%dma_start3A_147] : memref<100352xf32, #tpu.memory_space<vmem_shared>> -> memref<100352xf32, #tpu.memory_space<vmem_shared>>
    tpu.enqueue_indirect_dma source(%dma_start3A_148 : memref<100352xf32, #tpu.memory_space<vmem_shared>>) target(%dma_start3A_144 : memref<128xf32, #tpu.memory_space<vmem>>) offsets(%dma_start3A_146 : memref<128xi32, #tpu.memory_space<vmem>>) semaphore(%arg15 : memref<!tpu.dma_semaphore, #tpu.memory_space<semaphore_mem>>)
    %dma_start3A_149 = arith.constant 128 : i32
    %dma_start3A_150 = tpu.memref_slice %arg13[%dma_start3A_149] : memref<4096xf32, #tpu.memory_space<vmem>> -> memref<128xf32, #tpu.memory_space<vmem>>
    %dma_start3A_151 = arith.constant 128 : i32
    %dma_start3A_152 = tpu.memref_slice %arg11[%dma_start3A_151] : memref<6144xi32, #tpu.memory_space<vmem>> -> memref<128xi32, #tpu.memory_space<vmem>>
    %dma_start3A_153 = arith.constant 0 : i32
    %dma_start3A_154 = tpu.memref_slice %arg14[%dma_start3A_153] : memref<100352xf32, #tpu.memory_space<vmem_shared>> -> memref<100352xf32, #tpu.memory_space<vmem_shared>>
    tpu.enqueue_indirect_dma source(%dma_start3A_154 : memref<100352xf32, #tpu.memory_space<vmem_shared>>) target(%dma_start3A_150 : memref<128xf32, #tpu.memory_space<vmem>>) offsets(%dma_start3A_152 : memref<128xi32, #tpu.memory_space<vmem>>) semaphore(%arg15 : memref<!tpu.dma_semaphore, #tpu.memory_space<semaphore_mem>>)
    %dma_start3A_155 = arith.constant 256 : i32
    %dma_start3A_156 = tpu.memref_slice %arg12[%dma_start3A_155] : memref<4096xf32, #tpu.memory_space<vmem>> -> memref<128xf32, #tpu.memory_space<vmem>>
    %dma_start3A_157 = arith.constant 256 : i32
    %dma_start3A_158 = tpu.memref_slice %arg10[%dma_start3A_157] : memref<6144xi32, #tpu.memory_space<vmem>> -> memref<128xi32, #tpu.memory_space<vmem>>
    %dma_start3A_159 = arith.constant 0 : i32
    %dma_start3A_160 = tpu.memref_slice %arg14[%dma_start3A_159] : memref<100352xf32, #tpu.memory_space<vmem_shared>> -> memref<100352xf32, #tpu.memory_space<vmem_shared>>
    tpu.enqueue_indirect_dma source(%dma_start3A_160 : memref<100352xf32, #tpu.memory_space<vmem_shared>>) target(%dma_start3A_156 : memref<128xf32, #tpu.memory_space<vmem>>) offsets(%dma_start3A_158 : memref<128xi32, #tpu.memory_space<vmem>>) semaphore(%arg15 : memref<!tpu.dma_semaphore, #tpu.memory_space<semaphore_mem>>)
    %dma_start3A_161 = arith.constant 256 : i32
    %dma_start3A_162 = tpu.memref_slice %arg13[%dma_start3A_161] : memref<4096xf32, #tpu.memory_space<vmem>> -> memref<128xf32, #tpu.memory_space<vmem>>
    %dma_start3A_163 = arith.constant 256 : i32
    %dma_start3A_164 = tpu.memref_slice %arg11[%dma_start3A_163] : memref<6144xi32, #tpu.memory_space<vmem>> -> memref<128xi32, #tpu.memory_space<vmem>>
    %dma_start3A_165 = arith.constant 0 : i32
    %dma_start3A_166 = tpu.memref_slice %arg14[%dma_start3A_165] : memref<100352xf32, #tpu.memory_space<vmem_shared>> -> memref<100352xf32, #tpu.memory_space<vmem_shared>>
    tpu.enqueue_indirect_dma source(%dma_start3A_166 : memref<100352xf32, #tpu.memory_space<vmem_shared>>) target(%dma_start3A_162 : memref<128xf32, #tpu.memory_space<vmem>>) offsets(%dma_start3A_164 : memref<128xi32, #tpu.memory_space<vmem>>) semaphore(%arg15 : memref<!tpu.dma_semaphore, #tpu.memory_space<semaphore_mem>>)
    %dma_start3A_167 = arith.constant 384 : i32
    %dma_start3A_168 = tpu.memref_slice %arg12[%dma_start3A_167] : memref<4096xf32, #tpu.memory_space<vmem>> -> memref<128xf32, #tpu.memory_space<vmem>>
    %dma_start3A_169 = arith.constant 384 : i32
    %dma_start3A_170 = tpu.memref_slice %arg10[%dma_start3A_169] : memref<6144xi32, #tpu.memory_space<vmem>> -> memref<128xi32, #tpu.memory_space<vmem>>
    %dma_start3A_171 = arith.constant 0 : i32
    %dma_start3A_172 = tpu.memref_slice %arg14[%dma_start3A_171] : memref<100352xf32, #tpu.memory_space<vmem_shared>> -> memref<100352xf32, #tpu.memory_space<vmem_shared>>
    tpu.enqueue_indirect_dma source(%dma_start3A_172 : memref<100352xf32, #tpu.memory_space<vmem_shared>>) target(%dma_start3A_168 : memref<128xf32, #tpu.memory_space<vmem>>) offsets(%dma_start3A_170 : memref<128xi32, #tpu.memory_space<vmem>>) semaphore(%arg15 : memref<!tpu.dma_semaphore, #tpu.memory_space<semaphore_mem>>)
    %dma_start3A_173 = arith.constant 384 : i32
    %dma_start3A_174 = tpu.memref_slice %arg13[%dma_start3A_173] : memref<4096xf32, #tpu.memory_space<vmem>> -> memref<128xf32, #tpu.memory_space<vmem>>
    %dma_start3A_175 = arith.constant 384 : i32
    %dma_start3A_176 = tpu.memref_slice %arg11[%dma_start3A_175] : memref<6144xi32, #tpu.memory_space<vmem>> -> memref<128xi32, #tpu.memory_space<vmem>>
    %dma_start3A_177 = arith.constant 0 : i32
    %dma_start3A_178 = tpu.memref_slice %arg14[%dma_start3A_177] : memref<100352xf32, #tpu.memory_space<vmem_shared>> -> memref<100352xf32, #tpu.memory_space<vmem_shared>>
    tpu.enqueue_indirect_dma source(%dma_start3A_178 : memref<100352xf32, #tpu.memory_space<vmem_shared>>) target(%dma_start3A_174 : memref<128xf32, #tpu.memory_space<vmem>>) offsets(%dma_start3A_176 : memref<128xi32, #tpu.memory_space<vmem>>) semaphore(%arg15 : memref<!tpu.dma_semaphore, #tpu.memory_space<semaphore_mem>>)
    %dma_start3A_179 = arith.constant 512 : i32
    %dma_start3A_180 = tpu.memref_slice %arg12[%dma_start3A_179] : memref<4096xf32, #tpu.memory_space<vmem>> -> memref<128xf32, #tpu.memory_space<vmem>>
    %dma_start3A_181 = arith.constant 512 : i32
    %dma_start3A_182 = tpu.memref_slice %arg10[%dma_start3A_181] : memref<6144xi32, #tpu.memory_space<vmem>> -> memref<128xi32, #tpu.memory_space<vmem>>
    %dma_start3A_183 = arith.constant 0 : i32
    %dma_start3A_184 = tpu.memref_slice %arg14[%dma_start3A_183] : memref<100352xf32, #tpu.memory_space<vmem_shared>> -> memref<100352xf32, #tpu.memory_space<vmem_shared>>
    tpu.enqueue_indirect_dma source(%dma_start3A_184 : memref<100352xf32, #tpu.memory_space<vmem_shared>>) target(%dma_start3A_180 : memref<128xf32, #tpu.memory_space<vmem>>) offsets(%dma_start3A_182 : memref<128xi32, #tpu.memory_space<vmem>>) semaphore(%arg15 : memref<!tpu.dma_semaphore, #tpu.memory_space<semaphore_mem>>)
    %dma_start3A_185 = arith.constant 512 : i32
    %dma_start3A_186 = tpu.memref_slice %arg13[%dma_start3A_185] : memref<4096xf32, #tpu.memory_space<vmem>> -> memref<128xf32, #tpu.memory_space<vmem>>
    %dma_start3A_187 = arith.constant 512 : i32
    %dma_start3A_188 = tpu.memref_slice %arg11[%dma_start3A_187] : memref<6144xi32, #tpu.memory_space<vmem>> -> memref<128xi32, #tpu.memory_space<vmem>>
    %dma_start3A_189 = arith.constant 0 : i32
    %dma_start3A_190 = tpu.memref_slice %arg14[%dma_start3A_189] : memref<100352xf32, #tpu.memory_space<vmem_shared>> -> memref<100352xf32, #tpu.memory_space<vmem_shared>>
    tpu.enqueue_indirect_dma source(%dma_start3A_190 : memref<100352xf32, #tpu.memory_space<vmem_shared>>) target(%dma_start3A_186 : memref<128xf32, #tpu.memory_space<vmem>>) offsets(%dma_start3A_188 : memref<128xi32, #tpu.memory_space<vmem>>) semaphore(%arg15 : memref<!tpu.dma_semaphore, #tpu.memory_space<semaphore_mem>>)
    %dma_start3A_191 = arith.constant 640 : i32
    %dma_start3A_192 = tpu.memref_slice %arg12[%dma_start3A_191] : memref<4096xf32, #tpu.memory_space<vmem>> -> memref<128xf32, #tpu.memory_space<vmem>>
    %dma_start3A_193 = arith.constant 640 : i32
    %dma_start3A_194 = tpu.memref_slice %arg10[%dma_start3A_193] : memref<6144xi32, #tpu.memory_space<vmem>> -> memref<128xi32, #tpu.memory_space<vmem>>
    %dma_start3A_195 = arith.constant 0 : i32
    %dma_start3A_196 = tpu.memref_slice %arg14[%dma_start3A_195] : memref<100352xf32, #tpu.memory_space<vmem_shared>> -> memref<100352xf32, #tpu.memory_space<vmem_shared>>
    tpu.enqueue_indirect_dma source(%dma_start3A_196 : memref<100352xf32, #tpu.memory_space<vmem_shared>>) target(%dma_start3A_192 : memref<128xf32, #tpu.memory_space<vmem>>) offsets(%dma_start3A_194 : memref<128xi32, #tpu.memory_space<vmem>>) semaphore(%arg15 : memref<!tpu.dma_semaphore, #tpu.memory_space<semaphore_mem>>)
    %dma_start3A_197 = arith.constant 640 : i32
    %dma_start3A_198 = tpu.memref_slice %arg13[%dma_start3A_197] : memref<4096xf32, #tpu.memory_space<vmem>> -> memref<128xf32, #tpu.memory_space<vmem>>
    %dma_start3A_199 = arith.constant 640 : i32
    %dma_start3A_200 = tpu.memref_slice %arg11[%dma_start3A_199] : memref<6144xi32, #tpu.memory_space<vmem>> -> memref<128xi32, #tpu.memory_space<vmem>>
    %dma_start3A_201 = arith.constant 0 : i32
    %dma_start3A_202 = tpu.memref_slice %arg14[%dma_start3A_201] : memref<100352xf32, #tpu.memory_space<vmem_shared>> -> memref<100352xf32, #tpu.memory_space<vmem_shared>>
    tpu.enqueue_indirect_dma source(%dma_start3A_202 : memref<100352xf32, #tpu.memory_space<vmem_shared>>) target(%dma_start3A_198 : memref<128xf32, #tpu.memory_space<vmem>>) offsets(%dma_start3A_200 : memref<128xi32, #tpu.memory_space<vmem>>) semaphore(%arg15 : memref<!tpu.dma_semaphore, #tpu.memory_space<semaphore_mem>>)
    %dma_start3A_203 = arith.constant 768 : i32
    %dma_start3A_204 = tpu.memref_slice %arg12[%dma_start3A_203] : memref<4096xf32, #tpu.memory_space<vmem>> -> memref<128xf32, #tpu.memory_space<vmem>>
    %dma_start3A_205 = arith.constant 768 : i32
    %dma_start3A_206 = tpu.memref_slice %arg10[%dma_start3A_205] : memref<6144xi32, #tpu.memory_space<vmem>> -> memref<128xi32, #tpu.memory_space<vmem>>
    %dma_start3A_207 = arith.constant 0 : i32
    %dma_start3A_208 = tpu.memref_slice %arg14[%dma_start3A_207] : memref<100352xf32, #tpu.memory_space<vmem_shared>> -> memref<100352xf32, #tpu.memory_space<vmem_shared>>
    tpu.enqueue_indirect_dma source(%dma_start3A_208 : memref<100352xf32, #tpu.memory_space<vmem_shared>>) target(%dma_start3A_204 : memref<128xf32, #tpu.memory_space<vmem>>) offsets(%dma_start3A_206 : memref<128xi32, #tpu.memory_space<vmem>>) semaphore(%arg15 : memref<!tpu.dma_semaphore, #tpu.memory_space<semaphore_mem>>)
    %dma_start3A_209 = arith.constant 768 : i32
    %dma_start3A_210 = tpu.memref_slice %arg13[%dma_start3A_209] : memref<4096xf32, #tpu.memory_space<vmem>> -> memref<128xf32, #tpu.memory_space<vmem>>
    %dma_start3A_211 = arith.constant 768 : i32
    %dma_start3A_212 = tpu.memref_slice %arg11[%dma_start3A_211] : memref<6144xi32, #tpu.memory_space<vmem>> -> memref<128xi32, #tpu.memory_space<vmem>>
    %dma_start3A_213 = arith.constant 0 : i32
    %dma_start3A_214 = tpu.memref_slice %arg14[%dma_start3A_213] : memref<100352xf32, #tpu.memory_space<vmem_shared>> -> memref<100352xf32, #tpu.memory_space<vmem_shared>>
    tpu.enqueue_indirect_dma source(%dma_start3A_214 : memref<100352xf32, #tpu.memory_space<vmem_shared>>) target(%dma_start3A_210 : memref<128xf32, #tpu.memory_space<vmem>>) offsets(%dma_start3A_212 : memref<128xi32, #tpu.memory_space<vmem>>) semaphore(%arg15 : memref<!tpu.dma_semaphore, #tpu.memory_space<semaphore_mem>>)
    %dma_start3A_215 = arith.constant 896 : i32
    %dma_start3A_216 = tpu.memref_slice %arg12[%dma_start3A_215] : memref<4096xf32, #tpu.memory_space<vmem>> -> memref<128xf32, #tpu.memory_space<vmem>>
    %dma_start3A_217 = arith.constant 896 : i32
    %dma_start3A_218 = tpu.memref_slice %arg10[%dma_start3A_217] : memref<6144xi32, #tpu.memory_space<vmem>> -> memref<128xi32, #tpu.memory_space<vmem>>
    %dma_start3A_219 = arith.constant 0 : i32
    %dma_start3A_220 = tpu.memref_slice %arg14[%dma_start3A_219] : memref<100352xf32, #tpu.memory_space<vmem_shared>> -> memref<100352xf32, #tpu.memory_space<vmem_shared>>
    tpu.enqueue_indirect_dma source(%dma_start3A_220 : memref<100352xf32, #tpu.memory_space<vmem_shared>>) target(%dma_start3A_216 : memref<128xf32, #tpu.memory_space<vmem>>) offsets(%dma_start3A_218 : memref<128xi32, #tpu.memory_space<vmem>>) semaphore(%arg15 : memref<!tpu.dma_semaphore, #tpu.memory_space<semaphore_mem>>)
    %dma_start3A_221 = arith.constant 896 : i32
    %dma_start3A_222 = tpu.memref_slice %arg13[%dma_start3A_221] : memref<4096xf32, #tpu.memory_space<vmem>> -> memref<128xf32, #tpu.memory_space<vmem>>
    %dma_start3A_223 = arith.constant 896 : i32
    %dma_start3A_224 = tpu.memref_slice %arg11[%dma_start3A_223] : memref<6144xi32, #tpu.memory_space<vmem>> -> memref<128xi32, #tpu.memory_space<vmem>>
    %dma_start3A_225 = arith.constant 0 : i32
    %dma_start3A_226 = tpu.memref_slice %arg14[%dma_start3A_225] : memref<100352xf32, #tpu.memory_space<vmem_shared>> -> memref<100352xf32, #tpu.memory_space<vmem_shared>>
    tpu.enqueue_indirect_dma source(%dma_start3A_226 : memref<100352xf32, #tpu.memory_space<vmem_shared>>) target(%dma_start3A_222 : memref<128xf32, #tpu.memory_space<vmem>>) offsets(%dma_start3A_224 : memref<128xi32, #tpu.memory_space<vmem>>) semaphore(%arg15 : memref<!tpu.dma_semaphore, #tpu.memory_space<semaphore_mem>>)
    %dma_start3A_227 = arith.constant 1024 : i32
    %dma_start3A_228 = tpu.memref_slice %arg12[%dma_start3A_227] : memref<4096xf32, #tpu.memory_space<vmem>> -> memref<128xf32, #tpu.memory_space<vmem>>
    %dma_start3A_229 = arith.constant 1024 : i32
    %dma_start3A_230 = tpu.memref_slice %arg10[%dma_start3A_229] : memref<6144xi32, #tpu.memory_space<vmem>> -> memref<128xi32, #tpu.memory_space<vmem>>
    %dma_start3A_231 = arith.constant 0 : i32
    %dma_start3A_232 = tpu.memref_slice %arg14[%dma_start3A_231] : memref<100352xf32, #tpu.memory_space<vmem_shared>> -> memref<100352xf32, #tpu.memory_space<vmem_shared>>
    tpu.enqueue_indirect_dma source(%dma_start3A_232 : memref<100352xf32, #tpu.memory_space<vmem_shared>>) target(%dma_start3A_228 : memref<128xf32, #tpu.memory_space<vmem>>) offsets(%dma_start3A_230 : memref<128xi32, #tpu.memory_space<vmem>>) semaphore(%arg15 : memref<!tpu.dma_semaphore, #tpu.memory_space<semaphore_mem>>)
    %dma_start3A_233 = arith.constant 1024 : i32
    %dma_start3A_234 = tpu.memref_slice %arg13[%dma_start3A_233] : memref<4096xf32, #tpu.memory_space<vmem>> -> memref<128xf32, #tpu.memory_space<vmem>>
    %dma_start3A_235 = arith.constant 1024 : i32
    %dma_start3A_236 = tpu.memref_slice %arg11[%dma_start3A_235] : memref<6144xi32, #tpu.memory_space<vmem>> -> memref<128xi32, #tpu.memory_space<vmem>>
    %dma_start3A_237 = arith.constant 0 : i32
    %dma_start3A_238 = tpu.memref_slice %arg14[%dma_start3A_237] : memref<100352xf32, #tpu.memory_space<vmem_shared>> -> memref<100352xf32, #tpu.memory_space<vmem_shared>>
    tpu.enqueue_indirect_dma source(%dma_start3A_238 : memref<100352xf32, #tpu.memory_space<vmem_shared>>) target(%dma_start3A_234 : memref<128xf32, #tpu.memory_space<vmem>>) offsets(%dma_start3A_236 : memref<128xi32, #tpu.memory_space<vmem>>) semaphore(%arg15 : memref<!tpu.dma_semaphore, #tpu.memory_space<semaphore_mem>>)
    %dma_start3A_239 = arith.constant 1152 : i32
    %dma_start3A_240 = tpu.memref_slice %arg12[%dma_start3A_239] : memref<4096xf32, #tpu.memory_space<vmem>> -> memref<128xf32, #tpu.memory_space<vmem>>
    %dma_start3A_241 = arith.constant 1152 : i32
    %dma_start3A_242 = tpu.memref_slice %arg10[%dma_start3A_241] : memref<6144xi32, #tpu.memory_space<vmem>> -> memref<128xi32, #tpu.memory_space<vmem>>
    %dma_start3A_243 = arith.constant 0 : i32
    %dma_start3A_244 = tpu.memref_slice %arg14[%dma_start3A_243] : memref<100352xf32, #tpu.memory_space<vmem_shared>> -> memref<100352xf32, #tpu.memory_space<vmem_shared>>
    tpu.enqueue_indirect_dma source(%dma_start3A_244 : memref<100352xf32, #tpu.memory_space<vmem_shared>>) target(%dma_start3A_240 : memref<128xf32, #tpu.memory_space<vmem>>) offsets(%dma_start3A_242 : memref<128xi32, #tpu.memory_space<vmem>>) semaphore(%arg15 : memref<!tpu.dma_semaphore, #tpu.memory_space<semaphore_mem>>)
    %dma_start3A_245 = arith.constant 1152 : i32
    %dma_start3A_246 = tpu.memref_slice %arg13[%dma_start3A_245] : memref<4096xf32, #tpu.memory_space<vmem>> -> memref<128xf32, #tpu.memory_space<vmem>>
    %dma_start3A_247 = arith.constant 1152 : i32
    %dma_start3A_248 = tpu.memref_slice %arg11[%dma_start3A_247] : memref<6144xi32, #tpu.memory_space<vmem>> -> memref<128xi32, #tpu.memory_space<vmem>>
    %dma_start3A_249 = arith.constant 0 : i32
    %dma_start3A_250 = tpu.memref_slice %arg14[%dma_start3A_249] : memref<100352xf32, #tpu.memory_space<vmem_shared>> -> memref<100352xf32, #tpu.memory_space<vmem_shared>>
    tpu.enqueue_indirect_dma source(%dma_start3A_250 : memref<100352xf32, #tpu.memory_space<vmem_shared>>) target(%dma_start3A_246 : memref<128xf32, #tpu.memory_space<vmem>>) offsets(%dma_start3A_248 : memref<128xi32, #tpu.memory_space<vmem>>) semaphore(%arg15 : memref<!tpu.dma_semaphore, #tpu.memory_space<semaphore_mem>>)
    %dma_start3A_251 = arith.constant 1280 : i32
    %dma_start3A_252 = tpu.memref_slice %arg12[%dma_start3A_251] : memref<4096xf32, #tpu.memory_space<vmem>> -> memref<128xf32, #tpu.memory_space<vmem>>
    %dma_start3A_253 = arith.constant 1280 : i32
    %dma_start3A_254 = tpu.memref_slice %arg10[%dma_start3A_253] : memref<6144xi32, #tpu.memory_space<vmem>> -> memref<128xi32, #tpu.memory_space<vmem>>
    %dma_start3A_255 = arith.constant 0 : i32
    %dma_start3A_256 = tpu.memref_slice %arg14[%dma_start3A_255] : memref<100352xf32, #tpu.memory_space<vmem_shared>> -> memref<100352xf32, #tpu.memory_space<vmem_shared>>
    tpu.enqueue_indirect_dma source(%dma_start3A_256 : memref<100352xf32, #tpu.memory_space<vmem_shared>>) target(%dma_start3A_252 : memref<128xf32, #tpu.memory_space<vmem>>) offsets(%dma_start3A_254 : memref<128xi32, #tpu.memory_space<vmem>>) semaphore(%arg15 : memref<!tpu.dma_semaphore, #tpu.memory_space<semaphore_mem>>)
    %dma_start3A_257 = arith.constant 1280 : i32
    %dma_start3A_258 = tpu.memref_slice %arg13[%dma_start3A_257] : memref<4096xf32, #tpu.memory_space<vmem>> -> memref<128xf32, #tpu.memory_space<vmem>>
    %dma_start3A_259 = arith.constant 1280 : i32
    %dma_start3A_260 = tpu.memref_slice %arg11[%dma_start3A_259] : memref<6144xi32, #tpu.memory_space<vmem>> -> memref<128xi32, #tpu.memory_space<vmem>>
    %dma_start3A_261 = arith.constant 0 : i32
    %dma_start3A_262 = tpu.memref_slice %arg14[%dma_start3A_261] : memref<100352xf32, #tpu.memory_space<vmem_shared>> -> memref<100352xf32, #tpu.memory_space<vmem_shared>>
    tpu.enqueue_indirect_dma source(%dma_start3A_262 : memref<100352xf32, #tpu.memory_space<vmem_shared>>) target(%dma_start3A_258 : memref<128xf32, #tpu.memory_space<vmem>>) offsets(%dma_start3A_260 : memref<128xi32, #tpu.memory_space<vmem>>) semaphore(%arg15 : memref<!tpu.dma_semaphore, #tpu.memory_space<semaphore_mem>>)
    %dma_start3A_263 = arith.constant 1408 : i32
    %dma_start3A_264 = tpu.memref_slice %arg12[%dma_start3A_263] : memref<4096xf32, #tpu.memory_space<vmem>> -> memref<128xf32, #tpu.memory_space<vmem>>
    %dma_start3A_265 = arith.constant 1408 : i32
    %dma_start3A_266 = tpu.memref_slice %arg10[%dma_start3A_265] : memref<6144xi32, #tpu.memory_space<vmem>> -> memref<128xi32, #tpu.memory_space<vmem>>
    %dma_start3A_267 = arith.constant 0 : i32
    %dma_start3A_268 = tpu.memref_slice %arg14[%dma_start3A_267] : memref<100352xf32, #tpu.memory_space<vmem_shared>> -> memref<100352xf32, #tpu.memory_space<vmem_shared>>
    tpu.enqueue_indirect_dma source(%dma_start3A_268 : memref<100352xf32, #tpu.memory_space<vmem_shared>>) target(%dma_start3A_264 : memref<128xf32, #tpu.memory_space<vmem>>) offsets(%dma_start3A_266 : memref<128xi32, #tpu.memory_space<vmem>>) semaphore(%arg15 : memref<!tpu.dma_semaphore, #tpu.memory_space<semaphore_mem>>)
    %dma_start3A_269 = arith.constant 1408 : i32
    %dma_start3A_270 = tpu.memref_slice %arg13[%dma_start3A_269] : memref<4096xf32, #tpu.memory_space<vmem>> -> memref<128xf32, #tpu.memory_space<vmem>>
    %dma_start3A_271 = arith.constant 1408 : i32
    %dma_start3A_272 = tpu.memref_slice %arg11[%dma_start3A_271] : memref<6144xi32, #tpu.memory_space<vmem>> -> memref<128xi32, #tpu.memory_space<vmem>>
    %dma_start3A_273 = arith.constant 0 : i32
    %dma_start3A_274 = tpu.memref_slice %arg14[%dma_start3A_273] : memref<100352xf32, #tpu.memory_space<vmem_shared>> -> memref<100352xf32, #tpu.memory_space<vmem_shared>>
    tpu.enqueue_indirect_dma source(%dma_start3A_274 : memref<100352xf32, #tpu.memory_space<vmem_shared>>) target(%dma_start3A_270 : memref<128xf32, #tpu.memory_space<vmem>>) offsets(%dma_start3A_272 : memref<128xi32, #tpu.memory_space<vmem>>) semaphore(%arg15 : memref<!tpu.dma_semaphore, #tpu.memory_space<semaphore_mem>>)
    %dma_start3A_275 = arith.constant 1536 : i32
    %dma_start3A_276 = tpu.memref_slice %arg12[%dma_start3A_275] : memref<4096xf32, #tpu.memory_space<vmem>> -> memref<128xf32, #tpu.memory_space<vmem>>
    %dma_start3A_277 = arith.constant 1536 : i32
    %dma_start3A_278 = tpu.memref_slice %arg10[%dma_start3A_277] : memref<6144xi32, #tpu.memory_space<vmem>> -> memref<128xi32, #tpu.memory_space<vmem>>
    %dma_start3A_279 = arith.constant 0 : i32
    %dma_start3A_280 = tpu.memref_slice %arg14[%dma_start3A_279] : memref<100352xf32, #tpu.memory_space<vmem_shared>> -> memref<100352xf32, #tpu.memory_space<vmem_shared>>
    tpu.enqueue_indirect_dma source(%dma_start3A_280 : memref<100352xf32, #tpu.memory_space<vmem_shared>>) target(%dma_start3A_276 : memref<128xf32, #tpu.memory_space<vmem>>) offsets(%dma_start3A_278 : memref<128xi32, #tpu.memory_space<vmem>>) semaphore(%arg15 : memref<!tpu.dma_semaphore, #tpu.memory_space<semaphore_mem>>)
    %dma_start3A_281 = arith.constant 1536 : i32
    %dma_start3A_282 = tpu.memref_slice %arg13[%dma_start3A_281] : memref<4096xf32, #tpu.memory_space<vmem>> -> memref<128xf32, #tpu.memory_space<vmem>>
    %dma_start3A_283 = arith.constant 1536 : i32
    %dma_start3A_284 = tpu.memref_slice %arg11[%dma_start3A_283] : memref<6144xi32, #tpu.memory_space<vmem>> -> memref<128xi32, #tpu.memory_space<vmem>>
    %dma_start3A_285 = arith.constant 0 : i32
    %dma_start3A_286 = tpu.memref_slice %arg14[%dma_start3A_285] : memref<100352xf32, #tpu.memory_space<vmem_shared>> -> memref<100352xf32, #tpu.memory_space<vmem_shared>>
    tpu.enqueue_indirect_dma source(%dma_start3A_286 : memref<100352xf32, #tpu.memory_space<vmem_shared>>) target(%dma_start3A_282 : memref<128xf32, #tpu.memory_space<vmem>>) offsets(%dma_start3A_284 : memref<128xi32, #tpu.memory_space<vmem>>) semaphore(%arg15 : memref<!tpu.dma_semaphore, #tpu.memory_space<semaphore_mem>>)
    %dma_start3A_287 = arith.constant 1664 : i32
    %dma_start3A_288 = tpu.memref_slice %arg12[%dma_start3A_287] : memref<4096xf32, #tpu.memory_space<vmem>> -> memref<128xf32, #tpu.memory_space<vmem>>
    %dma_start3A_289 = arith.constant 1664 : i32
    %dma_start3A_290 = tpu.memref_slice %arg10[%dma_start3A_289] : memref<6144xi32, #tpu.memory_space<vmem>> -> memref<128xi32, #tpu.memory_space<vmem>>
    %dma_start3A_291 = arith.constant 0 : i32
    %dma_start3A_292 = tpu.memref_slice %arg14[%dma_start3A_291] : memref<100352xf32, #tpu.memory_space<vmem_shared>> -> memref<100352xf32, #tpu.memory_space<vmem_shared>>
    tpu.enqueue_indirect_dma source(%dma_start3A_292 : memref<100352xf32, #tpu.memory_space<vmem_shared>>) target(%dma_start3A_288 : memref<128xf32, #tpu.memory_space<vmem>>) offsets(%dma_start3A_290 : memref<128xi32, #tpu.memory_space<vmem>>) semaphore(%arg15 : memref<!tpu.dma_semaphore, #tpu.memory_space<semaphore_mem>>)
    %dma_start3A_293 = arith.constant 1664 : i32
    %dma_start3A_294 = tpu.memref_slice %arg13[%dma_start3A_293] : memref<4096xf32, #tpu.memory_space<vmem>> -> memref<128xf32, #tpu.memory_space<vmem>>
    %dma_start3A_295 = arith.constant 1664 : i32
    %dma_start3A_296 = tpu.memref_slice %arg11[%dma_start3A_295] : memref<6144xi32, #tpu.memory_space<vmem>> -> memref<128xi32, #tpu.memory_space<vmem>>
    %dma_start3A_297 = arith.constant 0 : i32
    %dma_start3A_298 = tpu.memref_slice %arg14[%dma_start3A_297] : memref<100352xf32, #tpu.memory_space<vmem_shared>> -> memref<100352xf32, #tpu.memory_space<vmem_shared>>
    tpu.enqueue_indirect_dma source(%dma_start3A_298 : memref<100352xf32, #tpu.memory_space<vmem_shared>>) target(%dma_start3A_294 : memref<128xf32, #tpu.memory_space<vmem>>) offsets(%dma_start3A_296 : memref<128xi32, #tpu.memory_space<vmem>>) semaphore(%arg15 : memref<!tpu.dma_semaphore, #tpu.memory_space<semaphore_mem>>)
    %dma_start3A_299 = arith.constant 1792 : i32
    %dma_start3A_300 = tpu.memref_slice %arg12[%dma_start3A_299] : memref<4096xf32, #tpu.memory_space<vmem>> -> memref<128xf32, #tpu.memory_space<vmem>>
    %dma_start3A_301 = arith.constant 1792 : i32
    %dma_start3A_302 = tpu.memref_slice %arg10[%dma_start3A_301] : memref<6144xi32, #tpu.memory_space<vmem>> -> memref<128xi32, #tpu.memory_space<vmem>>
    %dma_start3A_303 = arith.constant 0 : i32
    %dma_start3A_304 = tpu.memref_slice %arg14[%dma_start3A_303] : memref<100352xf32, #tpu.memory_space<vmem_shared>> -> memref<100352xf32, #tpu.memory_space<vmem_shared>>
    tpu.enqueue_indirect_dma source(%dma_start3A_304 : memref<100352xf32, #tpu.memory_space<vmem_shared>>) target(%dma_start3A_300 : memref<128xf32, #tpu.memory_space<vmem>>) offsets(%dma_start3A_302 : memref<128xi32, #tpu.memory_space<vmem>>) semaphore(%arg15 : memref<!tpu.dma_semaphore, #tpu.memory_space<semaphore_mem>>)
    %dma_start3A_305 = arith.constant 1792 : i32
    %dma_start3A_306 = tpu.memref_slice %arg13[%dma_start3A_305] : memref<4096xf32, #tpu.memory_space<vmem>> -> memref<128xf32, #tpu.memory_space<vmem>>
    %dma_start3A_307 = arith.constant 1792 : i32
    %dma_start3A_308 = tpu.memref_slice %arg11[%dma_start3A_307] : memref<6144xi32, #tpu.memory_space<vmem>> -> memref<128xi32, #tpu.memory_space<vmem>>
    %dma_start3A_309 = arith.constant 0 : i32
    %dma_start3A_310 = tpu.memref_slice %arg14[%dma_start3A_309] : memref<100352xf32, #tpu.memory_space<vmem_shared>> -> memref<100352xf32, #tpu.memory_space<vmem_shared>>
    tpu.enqueue_indirect_dma source(%dma_start3A_310 : memref<100352xf32, #tpu.memory_space<vmem_shared>>) target(%dma_start3A_306 : memref<128xf32, #tpu.memory_space<vmem>>) offsets(%dma_start3A_308 : memref<128xi32, #tpu.memory_space<vmem>>) semaphore(%arg15 : memref<!tpu.dma_semaphore, #tpu.memory_space<semaphore_mem>>)
    %dma_start3A_311 = arith.constant 1920 : i32
    %dma_start3A_312 = tpu.memref_slice %arg12[%dma_start3A_311] : memref<4096xf32, #tpu.memory_space<vmem>> -> memref<128xf32, #tpu.memory_space<vmem>>
    %dma_start3A_313 = arith.constant 1920 : i32
    %dma_start3A_314 = tpu.memref_slice %arg10[%dma_start3A_313] : memref<6144xi32, #tpu.memory_space<vmem>> -> memref<128xi32, #tpu.memory_space<vmem>>
    %dma_start3A_315 = arith.constant 0 : i32
    %dma_start3A_316 = tpu.memref_slice %arg14[%dma_start3A_315] : memref<100352xf32, #tpu.memory_space<vmem_shared>> -> memref<100352xf32, #tpu.memory_space<vmem_shared>>
    tpu.enqueue_indirect_dma source(%dma_start3A_316 : memref<100352xf32, #tpu.memory_space<vmem_shared>>) target(%dma_start3A_312 : memref<128xf32, #tpu.memory_space<vmem>>) offsets(%dma_start3A_314 : memref<128xi32, #tpu.memory_space<vmem>>) semaphore(%arg15 : memref<!tpu.dma_semaphore, #tpu.memory_space<semaphore_mem>>)
    %dma_start3A_317 = arith.constant 1920 : i32
    %dma_start3A_318 = tpu.memref_slice %arg13[%dma_start3A_317] : memref<4096xf32, #tpu.memory_space<vmem>> -> memref<128xf32, #tpu.memory_space<vmem>>
    %dma_start3A_319 = arith.constant 1920 : i32
    %dma_start3A_320 = tpu.memref_slice %arg11[%dma_start3A_319] : memref<6144xi32, #tpu.memory_space<vmem>> -> memref<128xi32, #tpu.memory_space<vmem>>
    %dma_start3A_321 = arith.constant 0 : i32
    %dma_start3A_322 = tpu.memref_slice %arg14[%dma_start3A_321] : memref<100352xf32, #tpu.memory_space<vmem_shared>> -> memref<100352xf32, #tpu.memory_space<vmem_shared>>
    tpu.enqueue_indirect_dma source(%dma_start3A_322 : memref<100352xf32, #tpu.memory_space<vmem_shared>>) target(%dma_start3A_318 : memref<128xf32, #tpu.memory_space<vmem>>) offsets(%dma_start3A_320 : memref<128xi32, #tpu.memory_space<vmem>>) semaphore(%arg15 : memref<!tpu.dma_semaphore, #tpu.memory_space<semaphore_mem>>)
    %mul3A_323 = arith.constant 100352 : i32
    %mul3A_324 = arith.muli %add3A, %mul3A_323 : i32
    %rem3A_325 = arith.constant 1 : i32
    %rem3A_326 = arith.constant 49 : i32
    %rem3A_327 = arith.remsi %rem3A_325, %rem3A_326 : i32
    %mul3A_328 = arith.constant 2048 : i32
    %mul3A_329 = arith.muli %rem3A_327, %mul3A_328 : i32
    %add3A_330 = arith.addi %mul3A_324, %mul3A_329 : i32
    %dma_start3A_331 = arith.constant 2048 : i32
    %dma_start3A_332 = tpu.memref_slice %arg10[%dma_start3A_331] : memref<6144xi32, #tpu.memory_space<vmem>> -> memref<2048xi32, #tpu.memory_space<vmem>>
    %dma_start3A_333 = tpu.memref_slice %arg2[%add3A_330] : memref<3211264xi32, #tpu.memory_space<hbm>> -> memref<2048xi32, #tpu.memory_space<hbm>>
    %dma_start3A_334 = arith.constant 2048 : i32
    %dma_start3A_335 = tpu.memref_slice %arg10[%dma_start3A_334] : memref<6144xi32, #tpu.memory_space<vmem>> -> memref<2048xi32, #tpu.memory_space<vmem>>
    %dma_start3A_336 = tpu.memref_slice %arg2[%add3A_330] : memref<3211264xi32, #tpu.memory_space<hbm>> -> memref<2048xi32, #tpu.memory_space<hbm>>
    tpu.enqueue_dma source(%dma_start3A_336 : memref<2048xi32, #tpu.memory_space<hbm>>) target(%dma_start3A_335 : memref<2048xi32, #tpu.memory_space<vmem>>) target_semaphore(%arg16 : memref<!tpu.dma_semaphore, #tpu.memory_space<semaphore_mem>>)
    %dma_start3A_337 = arith.constant 2048 : i32
    %dma_start3A_338 = tpu.memref_slice %arg11[%dma_start3A_337] : memref<6144xi32, #tpu.memory_space<vmem>> -> memref<2048xi32, #tpu.memory_space<vmem>>
    %dma_start3A_339 = tpu.memref_slice %arg3[%add3A_330] : memref<3211264xi32, #tpu.memory_space<hbm>> -> memref<2048xi32, #tpu.memory_space<hbm>>
    %dma_start3A_340 = arith.constant 2048 : i32
    %dma_start3A_341 = tpu.memref_slice %arg11[%dma_start3A_340] : memref<6144xi32, #tpu.memory_space<vmem>> -> memref<2048xi32, #tpu.memory_space<vmem>>
    %dma_start3A_342 = tpu.memref_slice %arg3[%add3A_330] : memref<3211264xi32, #tpu.memory_space<hbm>> -> memref<2048xi32, #tpu.memory_space<hbm>>
    tpu.enqueue_dma source(%dma_start3A_342 : memref<2048xi32, #tpu.memory_space<hbm>>) target(%dma_start3A_341 : memref<2048xi32, #tpu.memory_space<vmem>>) target_semaphore(%arg16 : memref<!tpu.dma_semaphore, #tpu.memory_space<semaphore_mem>>)
    %scan3A_343 = arith.constant 0 : i32
    %scan3A_344 = arith.constant 0 : i32
    %scan3A_345 = arith.constant 48 : i32
    %scan3A_346 = arith.addi %scan3A_344, %scan3A_345 : i32
    %scan3A_347 = arith.constant 1 : i32
    %scan3A_348 = scf.for %scan3A_406 = %scan3A_344 to %scan3A_346 step %scan3A_347 iter_args(%scan3A_407 = %scan3A_343) -> (i32)  : i32 {
      %rem3A_408 = arith.constant 3 : i32
      %rem3A_409 = arith.remsi %scan3A_406, %rem3A_408 : i32
      %mul3A_410 = arith.constant 2048 : i32
      %mul3A_411 = arith.muli %rem3A_409, %mul3A_410 : i32
      %add3A_412 = arith.constant 1 : i32
      %add3A_413 = arith.addi %scan3A_406, %add3A_412 : i32
      %rem3A_414 = arith.constant 3 : i32
      %rem3A_415 = arith.remsi %add3A_413, %rem3A_414 : i32
      %mul3A_416 = arith.constant 2048 : i32
      %mul3A_417 = arith.muli %rem3A_415, %mul3A_416 : i32
      %add3A_418 = arith.constant 2 : i32
      %add3A_419 = arith.addi %scan3A_406, %add3A_418 : i32
      %rem3A_420 = arith.constant 3 : i32
      %rem3A_421 = arith.remsi %add3A_419, %rem3A_420 : i32
      %mul3A_422 = arith.constant 2048 : i32
      %mul3A_423 = arith.muli %rem3A_421, %mul3A_422 : i32
      %rem3A_424 = arith.constant 2 : i32
      %rem3A_425 = arith.remsi %scan3A_406, %rem3A_424 : i32
      %mul3A_426 = arith.constant 2048 : i32
      %mul3A_427 = arith.muli %rem3A_425, %mul3A_426 : i32
      %add3A_428 = arith.constant 1 : i32
      %add3A_429 = arith.addi %scan3A_406, %add3A_428 : i32
      %rem3A_430 = arith.constant 2 : i32
      %rem3A_431 = arith.remsi %add3A_429, %rem3A_430 : i32
      %mul3A_432 = arith.constant 2048 : i32
      %mul3A_433 = arith.muli %rem3A_431, %mul3A_432 : i32
      %dma_wait3A_434 = arith.constant 0 : i32
      %dma_wait3A_435 = tpu.memref_slice %arg12[%dma_wait3A_434] : memref<4096xf32, #tpu.memory_space<vmem>> -> memref<4096xf32, #tpu.memory_space<vmem>>
      %dma_wait3A_436 = arith.constant 0 : i32
      %dma_wait3A_437 = tpu.memref_slice %arg4[%dma_wait3A_436] : memref<301056xf32, #tpu.memory_space<hbm>> -> memref<4096xf32, #tpu.memory_space<hbm>>
      %dma_wait3A_438 = arith.constant 0 : i32
      %dma_wait3A_439 = tpu.memref_slice %arg12[%dma_wait3A_438] : memref<4096xf32, #tpu.memory_space<vmem>> -> memref<4096xf32, #tpu.memory_space<vmem>>
      %dma_wait3A_440 = arith.constant 0 : i32
      %dma_wait3A_441 = tpu.memref_slice %arg4[%dma_wait3A_440] : memref<301056xf32, #tpu.memory_space<hbm>> -> memref<4096xf32, #tpu.memory_space<hbm>>
      tpu.wait_dma2 semaphore(%arg15 : memref<!tpu.dma_semaphore, #tpu.memory_space<semaphore_mem>>) src(%dma_wait3A_441 : memref<4096xf32, #tpu.memory_space<hbm>>) dst(%dma_wait3A_439 : memref<4096xf32, #tpu.memory_space<vmem>>)
      %dma_wait3A_442 = arith.constant 0 : i32
      %dma_wait3A_443 = tpu.memref_slice %arg11[%dma_wait3A_442] : memref<6144xi32, #tpu.memory_space<vmem>> -> memref<4096xi32, #tpu.memory_space<vmem>>
      %dma_wait3A_444 = arith.constant 0 : i32
      %dma_wait3A_445 = tpu.memref_slice %arg2[%dma_wait3A_444] : memref<3211264xi32, #tpu.memory_space<hbm>> -> memref<4096xi32, #tpu.memory_space<hbm>>
      %dma_wait3A_446 = arith.constant 0 : i32
      %dma_wait3A_447 = tpu.memref_slice %arg11[%dma_wait3A_446] : memref<6144xi32, #tpu.memory_space<vmem>> -> memref<4096xi32, #tpu.memory_space<vmem>>
      %dma_wait3A_448 = arith.constant 0 : i32
      %dma_wait3A_449 = tpu.memref_slice %arg2[%dma_wait3A_448] : memref<3211264xi32, #tpu.memory_space<hbm>> -> memref<4096xi32, #tpu.memory_space<hbm>>
      tpu.wait_dma2 semaphore(%arg16 : memref<!tpu.dma_semaphore, #tpu.memory_space<semaphore_mem>>) src(%dma_wait3A_449 : memref<4096xi32, #tpu.memory_space<hbm>>) dst(%dma_wait3A_447 : memref<4096xi32, #tpu.memory_space<vmem>>)
      %add3A_450 = arith.constant 0 : i32
      %add3A_451 = arith.addi %mul3A_433, %add3A_450 : i32
      %add3A_452 = arith.constant 0 : i32
      %add3A_453 = arith.addi %mul3A_417, %add3A_452 : i32
      %dma_start3A_454 = tpu.memref_slice %arg12[%add3A_451] : memref<4096xf32, #tpu.memory_space<vmem>> -> memref<128xf32, #tpu.memory_space<vmem>>
      %dma_start3A_455 = tpu.memref_slice %arg10[%add3A_453] : memref<6144xi32, #tpu.memory_space<vmem>> -> memref<128xi32, #tpu.memory_space<vmem>>
      %dma_start3A_456 = arith.constant 0 : i32
      %dma_start3A_457 = tpu.memref_slice %arg14[%dma_start3A_456] : memref<100352xf32, #tpu.memory_space<vmem_shared>> -> memref<100352xf32, #tpu.memory_space<vmem_shared>>
      tpu.enqueue_indirect_dma source(%dma_start3A_457 : memref<100352xf32, #tpu.memory_space<vmem_shared>>) target(%dma_start3A_454 : memref<128xf32, #tpu.memory_space<vmem>>) offsets(%dma_start3A_455 : memref<128xi32, #tpu.memory_space<vmem>>) semaphore(%arg15 : memref<!tpu.dma_semaphore, #tpu.memory_space<semaphore_mem>>)
      %dma_start3A_458 = tpu.memref_slice %arg13[%add3A_451] : memref<4096xf32, #tpu.memory_space<vmem>> -> memref<128xf32, #tpu.memory_space<vmem>>
      %dma_start3A_459 = tpu.memref_slice %arg11[%add3A_453] : memref<6144xi32, #tpu.memory_space<vmem>> -> memref<128xi32, #tpu.memory_space<vmem>>
      %dma_start3A_460 = arith.constant 0 : i32
      %dma_start3A_461 = tpu.memref_slice %arg14[%dma_start3A_460] : memref<100352xf32, #tpu.memory_space<vmem_shared>> -> memref<100352xf32, #tpu.memory_space<vmem_shared>>
      tpu.enqueue_indirect_dma source(%dma_start3A_461 : memref<100352xf32, #tpu.memory_space<vmem_shared>>) target(%dma_start3A_458 : memref<128xf32, #tpu.memory_space<vmem>>) offsets(%dma_start3A_459 : memref<128xi32, #tpu.memory_space<vmem>>) semaphore(%arg15 : memref<!tpu.dma_semaphore, #tpu.memory_space<semaphore_mem>>)
      %add3A_462 = arith.constant 128 : i32
      %add3A_463 = arith.addi %mul3A_433, %add3A_462 : i32
      %add3A_464 = arith.constant 128 : i32
      %add3A_465 = arith.addi %mul3A_417, %add3A_464 : i32
      %dma_start3A_466 = tpu.memref_slice %arg12[%add3A_463] : memref<4096xf32, #tpu.memory_space<vmem>> -> memref<128xf32, #tpu.memory_space<vmem>>
      %dma_start3A_467 = tpu.memref_slice %arg10[%add3A_465] : memref<6144xi32, #tpu.memory_space<vmem>> -> memref<128xi32, #tpu.memory_space<vmem>>
      %dma_start3A_468 = arith.constant 0 : i32
      %dma_start3A_469 = tpu.memref_slice %arg14[%dma_start3A_468] : memref<100352xf32, #tpu.memory_space<vmem_shared>> -> memref<100352xf32, #tpu.memory_space<vmem_shared>>
      tpu.enqueue_indirect_dma source(%dma_start3A_469 : memref<100352xf32, #tpu.memory_space<vmem_shared>>) target(%dma_start3A_466 : memref<128xf32, #tpu.memory_space<vmem>>) offsets(%dma_start3A_467 : memref<128xi32, #tpu.memory_space<vmem>>) semaphore(%arg15 : memref<!tpu.dma_semaphore, #tpu.memory_space<semaphore_mem>>)
      %dma_start3A_470 = tpu.memref_slice %arg13[%add3A_463] : memref<4096xf32, #tpu.memory_space<vmem>> -> memref<128xf32, #tpu.memory_space<vmem>>
      %dma_start3A_471 = tpu.memref_slice %arg11[%add3A_465] : memref<6144xi32, #tpu.memory_space<vmem>> -> memref<128xi32, #tpu.memory_space<vmem>>
      %dma_start3A_472 = arith.constant 0 : i32
      %dma_start3A_473 = tpu.memref_slice %arg14[%dma_start3A_472] : memref<100352xf32, #tpu.memory_space<vmem_shared>> -> memref<100352xf32, #tpu.memory_space<vmem_shared>>
      tpu.enqueue_indirect_dma source(%dma_start3A_473 : memref<100352xf32, #tpu.memory_space<vmem_shared>>) target(%dma_start3A_470 : memref<128xf32, #tpu.memory_space<vmem>>) offsets(%dma_start3A_471 : memref<128xi32, #tpu.memory_space<vmem>>) semaphore(%arg15 : memref<!tpu.dma_semaphore, #tpu.memory_space<semaphore_mem>>)
      %add3A_474 = arith.constant 256 : i32
      %add3A_475 = arith.addi %mul3A_433, %add3A_474 : i32
      %add3A_476 = arith.constant 256 : i32
      %add3A_477 = arith.addi %mul3A_417, %add3A_476 : i32
      %dma_start3A_478 = tpu.memref_slice %arg12[%add3A_475] : memref<4096xf32, #tpu.memory_space<vmem>> -> memref<128xf32, #tpu.memory_space<vmem>>
      %dma_start3A_479 = tpu.memref_slice %arg10[%add3A_477] : memref<6144xi32, #tpu.memory_space<vmem>> -> memref<128xi32, #tpu.memory_space<vmem>>
      %dma_start3A_480 = arith.constant 0 : i32
      %dma_start3A_481 = tpu.memref_slice %arg14[%dma_start3A_480] : memref<100352xf32, #tpu.memory_space<vmem_shared>> -> memref<100352xf32, #tpu.memory_space<vmem_shared>>
      tpu.enqueue_indirect_dma source(%dma_start3A_481 : memref<100352xf32, #tpu.memory_space<vmem_shared>>) target(%dma_start3A_478 : memref<128xf32, #tpu.memory_space<vmem>>) offsets(%dma_start3A_479 : memref<128xi32, #tpu.memory_space<vmem>>) semaphore(%arg15 : memref<!tpu.dma_semaphore, #tpu.memory_space<semaphore_mem>>)
      %dma_start3A_482 = tpu.memref_slice %arg13[%add3A_475] : memref<4096xf32, #tpu.memory_space<vmem>> -> memref<128xf32, #tpu.memory_space<vmem>>
      %dma_start3A_483 = tpu.memref_slice %arg11[%add3A_477] : memref<6144xi32, #tpu.memory_space<vmem>> -> memref<128xi32, #tpu.memory_space<vmem>>
      %dma_start3A_484 = arith.constant 0 : i32
      %dma_start3A_485 = tpu.memref_slice %arg14[%dma_start3A_484] : memref<100352xf32, #tpu.memory_space<vmem_shared>> -> memref<100352xf32, #tpu.memory_space<vmem_shared>>
      tpu.enqueue_indirect_dma source(%dma_start3A_485 : memref<100352xf32, #tpu.memory_space<vmem_shared>>) target(%dma_start3A_482 : memref<128xf32, #tpu.memory_space<vmem>>) offsets(%dma_start3A_483 : memref<128xi32, #tpu.memory_space<vmem>>) semaphore(%arg15 : memref<!tpu.dma_semaphore, #tpu.memory_space<semaphore_mem>>)
      %add3A_486 = arith.constant 384 : i32
      %add3A_487 = arith.addi %mul3A_433, %add3A_486 : i32
      %add3A_488 = arith.constant 384 : i32
      %add3A_489 = arith.addi %mul3A_417, %add3A_488 : i32
      %dma_start3A_490 = tpu.memref_slice %arg12[%add3A_487] : memref<4096xf32, #tpu.memory_space<vmem>> -> memref<128xf32, #tpu.memory_space<vmem>>
      %dma_start3A_491 = tpu.memref_slice %arg10[%add3A_489] : memref<6144xi32, #tpu.memory_space<vmem>> -> memref<128xi32, #tpu.memory_space<vmem>>
      %dma_start3A_492 = arith.constant 0 : i32
      %dma_start3A_493 = tpu.memref_slice %arg14[%dma_start3A_492] : memref<100352xf32, #tpu.memory_space<vmem_shared>> -> memref<100352xf32, #tpu.memory_space<vmem_shared>>
      tpu.enqueue_indirect_dma source(%dma_start3A_493 : memref<100352xf32, #tpu.memory_space<vmem_shared>>) target(%dma_start3A_490 : memref<128xf32, #tpu.memory_space<vmem>>) offsets(%dma_start3A_491 : memref<128xi32, #tpu.memory_space<vmem>>) semaphore(%arg15 : memref<!tpu.dma_semaphore, #tpu.memory_space<semaphore_mem>>)
      %dma_start3A_494 = tpu.memref_slice %arg13[%add3A_487] : memref<4096xf32, #tpu.memory_space<vmem>> -> memref<128xf32, #tpu.memory_space<vmem>>
      %dma_start3A_495 = tpu.memref_slice %arg11[%add3A_489] : memref<6144xi32, #tpu.memory_space<vmem>> -> memref<128xi32, #tpu.memory_space<vmem>>
      %dma_start3A_496 = arith.constant 0 : i32
      %dma_start3A_497 = tpu.memref_slice %arg14[%dma_start3A_496] : memref<100352xf32, #tpu.memory_space<vmem_shared>> -> memref<100352xf32, #tpu.memory_space<vmem_shared>>
      tpu.enqueue_indirect_dma source(%dma_start3A_497 : memref<100352xf32, #tpu.memory_space<vmem_shared>>) target(%dma_start3A_494 : memref<128xf32, #tpu.memory_space<vmem>>) offsets(%dma_start3A_495 : memref<128xi32, #tpu.memory_space<vmem>>) semaphore(%arg15 : memref<!tpu.dma_semaphore, #tpu.memory_space<semaphore_mem>>)
      %add3A_498 = arith.constant 512 : i32
      %add3A_499 = arith.addi %mul3A_433, %add3A_498 : i32
      %add3A_500 = arith.constant 512 : i32
      %add3A_501 = arith.addi %mul3A_417, %add3A_500 : i32
      %dma_start3A_502 = tpu.memref_slice %arg12[%add3A_499] : memref<4096xf32, #tpu.memory_space<vmem>> -> memref<128xf32, #tpu.memory_space<vmem>>
      %dma_start3A_503 = tpu.memref_slice %arg10[%add3A_501] : memref<6144xi32, #tpu.memory_space<vmem>> -> memref<128xi32, #tpu.memory_space<vmem>>
      %dma_start3A_504 = arith.constant 0 : i32
      %dma_start3A_505 = tpu.memref_slice %arg14[%dma_start3A_504] : memref<100352xf32, #tpu.memory_space<vmem_shared>> -> memref<100352xf32, #tpu.memory_space<vmem_shared>>
      tpu.enqueue_indirect_dma source(%dma_start3A_505 : memref<100352xf32, #tpu.memory_space<vmem_shared>>) target(%dma_start3A_502 : memref<128xf32, #tpu.memory_space<vmem>>) offsets(%dma_start3A_503 : memref<128xi32, #tpu.memory_space<vmem>>) semaphore(%arg15 : memref<!tpu.dma_semaphore, #tpu.memory_space<semaphore_mem>>)
      %dma_start3A_506 = tpu.memref_slice %arg13[%add3A_499] : memref<4096xf32, #tpu.memory_space<vmem>> -> memref<128xf32, #tpu.memory_space<vmem>>
      %dma_start3A_507 = tpu.memref_slice %arg11[%add3A_501] : memref<6144xi32, #tpu.memory_space<vmem>> -> memref<128xi32, #tpu.memory_space<vmem>>
      %dma_start3A_508 = arith.constant 0 : i32
      %dma_start3A_509 = tpu.memref_slice %arg14[%dma_start3A_508] : memref<100352xf32, #tpu.memory_space<vmem_shared>> -> memref<100352xf32, #tpu.memory_space<vmem_shared>>
      tpu.enqueue_indirect_dma source(%dma_start3A_509 : memref<100352xf32, #tpu.memory_space<vmem_shared>>) target(%dma_start3A_506 : memref<128xf32, #tpu.memory_space<vmem>>) offsets(%dma_start3A_507 : memref<128xi32, #tpu.memory_space<vmem>>) semaphore(%arg15 : memref<!tpu.dma_semaphore, #tpu.memory_space<semaphore_mem>>)
      %add3A_510 = arith.constant 640 : i32
      %add3A_511 = arith.addi %mul3A_433, %add3A_510 : i32
      %add3A_512 = arith.constant 640 : i32
      %add3A_513 = arith.addi %mul3A_417, %add3A_512 : i32
      %dma_start3A_514 = tpu.memref_slice %arg12[%add3A_511] : memref<4096xf32, #tpu.memory_space<vmem>> -> memref<128xf32, #tpu.memory_space<vmem>>
      %dma_start3A_515 = tpu.memref_slice %arg10[%add3A_513] : memref<6144xi32, #tpu.memory_space<vmem>> -> memref<128xi32, #tpu.memory_space<vmem>>
      %dma_start3A_516 = arith.constant 0 : i32
      %dma_start3A_517 = tpu.memref_slice %arg14[%dma_start3A_516] : memref<100352xf32, #tpu.memory_space<vmem_shared>> -> memref<100352xf32, #tpu.memory_space<vmem_shared>>
      tpu.enqueue_indirect_dma source(%dma_start3A_517 : memref<100352xf32, #tpu.memory_space<vmem_shared>>) target(%dma_start3A_514 : memref<128xf32, #tpu.memory_space<vmem>>) offsets(%dma_start3A_515 : memref<128xi32, #tpu.memory_space<vmem>>) semaphore(%arg15 : memref<!tpu.dma_semaphore, #tpu.memory_space<semaphore_mem>>)
      %dma_start3A_518 = tpu.memref_slice %arg13[%add3A_511] : memref<4096xf32, #tpu.memory_space<vmem>> -> memref<128xf32, #tpu.memory_space<vmem>>
      %dma_start3A_519 = tpu.memref_slice %arg11[%add3A_513] : memref<6144xi32, #tpu.memory_space<vmem>> -> memref<128xi32, #tpu.memory_space<vmem>>
      %dma_start3A_520 = arith.constant 0 : i32
      %dma_start3A_521 = tpu.memref_slice %arg14[%dma_start3A_520] : memref<100352xf32, #tpu.memory_space<vmem_shared>> -> memref<100352xf32, #tpu.memory_space<vmem_shared>>
      tpu.enqueue_indirect_dma source(%dma_start3A_521 : memref<100352xf32, #tpu.memory_space<vmem_shared>>) target(%dma_start3A_518 : memref<128xf32, #tpu.memory_space<vmem>>) offsets(%dma_start3A_519 : memref<128xi32, #tpu.memory_space<vmem>>) semaphore(%arg15 : memref<!tpu.dma_semaphore, #tpu.memory_space<semaphore_mem>>)
      %add3A_522 = arith.constant 768 : i32
      %add3A_523 = arith.addi %mul3A_433, %add3A_522 : i32
      %add3A_524 = arith.constant 768 : i32
      %add3A_525 = arith.addi %mul3A_417, %add3A_524 : i32
      %dma_start3A_526 = tpu.memref_slice %arg12[%add3A_523] : memref<4096xf32, #tpu.memory_space<vmem>> -> memref<128xf32, #tpu.memory_space<vmem>>
      %dma_start3A_527 = tpu.memref_slice %arg10[%add3A_525] : memref<6144xi32, #tpu.memory_space<vmem>> -> memref<128xi32, #tpu.memory_space<vmem>>
      %dma_start3A_528 = arith.constant 0 : i32
      %dma_start3A_529 = tpu.memref_slice %arg14[%dma_start3A_528] : memref<100352xf32, #tpu.memory_space<vmem_shared>> -> memref<100352xf32, #tpu.memory_space<vmem_shared>>
      tpu.enqueue_indirect_dma source(%dma_start3A_529 : memref<100352xf32, #tpu.memory_space<vmem_shared>>) target(%dma_start3A_526 : memref<128xf32, #tpu.memory_space<vmem>>) offsets(%dma_start3A_527 : memref<128xi32, #tpu.memory_space<vmem>>) semaphore(%arg15 : memref<!tpu.dma_semaphore, #tpu.memory_space<semaphore_mem>>)
      %dma_start3A_530 = tpu.memref_slice %arg13[%add3A_523] : memref<4096xf32, #tpu.memory_space<vmem>> -> memref<128xf32, #tpu.memory_space<vmem>>
      %dma_start3A_531 = tpu.memref_slice %arg11[%add3A_525] : memref<6144xi32, #tpu.memory_space<vmem>> -> memref<128xi32, #tpu.memory_space<vmem>>
      %dma_start3A_532 = arith.constant 0 : i32
      %dma_start3A_533 = tpu.memref_slice %arg14[%dma_start3A_532] : memref<100352xf32, #tpu.memory_space<vmem_shared>> -> memref<100352xf32, #tpu.memory_space<vmem_shared>>
      tpu.enqueue_indirect_dma source(%dma_start3A_533 : memref<100352xf32, #tpu.memory_space<vmem_shared>>) target(%dma_start3A_530 : memref<128xf32, #tpu.memory_space<vmem>>) offsets(%dma_start3A_531 : memref<128xi32, #tpu.memory_space<vmem>>) semaphore(%arg15 : memref<!tpu.dma_semaphore, #tpu.memory_space<semaphore_mem>>)
      %add3A_534 = arith.constant 896 : i32
      %add3A_535 = arith.addi %mul3A_433, %add3A_534 : i32
      %add3A_536 = arith.constant 896 : i32
      %add3A_537 = arith.addi %mul3A_417, %add3A_536 : i32
      %dma_start3A_538 = tpu.memref_slice %arg12[%add3A_535] : memref<4096xf32, #tpu.memory_space<vmem>> -> memref<128xf32, #tpu.memory_space<vmem>>
      %dma_start3A_539 = tpu.memref_slice %arg10[%add3A_537] : memref<6144xi32, #tpu.memory_space<vmem>> -> memref<128xi32, #tpu.memory_space<vmem>>
      %dma_start3A_540 = arith.constant 0 : i32
      %dma_start3A_541 = tpu.memref_slice %arg14[%dma_start3A_540] : memref<100352xf32, #tpu.memory_space<vmem_shared>> -> memref<100352xf32, #tpu.memory_space<vmem_shared>>
      tpu.enqueue_indirect_dma source(%dma_start3A_541 : memref<100352xf32, #tpu.memory_space<vmem_shared>>) target(%dma_start3A_538 : memref<128xf32, #tpu.memory_space<vmem>>) offsets(%dma_start3A_539 : memref<128xi32, #tpu.memory_space<vmem>>) semaphore(%arg15 : memref<!tpu.dma_semaphore, #tpu.memory_space<semaphore_mem>>)
      %dma_start3A_542 = tpu.memref_slice %arg13[%add3A_535] : memref<4096xf32, #tpu.memory_space<vmem>> -> memref<128xf32, #tpu.memory_space<vmem>>
      %dma_start3A_543 = tpu.memref_slice %arg11[%add3A_537] : memref<6144xi32, #tpu.memory_space<vmem>> -> memref<128xi32, #tpu.memory_space<vmem>>
      %dma_start3A_544 = arith.constant 0 : i32
      %dma_start3A_545 = tpu.memref_slice %arg14[%dma_start3A_544] : memref<100352xf32, #tpu.memory_space<vmem_shared>> -> memref<100352xf32, #tpu.memory_space<vmem_shared>>
      tpu.enqueue_indirect_dma source(%dma_start3A_545 : memref<100352xf32, #tpu.memory_space<vmem_shared>>) target(%dma_start3A_542 : memref<128xf32, #tpu.memory_space<vmem>>) offsets(%dma_start3A_543 : memref<128xi32, #tpu.memory_space<vmem>>) semaphore(%arg15 : memref<!tpu.dma_semaphore, #tpu.memory_space<semaphore_mem>>)
      %add3A_546 = arith.constant 1024 : i32
      %add3A_547 = arith.addi %mul3A_433, %add3A_546 : i32
      %add3A_548 = arith.constant 1024 : i32
      %add3A_549 = arith.addi %mul3A_417, %add3A_548 : i32
      %dma_start3A_550 = tpu.memref_slice %arg12[%add3A_547] : memref<4096xf32, #tpu.memory_space<vmem>> -> memref<128xf32, #tpu.memory_space<vmem>>
      %dma_start3A_551 = tpu.memref_slice %arg10[%add3A_549] : memref<6144xi32, #tpu.memory_space<vmem>> -> memref<128xi32, #tpu.memory_space<vmem>>
      %dma_start3A_552 = arith.constant 0 : i32
      %dma_start3A_553 = tpu.memref_slice %arg14[%dma_start3A_552] : memref<100352xf32, #tpu.memory_space<vmem_shared>> -> memref<100352xf32, #tpu.memory_space<vmem_shared>>
      tpu.enqueue_indirect_dma source(%dma_start3A_553 : memref<100352xf32, #tpu.memory_space<vmem_shared>>) target(%dma_start3A_550 : memref<128xf32, #tpu.memory_space<vmem>>) offsets(%dma_start3A_551 : memref<128xi32, #tpu.memory_space<vmem>>) semaphore(%arg15 : memref<!tpu.dma_semaphore, #tpu.memory_space<semaphore_mem>>)
      %dma_start3A_554 = tpu.memref_slice %arg13[%add3A_547] : memref<4096xf32, #tpu.memory_space<vmem>> -> memref<128xf32, #tpu.memory_space<vmem>>
      %dma_start3A_555 = tpu.memref_slice %arg11[%add3A_549] : memref<6144xi32, #tpu.memory_space<vmem>> -> memref<128xi32, #tpu.memory_space<vmem>>
      %dma_start3A_556 = arith.constant 0 : i32
      %dma_start3A_557 = tpu.memref_slice %arg14[%dma_start3A_556] : memref<100352xf32, #tpu.memory_space<vmem_shared>> -> memref<100352xf32, #tpu.memory_space<vmem_shared>>
      tpu.enqueue_indirect_dma source(%dma_start3A_557 : memref<100352xf32, #tpu.memory_space<vmem_shared>>) target(%dma_start3A_554 : memref<128xf32, #tpu.memory_space<vmem>>) offsets(%dma_start3A_555 : memref<128xi32, #tpu.memory_space<vmem>>) semaphore(%arg15 : memref<!tpu.dma_semaphore, #tpu.memory_space<semaphore_mem>>)
      %add3A_558 = arith.constant 1152 : i32
      %add3A_559 = arith.addi %mul3A_433, %add3A_558 : i32
      %add3A_560 = arith.constant 1152 : i32
      %add3A_561 = arith.addi %mul3A_417, %add3A_560 : i32
      %dma_start3A_562 = tpu.memref_slice %arg12[%add3A_559] : memref<4096xf32, #tpu.memory_space<vmem>> -> memref<128xf32, #tpu.memory_space<vmem>>
      %dma_start3A_563 = tpu.memref_slice %arg10[%add3A_561] : memref<6144xi32, #tpu.memory_space<vmem>> -> memref<128xi32, #tpu.memory_space<vmem>>
      %dma_start3A_564 = arith.constant 0 : i32
      %dma_start3A_565 = tpu.memref_slice %arg14[%dma_start3A_564] : memref<100352xf32, #tpu.memory_space<vmem_shared>> -> memref<100352xf32, #tpu.memory_space<vmem_shared>>
      tpu.enqueue_indirect_dma source(%dma_start3A_565 : memref<100352xf32, #tpu.memory_space<vmem_shared>>) target(%dma_start3A_562 : memref<128xf32, #tpu.memory_space<vmem>>) offsets(%dma_start3A_563 : memref<128xi32, #tpu.memory_space<vmem>>) semaphore(%arg15 : memref<!tpu.dma_semaphore, #tpu.memory_space<semaphore_mem>>)
      %dma_start3A_566 = tpu.memref_slice %arg13[%add3A_559] : memref<4096xf32, #tpu.memory_space<vmem>> -> memref<128xf32, #tpu.memory_space<vmem>>
      %dma_start3A_567 = tpu.memref_slice %arg11[%add3A_561] : memref<6144xi32, #tpu.memory_space<vmem>> -> memref<128xi32, #tpu.memory_space<vmem>>
      %dma_start3A_568 = arith.constant 0 : i32
      %dma_start3A_569 = tpu.memref_slice %arg14[%dma_start3A_568] : memref<100352xf32, #tpu.memory_space<vmem_shared>> -> memref<100352xf32, #tpu.memory_space<vmem_shared>>
      tpu.enqueue_indirect_dma source(%dma_start3A_569 : memref<100352xf32, #tpu.memory_space<vmem_shared>>) target(%dma_start3A_566 : memref<128xf32, #tpu.memory_space<vmem>>) offsets(%dma_start3A_567 : memref<128xi32, #tpu.memory_space<vmem>>) semaphore(%arg15 : memref<!tpu.dma_semaphore, #tpu.memory_space<semaphore_mem>>)
      %add3A_570 = arith.constant 1280 : i32
      %add3A_571 = arith.addi %mul3A_433, %add3A_570 : i32
      %add3A_572 = arith.constant 1280 : i32
      %add3A_573 = arith.addi %mul3A_417, %add3A_572 : i32
      %dma_start3A_574 = tpu.memref_slice %arg12[%add3A_571] : memref<4096xf32, #tpu.memory_space<vmem>> -> memref<128xf32, #tpu.memory_space<vmem>>
      %dma_start3A_575 = tpu.memref_slice %arg10[%add3A_573] : memref<6144xi32, #tpu.memory_space<vmem>> -> memref<128xi32, #tpu.memory_space<vmem>>
      %dma_start3A_576 = arith.constant 0 : i32
      %dma_start3A_577 = tpu.memref_slice %arg14[%dma_start3A_576] : memref<100352xf32, #tpu.memory_space<vmem_shared>> -> memref<100352xf32, #tpu.memory_space<vmem_shared>>
      tpu.enqueue_indirect_dma source(%dma_start3A_577 : memref<100352xf32, #tpu.memory_space<vmem_shared>>) target(%dma_start3A_574 : memref<128xf32, #tpu.memory_space<vmem>>) offsets(%dma_start3A_575 : memref<128xi32, #tpu.memory_space<vmem>>) semaphore(%arg15 : memref<!tpu.dma_semaphore, #tpu.memory_space<semaphore_mem>>)
      %dma_start3A_578 = tpu.memref_slice %arg13[%add3A_571] : memref<4096xf32, #tpu.memory_space<vmem>> -> memref<128xf32, #tpu.memory_space<vmem>>
      %dma_start3A_579 = tpu.memref_slice %arg11[%add3A_573] : memref<6144xi32, #tpu.memory_space<vmem>> -> memref<128xi32, #tpu.memory_space<vmem>>
      %dma_start3A_580 = arith.constant 0 : i32
      %dma_start3A_581 = tpu.memref_slice %arg14[%dma_start3A_580] : memref<100352xf32, #tpu.memory_space<vmem_shared>> -> memref<100352xf32, #tpu.memory_space<vmem_shared>>
      tpu.enqueue_indirect_dma source(%dma_start3A_581 : memref<100352xf32, #tpu.memory_space<vmem_shared>>) target(%dma_start3A_578 : memref<128xf32, #tpu.memory_space<vmem>>) offsets(%dma_start3A_579 : memref<128xi32, #tpu.memory_space<vmem>>) semaphore(%arg15 : memref<!tpu.dma_semaphore, #tpu.memory_space<semaphore_mem>>)
      %add3A_582 = arith.constant 1408 : i32
      %add3A_583 = arith.addi %mul3A_433, %add3A_582 : i32
      %add3A_584 = arith.constant 1408 : i32
      %add3A_585 = arith.addi %mul3A_417, %add3A_584 : i32
      %dma_start3A_586 = tpu.memref_slice %arg12[%add3A_583] : memref<4096xf32, #tpu.memory_space<vmem>> -> memref<128xf32, #tpu.memory_space<vmem>>
      %dma_start3A_587 = tpu.memref_slice %arg10[%add3A_585] : memref<6144xi32, #tpu.memory_space<vmem>> -> memref<128xi32, #tpu.memory_space<vmem>>
      %dma_start3A_588 = arith.constant 0 : i32
      %dma_start3A_589 = tpu.memref_slice %arg14[%dma_start3A_588] : memref<100352xf32, #tpu.memory_space<vmem_shared>> -> memref<100352xf32, #tpu.memory_space<vmem_shared>>
      tpu.enqueue_indirect_dma source(%dma_start3A_589 : memref<100352xf32, #tpu.memory_space<vmem_shared>>) target(%dma_start3A_586 : memref<128xf32, #tpu.memory_space<vmem>>) offsets(%dma_start3A_587 : memref<128xi32, #tpu.memory_space<vmem>>) semaphore(%arg15 : memref<!tpu.dma_semaphore, #tpu.memory_space<semaphore_mem>>)
      %dma_start3A_590 = tpu.memref_slice %arg13[%add3A_583] : memref<4096xf32, #tpu.memory_space<vmem>> -> memref<128xf32, #tpu.memory_space<vmem>>
      %dma_start3A_591 = tpu.memref_slice %arg11[%add3A_585] : memref<6144xi32, #tpu.memory_space<vmem>> -> memref<128xi32, #tpu.memory_space<vmem>>
      %dma_start3A_592 = arith.constant 0 : i32
      %dma_start3A_593 = tpu.memref_slice %arg14[%dma_start3A_592] : memref<100352xf32, #tpu.memory_space<vmem_shared>> -> memref<100352xf32, #tpu.memory_space<vmem_shared>>
      tpu.enqueue_indirect_dma source(%dma_start3A_593 : memref<100352xf32, #tpu.memory_space<vmem_shared>>) target(%dma_start3A_590 : memref<128xf32, #tpu.memory_space<vmem>>) offsets(%dma_start3A_591 : memref<128xi32, #tpu.memory_space<vmem>>) semaphore(%arg15 : memref<!tpu.dma_semaphore, #tpu.memory_space<semaphore_mem>>)
      %add3A_594 = arith.constant 1536 : i32
      %add3A_595 = arith.addi %mul3A_433, %add3A_594 : i32
      %add3A_596 = arith.constant 1536 : i32
      %add3A_597 = arith.addi %mul3A_417, %add3A_596 : i32
      %dma_start3A_598 = tpu.memref_slice %arg12[%add3A_595] : memref<4096xf32, #tpu.memory_space<vmem>> -> memref<128xf32, #tpu.memory_space<vmem>>
      %dma_start3A_599 = tpu.memref_slice %arg10[%add3A_597] : memref<6144xi32, #tpu.memory_space<vmem>> -> memref<128xi32, #tpu.memory_space<vmem>>
      %dma_start3A_600 = arith.constant 0 : i32
      %dma_start3A_601 = tpu.memref_slice %arg14[%dma_start3A_600] : memref<100352xf32, #tpu.memory_space<vmem_shared>> -> memref<100352xf32, #tpu.memory_space<vmem_shared>>
      tpu.enqueue_indirect_dma source(%dma_start3A_601 : memref<100352xf32, #tpu.memory_space<vmem_shared>>) target(%dma_start3A_598 : memref<128xf32, #tpu.memory_space<vmem>>) offsets(%dma_start3A_599 : memref<128xi32, #tpu.memory_space<vmem>>) semaphore(%arg15 : memref<!tpu.dma_semaphore, #tpu.memory_space<semaphore_mem>>)
      %dma_start3A_602 = tpu.memref_slice %arg13[%add3A_595] : memref<4096xf32, #tpu.memory_space<vmem>> -> memref<128xf32, #tpu.memory_space<vmem>>
      %dma_start3A_603 = tpu.memref_slice %arg11[%add3A_597] : memref<6144xi32, #tpu.memory_space<vmem>> -> memref<128xi32, #tpu.memory_space<vmem>>
      %dma_start3A_604 = arith.constant 0 : i32
      %dma_start3A_605 = tpu.memref_slice %arg14[%dma_start3A_604] : memref<100352xf32, #tpu.memory_space<vmem_shared>> -> memref<100352xf32, #tpu.memory_space<vmem_shared>>
      tpu.enqueue_indirect_dma source(%dma_start3A_605 : memref<100352xf32, #tpu.memory_space<vmem_shared>>) target(%dma_start3A_602 : memref<128xf32, #tpu.memory_space<vmem>>) offsets(%dma_start3A_603 : memref<128xi32, #tpu.memory_space<vmem>>) semaphore(%arg15 : memref<!tpu.dma_semaphore, #tpu.memory_space<semaphore_mem>>)
      %add3A_606 = arith.constant 1664 : i32
      %add3A_607 = arith.addi %mul3A_433, %add3A_606 : i32
      %add3A_608 = arith.constant 1664 : i32
      %add3A_609 = arith.addi %mul3A_417, %add3A_608 : i32
      %dma_start3A_610 = tpu.memref_slice %arg12[%add3A_607] : memref<4096xf32, #tpu.memory_space<vmem>> -> memref<128xf32, #tpu.memory_space<vmem>>
      %dma_start3A_611 = tpu.memref_slice %arg10[%add3A_609] : memref<6144xi32, #tpu.memory_space<vmem>> -> memref<128xi32, #tpu.memory_space<vmem>>
      %dma_start3A_612 = arith.constant 0 : i32
      %dma_start3A_613 = tpu.memref_slice %arg14[%dma_start3A_612] : memref<100352xf32, #tpu.memory_space<vmem_shared>> -> memref<100352xf32, #tpu.memory_space<vmem_shared>>
      tpu.enqueue_indirect_dma source(%dma_start3A_613 : memref<100352xf32, #tpu.memory_space<vmem_shared>>) target(%dma_start3A_610 : memref<128xf32, #tpu.memory_space<vmem>>) offsets(%dma_start3A_611 : memref<128xi32, #tpu.memory_space<vmem>>) semaphore(%arg15 : memref<!tpu.dma_semaphore, #tpu.memory_space<semaphore_mem>>)
      %dma_start3A_614 = tpu.memref_slice %arg13[%add3A_607] : memref<4096xf32, #tpu.memory_space<vmem>> -> memref<128xf32, #tpu.memory_space<vmem>>
      %dma_start3A_615 = tpu.memref_slice %arg11[%add3A_609] : memref<6144xi32, #tpu.memory_space<vmem>> -> memref<128xi32, #tpu.memory_space<vmem>>
      %dma_start3A_616 = arith.constant 0 : i32
      %dma_start3A_617 = tpu.memref_slice %arg14[%dma_start3A_616] : memref<100352xf32, #tpu.memory_space<vmem_shared>> -> memref<100352xf32, #tpu.memory_space<vmem_shared>>
      tpu.enqueue_indirect_dma source(%dma_start3A_617 : memref<100352xf32, #tpu.memory_space<vmem_shared>>) target(%dma_start3A_614 : memref<128xf32, #tpu.memory_space<vmem>>) offsets(%dma_start3A_615 : memref<128xi32, #tpu.memory_space<vmem>>) semaphore(%arg15 : memref<!tpu.dma_semaphore, #tpu.memory_space<semaphore_mem>>)
      %add3A_618 = arith.constant 1792 : i32
      %add3A_619 = arith.addi %mul3A_433, %add3A_618 : i32
      %add3A_620 = arith.constant 1792 : i32
      %add3A_621 = arith.addi %mul3A_417, %add3A_620 : i32
      %dma_start3A_622 = tpu.memref_slice %arg12[%add3A_619] : memref<4096xf32, #tpu.memory_space<vmem>> -> memref<128xf32, #tpu.memory_space<vmem>>
      %dma_start3A_623 = tpu.memref_slice %arg10[%add3A_621] : memref<6144xi32, #tpu.memory_space<vmem>> -> memref<128xi32, #tpu.memory_space<vmem>>
      %dma_start3A_624 = arith.constant 0 : i32
      %dma_start3A_625 = tpu.memref_slice %arg14[%dma_start3A_624] : memref<100352xf32, #tpu.memory_space<vmem_shared>> -> memref<100352xf32, #tpu.memory_space<vmem_shared>>
      tpu.enqueue_indirect_dma source(%dma_start3A_625 : memref<100352xf32, #tpu.memory_space<vmem_shared>>) target(%dma_start3A_622 : memref<128xf32, #tpu.memory_space<vmem>>) offsets(%dma_start3A_623 : memref<128xi32, #tpu.memory_space<vmem>>) semaphore(%arg15 : memref<!tpu.dma_semaphore, #tpu.memory_space<semaphore_mem>>)
      %dma_start3A_626 = tpu.memref_slice %arg13[%add3A_619] : memref<4096xf32, #tpu.memory_space<vmem>> -> memref<128xf32, #tpu.memory_space<vmem>>
      %dma_start3A_627 = tpu.memref_slice %arg11[%add3A_621] : memref<6144xi32, #tpu.memory_space<vmem>> -> memref<128xi32, #tpu.memory_space<vmem>>
      %dma_start3A_628 = arith.constant 0 : i32
      %dma_start3A_629 = tpu.memref_slice %arg14[%dma_start3A_628] : memref<100352xf32, #tpu.memory_space<vmem_shared>> -> memref<100352xf32, #tpu.memory_space<vmem_shared>>
      tpu.enqueue_indirect_dma source(%dma_start3A_629 : memref<100352xf32, #tpu.memory_space<vmem_shared>>) target(%dma_start3A_626 : memref<128xf32, #tpu.memory_space<vmem>>) offsets(%dma_start3A_627 : memref<128xi32, #tpu.memory_space<vmem>>) semaphore(%arg15 : memref<!tpu.dma_semaphore, #tpu.memory_space<semaphore_mem>>)
      %add3A_630 = arith.constant 1920 : i32
      %add3A_631 = arith.addi %mul3A_433, %add3A_630 : i32
      %add3A_632 = arith.constant 1920 : i32
      %add3A_633 = arith.addi %mul3A_417, %add3A_632 : i32
      %dma_start3A_634 = tpu.memref_slice %arg12[%add3A_631] : memref<4096xf32, #tpu.memory_space<vmem>> -> memref<128xf32, #tpu.memory_space<vmem>>
      %dma_start3A_635 = tpu.memref_slice %arg10[%add3A_633] : memref<6144xi32, #tpu.memory_space<vmem>> -> memref<128xi32, #tpu.memory_space<vmem>>
      %dma_start3A_636 = arith.constant 0 : i32
      %dma_start3A_637 = tpu.memref_slice %arg14[%dma_start3A_636] : memref<100352xf32, #tpu.memory_space<vmem_shared>> -> memref<100352xf32, #tpu.memory_space<vmem_shared>>
      tpu.enqueue_indirect_dma source(%dma_start3A_637 : memref<100352xf32, #tpu.memory_space<vmem_shared>>) target(%dma_start3A_634 : memref<128xf32, #tpu.memory_space<vmem>>) offsets(%dma_start3A_635 : memref<128xi32, #tpu.memory_space<vmem>>) semaphore(%arg15 : memref<!tpu.dma_semaphore, #tpu.memory_space<semaphore_mem>>)
      %dma_start3A_638 = tpu.memref_slice %arg13[%add3A_631] : memref<4096xf32, #tpu.memory_space<vmem>> -> memref<128xf32, #tpu.memory_space<vmem>>
      %dma_start3A_639 = tpu.memref_slice %arg11[%add3A_633] : memref<6144xi32, #tpu.memory_space<vmem>> -> memref<128xi32, #tpu.memory_space<vmem>>
      %dma_start3A_640 = arith.constant 0 : i32
      %dma_start3A_641 = tpu.memref_slice %arg14[%dma_start3A_640] : memref<100352xf32, #tpu.memory_space<vmem_shared>> -> memref<100352xf32, #tpu.memory_space<vmem_shared>>
      tpu.enqueue_indirect_dma source(%dma_start3A_641 : memref<100352xf32, #tpu.memory_space<vmem_shared>>) target(%dma_start3A_638 : memref<128xf32, #tpu.memory_space<vmem>>) offsets(%dma_start3A_639 : memref<128xi32, #tpu.memory_space<vmem>>) semaphore(%arg15 : memref<!tpu.dma_semaphore, #tpu.memory_space<semaphore_mem>>)
      %add3A_642 = arith.constant 2 : i32
      %add3A_643 = arith.addi %scan3A_406, %add3A_642 : i32
      %mul3A_644 = arith.constant 100352 : i32
      %mul3A_645 = arith.muli %add3A, %mul3A_644 : i32
      %rem3A_646 = arith.constant 49 : i32
      %rem3A_647 = arith.remsi %add3A_643, %rem3A_646 : i32
      %mul3A_648 = arith.constant 2048 : i32
      %mul3A_649 = arith.muli %rem3A_647, %mul3A_648 : i32
      %add3A_650 = arith.addi %mul3A_645, %mul3A_649 : i32
      %dma_start3A_651 = tpu.memref_slice %arg10[%mul3A_423] : memref<6144xi32, #tpu.memory_space<vmem>> -> memref<2048xi32, #tpu.memory_space<vmem>>
      %dma_start3A_652 = tpu.memref_slice %arg2[%add3A_650] : memref<3211264xi32, #tpu.memory_space<hbm>> -> memref<2048xi32, #tpu.memory_space<hbm>>
      %dma_start3A_653 = tpu.memref_slice %arg10[%mul3A_423] : memref<6144xi32, #tpu.memory_space<vmem>> -> memref<2048xi32, #tpu.memory_space<vmem>>
      %dma_start3A_654 = tpu.memref_slice %arg2[%add3A_650] : memref<3211264xi32, #tpu.memory_space<hbm>> -> memref<2048xi32, #tpu.memory_space<hbm>>
      tpu.enqueue_dma source(%dma_start3A_654 : memref<2048xi32, #tpu.memory_space<hbm>>) target(%dma_start3A_653 : memref<2048xi32, #tpu.memory_space<vmem>>) target_semaphore(%arg16 : memref<!tpu.dma_semaphore, #tpu.memory_space<semaphore_mem>>)
      %dma_start3A_655 = tpu.memref_slice %arg11[%mul3A_423] : memref<6144xi32, #tpu.memory_space<vmem>> -> memref<2048xi32, #tpu.memory_space<vmem>>
      %dma_start3A_656 = tpu.memref_slice %arg3[%add3A_650] : memref<3211264xi32, #tpu.memory_space<hbm>> -> memref<2048xi32, #tpu.memory_space<hbm>>
      %dma_start3A_657 = tpu.memref_slice %arg11[%mul3A_423] : memref<6144xi32, #tpu.memory_space<vmem>> -> memref<2048xi32, #tpu.memory_space<vmem>>
      %dma_start3A_658 = tpu.memref_slice %arg3[%add3A_650] : memref<3211264xi32, #tpu.memory_space<hbm>> -> memref<2048xi32, #tpu.memory_space<hbm>>
      tpu.enqueue_dma source(%dma_start3A_658 : memref<2048xi32, #tpu.memory_space<hbm>>) target(%dma_start3A_657 : memref<2048xi32, #tpu.memory_space<vmem>>) target_semaphore(%arg16 : memref<!tpu.dma_semaphore, #tpu.memory_space<semaphore_mem>>)
      %scan3A_659 = arith.constant 0 : i32
      %scan3A_660 = arith.constant 0 : i32
      %scan3A_661 = arith.constant 32 : i32
      %scan3A_662 = arith.addi %scan3A_660, %scan3A_661 : i32
      %scan3A_663 = arith.constant 1 : i32
      %scan3A_664 = scf.for %scan3A_692 = %scan3A_660 to %scan3A_662 step %scan3A_663 iter_args(%scan3A_693 = %scan3A_659) -> (i32)  : i32 {
        %mul3A_694 = arith.constant 4 : i32
        %mul3A_695 = arith.muli %scan3A_692, %mul3A_694 : i32
        %add3A_696 = arith.constant 0 : i32
        %add3A_697 = arith.addi %mul3A_695, %add3A_696 : i32
        %mul3A_698 = arith.constant 16 : i32
        %mul3A_699 = arith.muli %add3A_697, %mul3A_698 : i32
        %add3A_700 = arith.addi %mul3A_411, %mul3A_699 : i32
        %get3A_701 = arith.index_cast %add3A_700 : i32 to index
        %get3A_702 = tpu.vector_load %arg10[%get3A_701] {strides = array<i32>} : memref<6144xi32, #tpu.memory_space<vmem>>, vector<16xi32>,
        %mul3A_703 = arith.constant 16 : i32
        %mul3A_704 = arith.muli %add3A_697, %mul3A_703 : i32
        %add3A_705 = arith.addi %mul3A_427, %mul3A_704 : i32
        %get3A_706 = arith.index_cast %add3A_705 : i32 to index
        %get3A_707 = tpu.vector_load %arg12[%get3A_706] {strides = array<i32>} : memref<4096xf32, #tpu.memory_space<vmem>>, vector<16xf32>,
        %mul3A_708 = arith.constant 16 : i32
        %mul3A_709 = arith.muli %add3A_697, %mul3A_708 : i32
        %add3A_710 = arith.addi %mul3A_427, %mul3A_709 : i32
        %get3A_711 = arith.index_cast %add3A_710 : i32 to index
        %get3A_712 = tpu.vector_load %arg13[%get3A_711] {strides = array<i32>} : memref<4096xf32, #tpu.memory_space<vmem>>, vector<16xf32>,
        %sub3A = arith.subf %get3A_707, %get3A_712 : vector<16xf32>
        %abs3A = math.absf %sub3A : vector<16xf32>
        %broadcast_in_dim3A_713 = arith.constant true
        %broadcast_in_dim3A_714 = vector.broadcast %broadcast_in_dim3A_713 : i1 to vector<16xi1>
        %unique3A, %unique3A_715 = tpu.scan_count mask(%broadcast_in_dim3A_714 : vector<16xi1>) value(%get3A_702 : vector<16xi32>) : vector<16xi1>, vector<16xi32>
        %eq3A = arith.constant 0 : i32
        %eq3A_716 = vector.broadcast %eq3A : i32 to vector<16xi32>
        %eq3A_717 = arith.cmpi eq, %unique3A_715, %eq3A_716 : vector<16xi32>
        %mul3A_718 = arith.constant 4 : i32
        %mul3A_719 = arith.muli %scan3A_692, %mul3A_718 : i32
        %add3A_720 = arith.constant 1 : i32
        %add3A_721 = arith.addi %mul3A_719, %add3A_720 : i32
        %mul3A_722 = arith.constant 16 : i32
        %mul3A_723 = arith.muli %add3A_721, %mul3A_722 : i32
        %add3A_724 = arith.addi %mul3A_411, %mul3A_723 : i32
        %get3A_725 = arith.index_cast %add3A_724 : i32 to index
        %get3A_726 = tpu.vector_load %arg10[%get3A_725] {strides = array<i32>} : memref<6144xi32, #tpu.memory_space<vmem>>, vector<16xi32>,
        %mul3A_727 = arith.constant 16 : i32
        %mul3A_728 = arith.muli %add3A_721, %mul3A_727 : i32
        %add3A_729 = arith.addi %mul3A_427, %mul3A_728 : i32
        %get3A_730 = arith.index_cast %add3A_729 : i32 to index
        %get3A_731 = tpu.vector_load %arg12[%get3A_730] {strides = array<i32>} : memref<4096xf32, #tpu.memory_space<vmem>>, vector<16xf32>,
        %mul3A_732 = arith.constant 16 : i32
        %mul3A_733 = arith.muli %add3A_721, %mul3A_732 : i32
        %add3A_734 = arith.addi %mul3A_427, %mul3A_733 : i32
        %get3A_735 = arith.index_cast %add3A_734 : i32 to index
        %get3A_736 = tpu.vector_load %arg13[%get3A_735] {strides = array<i32>} : memref<4096xf32, #tpu.memory_space<vmem>>, vector<16xf32>,
        %sub3A_737 = arith.subf %get3A_731, %get3A_736 : vector<16xf32>
        %abs3A_738 = math.absf %sub3A_737 : vector<16xf32>
        %broadcast_in_dim3A_739 = arith.constant true
        %broadcast_in_dim3A_740 = vector.broadcast %broadcast_in_dim3A_739 : i1 to vector<16xi1>
        %unique3A_741, %unique3A_742 = tpu.scan_count mask(%broadcast_in_dim3A_740 : vector<16xi1>) value(%get3A_726 : vector<16xi32>) : vector<16xi1>, vector<16xi32>
        %eq3A_743 = arith.constant 0 : i32
        %eq3A_744 = vector.broadcast %eq3A_743 : i32 to vector<16xi32>
        %eq3A_745 = arith.cmpi eq, %unique3A_742, %eq3A_744 : vector<16xi32>
        %mul3A_746 = arith.constant 4 : i32
        %mul3A_747 = arith.muli %scan3A_692, %mul3A_746 : i32
        %add3A_748 = arith.constant 2 : i32
        %add3A_749 = arith.addi %mul3A_747, %add3A_748 : i32
        %mul3A_750 = arith.constant 16 : i32
        %mul3A_751 = arith.muli %add3A_749, %mul3A_750 : i32
        %add3A_752 = arith.addi %mul3A_411, %mul3A_751 : i32
        %get3A_753 = arith.index_cast %add3A_752 : i32 to index
        %get3A_754 = tpu.vector_load %arg10[%get3A_753] {strides = array<i32>} : memref<6144xi32, #tpu.memory_space<vmem>>, vector<16xi32>,
        %mul3A_755 = arith.constant 16 : i32
        %mul3A_756 = arith.muli %add3A_749, %mul3A_755 : i32
        %add3A_757 = arith.addi %mul3A_427, %mul3A_756 : i32
        %get3A_758 = arith.index_cast %add3A_757 : i32 to index
        %get3A_759 = tpu.vector_load %arg12[%get3A_758] {strides = array<i32>} : memref<4096xf32, #tpu.memory_space<vmem>>, vector<16xf32>,
        %mul3A_760 = arith.constant 16 : i32
        %mul3A_761 = arith.muli %add3A_749, %mul3A_760 : i32
        %add3A_762 = arith.addi %mul3A_427, %mul3A_761 : i32
        %get3A_763 = arith.index_cast %add3A_762 : i32 to index
        %get3A_764 = tpu.vector_load %arg13[%get3A_763] {strides = array<i32>} : memref<4096xf32, #tpu.memory_space<vmem>>, vector<16xf32>,
        %sub3A_765 = arith.subf %get3A_759, %get3A_764 : vector<16xf32>
        %abs3A_766 = math.absf %sub3A_765 : vector<16xf32>
        %broadcast_in_dim3A_767 = arith.constant true
        %broadcast_in_dim3A_768 = vector.broadcast %broadcast_in_dim3A_767 : i1 to vector<16xi1>
        %unique3A_769, %unique3A_770 = tpu.scan_count mask(%broadcast_in_dim3A_768 : vector<16xi1>) value(%get3A_754 : vector<16xi32>) : vector<16xi1>, vector<16xi32>
        %eq3A_771 = arith.constant 0 : i32
        %eq3A_772 = vector.broadcast %eq3A_771 : i32 to vector<16xi32>
        %eq3A_773 = arith.cmpi eq, %unique3A_770, %eq3A_772 : vector<16xi32>
        %mul3A_774 = arith.constant 4 : i32
        %mul3A_775 = arith.muli %scan3A_692, %mul3A_774 : i32
        %add3A_776 = arith.constant 3 : i32
        %add3A_777 = arith.addi %mul3A_775, %add3A_776 : i32
        %mul3A_778 = arith.constant 16 : i32
        %mul3A_779 = arith.muli %add3A_777, %mul3A_778 : i32
        %add3A_780 = arith.addi %mul3A_411, %mul3A_779 : i32
        %get3A_781 = arith.index_cast %add3A_780 : i32 to index
        %get3A_782 = tpu.vector_load %arg10[%get3A_781] {strides = array<i32>} : memref<6144xi32, #tpu.memory_space<vmem>>, vector<16xi32>,
        %mul3A_783 = arith.constant 16 : i32
        %mul3A_784 = arith.muli %add3A_777, %mul3A_783 : i32
        %add3A_785 = arith.addi %mul3A_427, %mul3A_784 : i32
        %get3A_786 = arith.index_cast %add3A_785 : i32 to index
        %get3A_787 = tpu.vector_load %arg12[%get3A_786] {strides = array<i32>} : memref<4096xf32, #tpu.memory_space<vmem>>, vector<16xf32>,
        %mul3A_788 = arith.constant 16 : i32
        %mul3A_789 = arith.muli %add3A_777, %mul3A_788 : i32
        %add3A_790 = arith.addi %mul3A_427, %mul3A_789 : i32
        %get3A_791 = arith.index_cast %add3A_790 : i32 to index
        %get3A_792 = tpu.vector_load %arg13[%get3A_791] {strides = array<i32>} : memref<4096xf32, #tpu.memory_space<vmem>>, vector<16xf32>,
        %sub3A_793 = arith.subf %get3A_787, %get3A_792 : vector<16xf32>
        %abs3A_794 = math.absf %sub3A_793 : vector<16xf32>
        %broadcast_in_dim3A_795 = arith.constant true
        %broadcast_in_dim3A_796 = vector.broadcast %broadcast_in_dim3A_795 : i1 to vector<16xi1>
        %unique3A_797, %unique3A_798 = tpu.scan_count mask(%broadcast_in_dim3A_796 : vector<16xi1>) value(%get3A_782 : vector<16xi32>) : vector<16xi1>, vector<16xi32>
        %eq3A_799 = arith.constant 0 : i32
        %eq3A_800 = vector.broadcast %eq3A_799 : i32 to vector<16xi32>
        %eq3A_801 = arith.cmpi eq, %unique3A_798, %eq3A_800 : vector<16xi32>
        %gather3A = tpu.vector_load_idx %arg7[%get3A_702] : memref<100352xf32, #tpu.memory_space<vmem>>[vector<16xi32>], vector<16xf32>,
        %max3A = arith.maximumf %gather3A, %abs3A : vector<16xf32>
        tpu.vector_store_idx %arg7[%get3A_702], %max3A masked %eq3A_717 : memref<100352xf32, #tpu.memory_space<vmem>>[vector<16xi32>], vector<16xf32>, vector<16xi1>
        %gather3A_802 = tpu.vector_load_idx %arg7[%get3A_726] : memref<100352xf32, #tpu.memory_space<vmem>>[vector<16xi32>], vector<16xf32>,
        %max3A_803 = arith.maximumf %gather3A_802, %abs3A_738 : vector<16xf32>
        tpu.vector_store_idx %arg7[%get3A_726], %max3A_803 masked %eq3A_745 : memref<100352xf32, #tpu.memory_space<vmem>>[vector<16xi32>], vector<16xf32>, vector<16xi1>
        %gather3A_804 = tpu.vector_load_idx %arg7[%get3A_754] : memref<100352xf32, #tpu.memory_space<vmem>>[vector<16xi32>], vector<16xf32>,
        %max3A_805 = arith.maximumf %gather3A_804, %abs3A_766 : vector<16xf32>
        tpu.vector_store_idx %arg7[%get3A_754], %max3A_805 masked %eq3A_773 : memref<100352xf32, #tpu.memory_space<vmem>>[vector<16xi32>], vector<16xf32>, vector<16xi1>
        %gather3A_806 = tpu.vector_load_idx %arg7[%get3A_782] : memref<100352xf32, #tpu.memory_space<vmem>>[vector<16xi32>], vector<16xf32>,
        %max3A_807 = arith.maximumf %gather3A_806, %abs3A_794 : vector<16xf32>
        tpu.vector_store_idx %arg7[%get3A_782], %max3A_807 masked %eq3A_801 : memref<100352xf32, #tpu.memory_space<vmem>>[vector<16xi32>], vector<16xf32>, vector<16xi1>
        %scan3A_808 = arith.constant 0 : i32
        scf.yield %scan3A_808 : i32
      }
      %scan3A_665 = arith.constant 32 : i32
      %broadcast_in_dim3A_666 = arith.constant 0.000000e+00 : f32
      %broadcast_in_dim3A_667 = vector.broadcast %broadcast_in_dim3A_666 : f32 to vector<16xf32>
      %scan3A_668 = arith.constant 0 : i32
      %scan3A_669 = arith.constant 32 : i32
      %scan3A_670 = arith.addi %scan3A_668, %scan3A_669 : i32
      %scan3A_671 = arith.constant 1 : i32
      %scan3A_672 = scf.for %scan3A_692 = %scan3A_668 to %scan3A_670 step %scan3A_671 iter_args(%scan3A_693 = %broadcast_in_dim3A_667) -> (vector<16xf32>)  : i32 {
        %mul3A_694 = arith.constant 4 : i32
        %mul3A_695 = arith.muli %scan3A_692, %mul3A_694 : i32
        %add3A_696 = arith.constant 0 : i32
        %add3A_697 = arith.addi %mul3A_695, %add3A_696 : i32
        %mul3A_698 = arith.constant 16 : i32
        %mul3A_699 = arith.muli %add3A_697, %mul3A_698 : i32
        %add3A_700 = arith.addi %mul3A_411, %mul3A_699 : i32
        %get3A_701 = arith.index_cast %add3A_700 : i32 to index
        %get3A_702 = tpu.vector_load %arg10[%get3A_701] {strides = array<i32>} : memref<6144xi32, #tpu.memory_space<vmem>>, vector<16xi32>,
        %mul3A_703 = arith.constant 16 : i32
        %mul3A_704 = arith.muli %add3A_697, %mul3A_703 : i32
        %add3A_705 = arith.addi %mul3A_427, %mul3A_704 : i32
        %get3A_706 = arith.index_cast %add3A_705 : i32 to index
        %get3A_707 = tpu.vector_load %arg12[%get3A_706] {strides = array<i32>} : memref<4096xf32, #tpu.memory_space<vmem>>, vector<16xf32>,
        %mul3A_708 = arith.constant 16 : i32
        %mul3A_709 = arith.muli %add3A_697, %mul3A_708 : i32
        %add3A_710 = arith.addi %mul3A_427, %mul3A_709 : i32
        %get3A_711 = arith.index_cast %add3A_710 : i32 to index
        %get3A_712 = tpu.vector_load %arg13[%get3A_711] {strides = array<i32>} : memref<4096xf32, #tpu.memory_space<vmem>>, vector<16xf32>,
        %sub3A = arith.subf %get3A_707, %get3A_712 : vector<16xf32>
        %abs3A = math.absf %sub3A : vector<16xf32>
        %gather3A = tpu.vector_load_idx %arg7[%get3A_702] : memref<100352xf32, #tpu.memory_space<vmem>>[vector<16xi32>], vector<16xf32>,
        %sub3A_713 = arith.subf %gather3A, %abs3A : vector<16xf32>
        %min3A = arith.minimumf %scan3A_693, %sub3A_713 : vector<16xf32>
        %mul3A_714 = arith.constant 4 : i32
        %mul3A_715 = arith.muli %scan3A_692, %mul3A_714 : i32
        %add3A_716 = arith.constant 1 : i32
        %add3A_717 = arith.addi %mul3A_715, %add3A_716 : i32
        %mul3A_718 = arith.constant 16 : i32
        %mul3A_719 = arith.muli %add3A_717, %mul3A_718 : i32
        %add3A_720 = arith.addi %mul3A_411, %mul3A_719 : i32
        %get3A_721 = arith.index_cast %add3A_720 : i32 to index
        %get3A_722 = tpu.vector_load %arg10[%get3A_721] {strides = array<i32>} : memref<6144xi32, #tpu.memory_space<vmem>>, vector<16xi32>,
        %mul3A_723 = arith.constant 16 : i32
        %mul3A_724 = arith.muli %add3A_717, %mul3A_723 : i32
        %add3A_725 = arith.addi %mul3A_427, %mul3A_724 : i32
        %get3A_726 = arith.index_cast %add3A_725 : i32 to index
        %get3A_727 = tpu.vector_load %arg12[%get3A_726] {strides = array<i32>} : memref<4096xf32, #tpu.memory_space<vmem>>, vector<16xf32>,
        %mul3A_728 = arith.constant 16 : i32
        %mul3A_729 = arith.muli %add3A_717, %mul3A_728 : i32
        %add3A_730 = arith.addi %mul3A_427, %mul3A_729 : i32
        %get3A_731 = arith.index_cast %add3A_730 : i32 to index
        %get3A_732 = tpu.vector_load %arg13[%get3A_731] {strides = array<i32>} : memref<4096xf32, #tpu.memory_space<vmem>>, vector<16xf32>,
        %sub3A_733 = arith.subf %get3A_727, %get3A_732 : vector<16xf32>
        %abs3A_734 = math.absf %sub3A_733 : vector<16xf32>
        %gather3A_735 = tpu.vector_load_idx %arg7[%get3A_722] : memref<100352xf32, #tpu.memory_space<vmem>>[vector<16xi32>], vector<16xf32>,
        %sub3A_736 = arith.subf %gather3A_735, %abs3A_734 : vector<16xf32>
        %min3A_737 = arith.minimumf %min3A, %sub3A_736 : vector<16xf32>
        %mul3A_738 = arith.constant 4 : i32
        %mul3A_739 = arith.muli %scan3A_692, %mul3A_738 : i32
        %add3A_740 = arith.constant 2 : i32
        %add3A_741 = arith.addi %mul3A_739, %add3A_740 : i32
        %mul3A_742 = arith.constant 16 : i32
        %mul3A_743 = arith.muli %add3A_741, %mul3A_742 : i32
        %add3A_744 = arith.addi %mul3A_411, %mul3A_743 : i32
        %get3A_745 = arith.index_cast %add3A_744 : i32 to index
        %get3A_746 = tpu.vector_load %arg10[%get3A_745] {strides = array<i32>} : memref<6144xi32, #tpu.memory_space<vmem>>, vector<16xi32>,
        %mul3A_747 = arith.constant 16 : i32
        %mul3A_748 = arith.muli %add3A_741, %mul3A_747 : i32
        %add3A_749 = arith.addi %mul3A_427, %mul3A_748 : i32
        %get3A_750 = arith.index_cast %add3A_749 : i32 to index
        %get3A_751 = tpu.vector_load %arg12[%get3A_750] {strides = array<i32>} : memref<4096xf32, #tpu.memory_space<vmem>>, vector<16xf32>,
        %mul3A_752 = arith.constant 16 : i32
        %mul3A_753 = arith.muli %add3A_741, %mul3A_752 : i32
        %add3A_754 = arith.addi %mul3A_427, %mul3A_753 : i32
        %get3A_755 = arith.index_cast %add3A_754 : i32 to index
        %get3A_756 = tpu.vector_load %arg13[%get3A_755] {strides = array<i32>} : memref<4096xf32, #tpu.memory_space<vmem>>, vector<16xf32>,
        %sub3A_757 = arith.subf %get3A_751, %get3A_756 : vector<16xf32>
        %abs3A_758 = math.absf %sub3A_757 : vector<16xf32>
        %gather3A_759 = tpu.vector_load_idx %arg7[%get3A_746] : memref<100352xf32, #tpu.memory_space<vmem>>[vector<16xi32>], vector<16xf32>,
        %sub3A_760 = arith.subf %gather3A_759, %abs3A_758 : vector<16xf32>
        %min3A_761 = arith.minimumf %min3A_737, %sub3A_760 : vector<16xf32>
        %mul3A_762 = arith.constant 4 : i32
        %mul3A_763 = arith.muli %scan3A_692, %mul3A_762 : i32
        %add3A_764 = arith.constant 3 : i32
        %add3A_765 = arith.addi %mul3A_763, %add3A_764 : i32
        %mul3A_766 = arith.constant 16 : i32
        %mul3A_767 = arith.muli %add3A_765, %mul3A_766 : i32
        %add3A_768 = arith.addi %mul3A_411, %mul3A_767 : i32
        %get3A_769 = arith.index_cast %add3A_768 : i32 to index
        %get3A_770 = tpu.vector_load %arg10[%get3A_769] {strides = array<i32>} : memref<6144xi32, #tpu.memory_space<vmem>>, vector<16xi32>,
        %mul3A_771 = arith.constant 16 : i32
        %mul3A_772 = arith.muli %add3A_765, %mul3A_771 : i32
        %add3A_773 = arith.addi %mul3A_427, %mul3A_772 : i32
        %get3A_774 = arith.index_cast %add3A_773 : i32 to index
        %get3A_775 = tpu.vector_load %arg12[%get3A_774] {strides = array<i32>} : memref<4096xf32, #tpu.memory_space<vmem>>, vector<16xf32>,
        %mul3A_776 = arith.constant 16 : i32
        %mul3A_777 = arith.muli %add3A_765, %mul3A_776 : i32
        %add3A_778 = arith.addi %mul3A_427, %mul3A_777 : i32
        %get3A_779 = arith.index_cast %add3A_778 : i32 to index
        %get3A_780 = tpu.vector_load %arg13[%get3A_779] {strides = array<i32>} : memref<4096xf32, #tpu.memory_space<vmem>>, vector<16xf32>,
        %sub3A_781 = arith.subf %get3A_775, %get3A_780 : vector<16xf32>
        %abs3A_782 = math.absf %sub3A_781 : vector<16xf32>
        %gather3A_783 = tpu.vector_load_idx %arg7[%get3A_770] : memref<100352xf32, #tpu.memory_space<vmem>>[vector<16xi32>], vector<16xf32>,
        %sub3A_784 = arith.subf %gather3A_783, %abs3A_782 : vector<16xf32>
        %min3A_785 = arith.minimumf %min3A_761, %sub3A_784 : vector<16xf32>
        scf.yield %min3A_785 : vector<16xf32>
      }
      %scan3A_673 = arith.constant 32 : i32
      %lt3A_674 = arith.constant 0.000000e+00 : f32
      %lt3A_675 = vector.broadcast %lt3A_674 : f32 to vector<16xf32>
      %lt3A_676 = arith.cmpf olt, %scan3A_672, %lt3A_675 : vector<16xf32>
      %reduce_or3A_677 = arith.constant 1.000000e+00 : f32
      %reduce_or3A_678 = arith.constant 0.000000e+00 : f32
      %reduce_or3A_679 = vector.broadcast %reduce_or3A_677 : f32 to vector<16xf32>
      %reduce_or3A_680 = vector.broadcast %reduce_or3A_678 : f32 to vector<16xf32>
      %reduce_or3A_681 = arith.select %lt3A_676, %reduce_or3A_679, %reduce_or3A_680 : vector<16xi1>, vector<16xf32>
      %reduce_or3A_682 = arith.constant true
      %reduce_or3A_683 = vector.broadcast %reduce_or3A_682 : i1 to vector<16xi1>
      %reduce_or3A_684 = tpu.scan <max>, %reduce_or3A_681 masked %reduce_or3A_683 : vector<16xf32>, vector<16xi1> -> vector<16xf32>
      %reduce_or3A_685 = vector.extract %reduce_or3A_684[15] : f32 from vector<16xf32>
      %reduce_or3A_686 = arith.constant 0.000000e+00 : f32
      %reduce_or3A_687 = arith.cmpf ogt, %reduce_or3A_685, %reduce_or3A_686 : f32
      %convert_element_type3A_688 = arith.extui %reduce_or3A_687 : i1 to i32
      %cond3A_689 = arith.constant 0 : i32
      %cond3A_690 = arith.cmpi ne, %convert_element_type3A_688, %cond3A_689 : i32
      scf.if %cond3A_690 {
        %iota3A = tpu.iota {dimensions = array<i32: 0>} : vector<16xi32>
        %scan3A_692 = arith.constant 0 : i32
        %scan3A_693 = arith.constant 0 : i32
        %scan3A_694 = arith.constant 128 : i32
        %scan3A_695 = arith.addi %scan3A_693, %scan3A_694 : i32
        %scan3A_696 = arith.constant 1 : i32
        %scan3A_697 = scf.for %scan3A_699 = %scan3A_693 to %scan3A_695 step %scan3A_696 iter_args(%scan3A_700 = %scan3A_692) -> (i32)  : i32 {
          %mul3A_701 = arith.constant 16 : i32
          %mul3A_702 = arith.muli %scan3A_699, %mul3A_701 : i32
          %add3A_703 = arith.addi %mul3A_411, %mul3A_702 : i32
          %get3A_704 = arith.index_cast %add3A_703 : i32 to index
          %get3A_705 = tpu.vector_load %arg10[%get3A_704] {strides = array<i32>} : memref<6144xi32, #tpu.memory_space<vmem>>, vector<16xi32>,
          %mul3A_706 = arith.constant 16 : i32
          %mul3A_707 = arith.muli %scan3A_699, %mul3A_706 : i32
          %add3A_708 = arith.addi %mul3A_427, %mul3A_707 : i32
          %get3A_709 = arith.index_cast %add3A_708 : i32 to index
          %get3A_710 = tpu.vector_load %arg12[%get3A_709] {strides = array<i32>} : memref<4096xf32, #tpu.memory_space<vmem>>, vector<16xf32>,
          %mul3A_711 = arith.constant 16 : i32
          %mul3A_712 = arith.muli %scan3A_699, %mul3A_711 : i32
          %add3A_713 = arith.addi %mul3A_427, %mul3A_712 : i32
          %get3A_714 = arith.index_cast %add3A_713 : i32 to index
          %get3A_715 = tpu.vector_load %arg13[%get3A_714] {strides = array<i32>} : memref<4096xf32, #tpu.memory_space<vmem>>, vector<16xf32>,
          %sub3A = arith.subf %get3A_710, %get3A_715 : vector<16xf32>
          %abs3A = math.absf %sub3A : vector<16xf32>
          %masked_sort3A = arith.constant dense<true> : vector<16xi1>
          %masked_sort3A_716 = arith.constant -2147483648 : i32
          %masked_sort3A_717 = vector.broadcast %masked_sort3A_716 : i32 to vector<16xi32>
          %masked_sort3A_718 = arith.xori %get3A_705, %masked_sort3A_717 : vector<16xi32>
          %masked_sort3A_719, %masked_sort3A_720, %masked_sort3A_721 = tpu.sort %masked_sort3A_718, %abs3A masked %masked_sort3A : (vector<16xi32>, vector<16xf32>, vector<16xi1>) -> (vector<16xi1>, vector<16xi32>, vector<16xf32>)
          %masked_sort3A_722 = arith.xori %masked_sort3A_720, %masked_sort3A_717 : vector<16xi32>
          %sub3A_723 = arith.constant 1 : i32
          %sub3A_724 = vector.broadcast %sub3A_723 : i32 to vector<16xi32>
          %sub3A_725 = arith.subi %iota3A, %sub3A_724 : vector<16xi32>
          %max3A = arith.constant 0 : i32
          %max3A_726 = vector.broadcast %max3A : i32 to vector<16xi32>
          %max3A_727 = arith.maxsi %sub3A_725, %max3A_726 : vector<16xi32>
          %broadcast_in_dim3A_728 = vector.shape_cast %max3A_727 : vector<16xi32> to vector<16x1xi32>
          %gather3A = vector.shape_cast %broadcast_in_dim3A_728 : vector<16x1xi32> to vector<16xi32>
          %gather3A_729 = tpu.dynamic_gather %masked_sort3A_722[%gather3A] in [0] : vector<16xi32>, vector<16xi32> -> vector<16xi32>
          %eq3A = arith.cmpi eq, %gather3A_729, %masked_sort3A_722 : vector<16xi32>
          %broadcast_in_dim3A_730 = vector.shape_cast %max3A_727 : vector<16xi32> to vector<16x1xi32>
          %gather3A_731 = vector.shape_cast %broadcast_in_dim3A_730 : vector<16x1xi32> to vector<16xi32>
          %gather3A_732 = tpu.dynamic_gather %masked_sort3A_721[%gather3A_731] in [0] : vector<16xf32>, vector<16xi32> -> vector<16xf32>
          %max3A_733 = arith.maximumf %masked_sort3A_721, %gather3A_732 : vector<16xf32>
          %select_n3A = arith.select %eq3A, %max3A_733, %masked_sort3A_721 : vector<16xi1>, vector<16xf32>
          %sub3A_734 = arith.constant 2 : i32
          %sub3A_735 = vector.broadcast %sub3A_734 : i32 to vector<16xi32>
          %sub3A_736 = arith.subi %iota3A, %sub3A_735 : vector<16xi32>
          %max3A_737 = arith.constant 0 : i32
          %max3A_738 = vector.broadcast %max3A_737 : i32 to vector<16xi32>
          %max3A_739 = arith.maxsi %sub3A_736, %max3A_738 : vector<16xi32>
          %broadcast_in_dim3A_740 = vector.shape_cast %max3A_739 : vector<16xi32> to vector<16x1xi32>
          %gather3A_741 = vector.shape_cast %broadcast_in_dim3A_740 : vector<16x1xi32> to vector<16xi32>
          %gather3A_742 = tpu.dynamic_gather %masked_sort3A_722[%gather3A_741] in [0] : vector<16xi32>, vector<16xi32> -> vector<16xi32>
          %eq3A_743 = arith.cmpi eq, %gather3A_742, %masked_sort3A_722 : vector<16xi32>
          %broadcast_in_dim3A_744 = vector.shape_cast %max3A_739 : vector<16xi32> to vector<16x1xi32>
          %gather3A_745 = vector.shape_cast %broadcast_in_dim3A_744 : vector<16x1xi32> to vector<16xi32>
          %gather3A_746 = tpu.dynamic_gather %select_n3A[%gather3A_745] in [0] : vector<16xf32>, vector<16xi32> -> vector<16xf32>
          %max3A_747 = arith.maximumf %select_n3A, %gather3A_746 : vector<16xf32>
          %select_n3A_748 = arith.select %eq3A_743, %max3A_747, %select_n3A : vector<16xi1>, vector<16xf32>
          %sub3A_749 = arith.constant 4 : i32
          %sub3A_750 = vector.broadcast %sub3A_749 : i32 to vector<16xi32>
          %sub3A_751 = arith.subi %iota3A, %sub3A_750 : vector<16xi32>
          %max3A_752 = arith.constant 0 : i32
          %max3A_753 = vector.broadcast %max3A_752 : i32 to vector<16xi32>
          %max3A_754 = arith.maxsi %sub3A_751, %max3A_753 : vector<16xi32>
          %broadcast_in_dim3A_755 = vector.shape_cast %max3A_754 : vector<16xi32> to vector<16x1xi32>
          %gather3A_756 = vector.shape_cast %broadcast_in_dim3A_755 : vector<16x1xi32> to vector<16xi32>
          %gather3A_757 = tpu.dynamic_gather %masked_sort3A_722[%gather3A_756] in [0] : vector<16xi32>, vector<16xi32> -> vector<16xi32>
          %eq3A_758 = arith.cmpi eq, %gather3A_757, %masked_sort3A_722 : vector<16xi32>
          %broadcast_in_dim3A_759 = vector.shape_cast %max3A_754 : vector<16xi32> to vector<16x1xi32>
          %gather3A_760 = vector.shape_cast %broadcast_in_dim3A_759 : vector<16x1xi32> to vector<16xi32>
          %gather3A_761 = tpu.dynamic_gather %select_n3A_748[%gather3A_760] in [0] : vector<16xf32>, vector<16xi32> -> vector<16xf32>
          %max3A_762 = arith.maximumf %select_n3A_748, %gather3A_761 : vector<16xf32>
          %select_n3A_763 = arith.select %eq3A_758, %max3A_762, %select_n3A_748 : vector<16xi1>, vector<16xf32>
          %sub3A_764 = arith.constant 8 : i32
          %sub3A_765 = vector.broadcast %sub3A_764 : i32 to vector<16xi32>
          %sub3A_766 = arith.subi %iota3A, %sub3A_765 : vector<16xi32>
          %max3A_767 = arith.constant 0 : i32
          %max3A_768 = vector.broadcast %max3A_767 : i32 to vector<16xi32>
          %max3A_769 = arith.maxsi %sub3A_766, %max3A_768 : vector<16xi32>
          %broadcast_in_dim3A_770 = vector.shape_cast %max3A_769 : vector<16xi32> to vector<16x1xi32>
          %gather3A_771 = vector.shape_cast %broadcast_in_dim3A_770 : vector<16x1xi32> to vector<16xi32>
          %gather3A_772 = tpu.dynamic_gather %masked_sort3A_722[%gather3A_771] in [0] : vector<16xi32>, vector<16xi32> -> vector<16xi32>
          %eq3A_773 = arith.cmpi eq, %gather3A_772, %masked_sort3A_722 : vector<16xi32>
          %broadcast_in_dim3A_774 = vector.shape_cast %max3A_769 : vector<16xi32> to vector<16x1xi32>
          %gather3A_775 = vector.shape_cast %broadcast_in_dim3A_774 : vector<16x1xi32> to vector<16xi32>
          %gather3A_776 = tpu.dynamic_gather %select_n3A_763[%gather3A_775] in [0] : vector<16xf32>, vector<16xi32> -> vector<16xf32>
          %max3A_777 = arith.maximumf %select_n3A_763, %gather3A_776 : vector<16xf32>
          %select_n3A_778 = arith.select %eq3A_773, %max3A_777, %select_n3A_763 : vector<16xi1>, vector<16xf32>
          %add3A_779 = arith.constant 1 : i32
          %add3A_780 = vector.broadcast %add3A_779 : i32 to vector<16xi32>
          %add3A_781 = arith.addi %iota3A, %add3A_780 : vector<16xi32>
          %min3A = arith.constant 15 : i32
          %min3A_782 = vector.broadcast %min3A : i32 to vector<16xi32>
          %min3A_783 = arith.minsi %add3A_781, %min3A_782 : vector<16xi32>
          %broadcast_in_dim3A_784 = vector.shape_cast %min3A_783 : vector<16xi32> to vector<16x1xi32>
          %gather3A_785 = vector.shape_cast %broadcast_in_dim3A_784 : vector<16x1xi32> to vector<16xi32>
          %gather3A_786 = tpu.dynamic_gather %masked_sort3A_722[%gather3A_785] in [0] : vector<16xi32>, vector<16xi32> -> vector<16xi32>
          %ne3A = arith.cmpi ne, %masked_sort3A_722, %gather3A_786 : vector<16xi32>
          %eq3A_787 = arith.constant 15 : i32
          %eq3A_788 = vector.broadcast %eq3A_787 : i32 to vector<16xi32>
          %eq3A_789 = arith.cmpi eq, %iota3A, %eq3A_788 : vector<16xi32>
          %or3A = arith.ori %ne3A, %eq3A_789 : vector<16xi1>
          %gather3A_790 = tpu.vector_load_idx %arg7[%masked_sort3A_722] : memref<100352xf32, #tpu.memory_space<vmem>>[vector<16xi32>], vector<16xf32>,
          %max3A_791 = arith.maximumf %gather3A_790, %select_n3A_778 : vector<16xf32>
          tpu.vector_store_idx %arg7[%masked_sort3A_722], %max3A_791 masked %or3A : memref<100352xf32, #tpu.memory_space<vmem>>[vector<16xi32>], vector<16xf32>, vector<16xi1>
          %scan3A_792 = arith.constant 0 : i32
          scf.yield %scan3A_792 : i32
        }
        %scan3A_698 = arith.constant 128 : i32
      } else {
      }
      %scan3A_691 = arith.constant 0 : i32
      scf.yield %scan3A_691 : i32
    }
    %scan3A_349 = arith.constant 48 : i32
    %dma_wait3A_350 = arith.constant 0 : i32
    %dma_wait3A_351 = tpu.memref_slice %arg12[%dma_wait3A_350] : memref<4096xf32, #tpu.memory_space<vmem>> -> memref<4096xf32, #tpu.memory_space<vmem>>
    %dma_wait3A_352 = arith.constant 0 : i32
    %dma_wait3A_353 = tpu.memref_slice %arg4[%dma_wait3A_352] : memref<301056xf32, #tpu.memory_space<hbm>> -> memref<4096xf32, #tpu.memory_space<hbm>>
    %dma_wait3A_354 = arith.constant 0 : i32
    %dma_wait3A_355 = tpu.memref_slice %arg12[%dma_wait3A_354] : memref<4096xf32, #tpu.memory_space<vmem>> -> memref<4096xf32, #tpu.memory_space<vmem>>
    %dma_wait3A_356 = arith.constant 0 : i32
    %dma_wait3A_357 = tpu.memref_slice %arg4[%dma_wait3A_356] : memref<301056xf32, #tpu.memory_space<hbm>> -> memref<4096xf32, #tpu.memory_space<hbm>>
    tpu.wait_dma2 semaphore(%arg15 : memref<!tpu.dma_semaphore, #tpu.memory_space<semaphore_mem>>) src(%dma_wait3A_357 : memref<4096xf32, #tpu.memory_space<hbm>>) dst(%dma_wait3A_355 : memref<4096xf32, #tpu.memory_space<vmem>>)
    %dma_wait3A_358 = arith.constant 0 : i32
    %dma_wait3A_359 = tpu.memref_slice %arg11[%dma_wait3A_358] : memref<6144xi32, #tpu.memory_space<vmem>> -> memref<4096xi32, #tpu.memory_space<vmem>>
    %dma_wait3A_360 = arith.constant 0 : i32
    %dma_wait3A_361 = tpu.memref_slice %arg2[%dma_wait3A_360] : memref<3211264xi32, #tpu.memory_space<hbm>> -> memref<4096xi32, #tpu.memory_space<hbm>>
    %dma_wait3A_362 = arith.constant 0 : i32
    %dma_wait3A_363 = tpu.memref_slice %arg11[%dma_wait3A_362] : memref<6144xi32, #tpu.memory_space<vmem>> -> memref<4096xi32, #tpu.memory_space<vmem>>
    %dma_wait3A_364 = arith.constant 0 : i32
    %dma_wait3A_365 = tpu.memref_slice %arg2[%dma_wait3A_364] : memref<3211264xi32, #tpu.memory_space<hbm>> -> memref<4096xi32, #tpu.memory_space<hbm>>
    tpu.wait_dma2 semaphore(%arg16 : memref<!tpu.dma_semaphore, #tpu.memory_space<semaphore_mem>>) src(%dma_wait3A_365 : memref<4096xi32, #tpu.memory_space<hbm>>) dst(%dma_wait3A_363 : memref<4096xi32, #tpu.memory_space<vmem>>)
    %rem3A_366 = arith.constant 48 : i32
    %rem3A_367 = arith.constant 3 : i32
    %rem3A_368 = arith.remsi %rem3A_366, %rem3A_367 : i32
    %mul3A_369 = arith.constant 2048 : i32
    %mul3A_370 = arith.muli %rem3A_368, %mul3A_369 : i32
    %rem3A_371 = arith.constant 48 : i32
    %rem3A_372 = arith.constant 2 : i32
    %rem3A_373 = arith.remsi %rem3A_371, %rem3A_372 : i32
    %mul3A_374 = arith.constant 2048 : i32
    %mul3A_375 = arith.muli %rem3A_373, %mul3A_374 : i32
    %scan3A_376 = arith.constant 0 : i32
    %scan3A_377 = arith.constant 0 : i32
    %scan3A_378 = arith.constant 32 : i32
    %scan3A_379 = arith.addi %scan3A_377, %scan3A_378 : i32
    %scan3A_380 = arith.constant 1 : i32
    %scan3A_381 = scf.for %scan3A_406 = %scan3A_377 to %scan3A_379 step %scan3A_380 iter_args(%scan3A_407 = %scan3A_376) -> (i32)  : i32 {
      %mul3A_408 = arith.constant 4 : i32
      %mul3A_409 = arith.muli %scan3A_406, %mul3A_408 : i32
      %add3A_410 = arith.constant 0 : i32
      %add3A_411 = arith.addi %mul3A_409, %add3A_410 : i32
      %mul3A_412 = arith.constant 16 : i32
      %mul3A_413 = arith.muli %add3A_411, %mul3A_412 : i32
      %add3A_414 = arith.addi %mul3A_370, %mul3A_413 : i32
      %get3A_415 = arith.index_cast %add3A_414 : i32 to index
      %get3A_416 = tpu.vector_load %arg10[%get3A_415] {strides = array<i32>} : memref<6144xi32, #tpu.memory_space<vmem>>, vector<16xi32>,
      %mul3A_417 = arith.constant 16 : i32
      %mul3A_418 = arith.muli %add3A_411, %mul3A_417 : i32
      %add3A_419 = arith.addi %mul3A_375, %mul3A_418 : i32
      %get3A_420 = arith.index_cast %add3A_419 : i32 to index
      %get3A_421 = tpu.vector_load %arg12[%get3A_420] {strides = array<i32>} : memref<4096xf32, #tpu.memory_space<vmem>>, vector<16xf32>,
      %mul3A_422 = arith.constant 16 : i32
      %mul3A_423 = arith.muli %add3A_411, %mul3A_422 : i32
      %add3A_424 = arith.addi %mul3A_375, %mul3A_423 : i32
      %get3A_425 = arith.index_cast %add3A_424 : i32 to index
      %get3A_426 = tpu.vector_load %arg13[%get3A_425] {strides = array<i32>} : memref<4096xf32, #tpu.memory_space<vmem>>, vector<16xf32>,
      %sub3A = arith.subf %get3A_421, %get3A_426 : vector<16xf32>
      %abs3A = math.absf %sub3A : vector<16xf32>
      %broadcast_in_dim3A_427 = arith.constant true
      %broadcast_in_dim3A_428 = vector.broadcast %broadcast_in_dim3A_427 : i1 to vector<16xi1>
      %unique3A, %unique3A_429 = tpu.scan_count mask(%broadcast_in_dim3A_428 : vector<16xi1>) value(%get3A_416 : vector<16xi32>) : vector<16xi1>, vector<16xi32>
      %eq3A = arith.constant 0 : i32
      %eq3A_430 = vector.broadcast %eq3A : i32 to vector<16xi32>
      %eq3A_431 = arith.cmpi eq, %unique3A_429, %eq3A_430 : vector<16xi32>
      %mul3A_432 = arith.constant 4 : i32
      %mul3A_433 = arith.muli %scan3A_406, %mul3A_432 : i32
      %add3A_434 = arith.constant 1 : i32
      %add3A_435 = arith.addi %mul3A_433, %add3A_434 : i32
      %mul3A_436 = arith.constant 16 : i32
      %mul3A_437 = arith.muli %add3A_435, %mul3A_436 : i32
      %add3A_438 = arith.addi %mul3A_370, %mul3A_437 : i32
      %get3A_439 = arith.index_cast %add3A_438 : i32 to index
      %get3A_440 = tpu.vector_load %arg10[%get3A_439] {strides = array<i32>} : memref<6144xi32, #tpu.memory_space<vmem>>, vector<16xi32>,
      %mul3A_441 = arith.constant 16 : i32
      %mul3A_442 = arith.muli %add3A_435, %mul3A_441 : i32
      %add3A_443 = arith.addi %mul3A_375, %mul3A_442 : i32
      %get3A_444 = arith.index_cast %add3A_443 : i32 to index
      %get3A_445 = tpu.vector_load %arg12[%get3A_444] {strides = array<i32>} : memref<4096xf32, #tpu.memory_space<vmem>>, vector<16xf32>,
      %mul3A_446 = arith.constant 16 : i32
      %mul3A_447 = arith.muli %add3A_435, %mul3A_446 : i32
      %add3A_448 = arith.addi %mul3A_375, %mul3A_447 : i32
      %get3A_449 = arith.index_cast %add3A_448 : i32 to index
      %get3A_450 = tpu.vector_load %arg13[%get3A_449] {strides = array<i32>} : memref<4096xf32, #tpu.memory_space<vmem>>, vector<16xf32>,
      %sub3A_451 = arith.subf %get3A_445, %get3A_450 : vector<16xf32>
      %abs3A_452 = math.absf %sub3A_451 : vector<16xf32>
      %broadcast_in_dim3A_453 = arith.constant true
      %broadcast_in_dim3A_454 = vector.broadcast %broadcast_in_dim3A_453 : i1 to vector<16xi1>
      %unique3A_455, %unique3A_456 = tpu.scan_count mask(%broadcast_in_dim3A_454 : vector<16xi1>) value(%get3A_440 : vector<16xi32>) : vector<16xi1>, vector<16xi32>
      %eq3A_457 = arith.constant 0 : i32
      %eq3A_458 = vector.broadcast %eq3A_457 : i32 to vector<16xi32>
      %eq3A_459 = arith.cmpi eq, %unique3A_456, %eq3A_458 : vector<16xi32>
      %mul3A_460 = arith.constant 4 : i32
      %mul3A_461 = arith.muli %scan3A_406, %mul3A_460 : i32
      %add3A_462 = arith.constant 2 : i32
      %add3A_463 = arith.addi %mul3A_461, %add3A_462 : i32
      %mul3A_464 = arith.constant 16 : i32
      %mul3A_465 = arith.muli %add3A_463, %mul3A_464 : i32
      %add3A_466 = arith.addi %mul3A_370, %mul3A_465 : i32
      %get3A_467 = arith.index_cast %add3A_466 : i32 to index
      %get3A_468 = tpu.vector_load %arg10[%get3A_467] {strides = array<i32>} : memref<6144xi32, #tpu.memory_space<vmem>>, vector<16xi32>,
      %mul3A_469 = arith.constant 16 : i32
      %mul3A_470 = arith.muli %add3A_463, %mul3A_469 : i32
      %add3A_471 = arith.addi %mul3A_375, %mul3A_470 : i32
      %get3A_472 = arith.index_cast %add3A_471 : i32 to index
      %get3A_473 = tpu.vector_load %arg12[%get3A_472] {strides = array<i32>} : memref<4096xf32, #tpu.memory_space<vmem>>, vector<16xf32>,
      %mul3A_474 = arith.constant 16 : i32
      %mul3A_475 = arith.muli %add3A_463, %mul3A_474 : i32
      %add3A_476 = arith.addi %mul3A_375, %mul3A_475 : i32
      %get3A_477 = arith.index_cast %add3A_476 : i32 to index
      %get3A_478 = tpu.vector_load %arg13[%get3A_477] {strides = array<i32>} : memref<4096xf32, #tpu.memory_space<vmem>>, vector<16xf32>,
      %sub3A_479 = arith.subf %get3A_473, %get3A_478 : vector<16xf32>
      %abs3A_480 = math.absf %sub3A_479 : vector<16xf32>
      %broadcast_in_dim3A_481 = arith.constant true
      %broadcast_in_dim3A_482 = vector.broadcast %broadcast_in_dim3A_481 : i1 to vector<16xi1>
      %unique3A_483, %unique3A_484 = tpu.scan_count mask(%broadcast_in_dim3A_482 : vector<16xi1>) value(%get3A_468 : vector<16xi32>) : vector<16xi1>, vector<16xi32>
      %eq3A_485 = arith.constant 0 : i32
      %eq3A_486 = vector.broadcast %eq3A_485 : i32 to vector<16xi32>
      %eq3A_487 = arith.cmpi eq, %unique3A_484, %eq3A_486 : vector<16xi32>
      %mul3A_488 = arith.constant 4 : i32
      %mul3A_489 = arith.muli %scan3A_406, %mul3A_488 : i32
      %add3A_490 = arith.constant 3 : i32
      %add3A_491 = arith.addi %mul3A_489, %add3A_490 : i32
      %mul3A_492 = arith.constant 16 : i32
      %mul3A_493 = arith.muli %add3A_491, %mul3A_492 : i32
      %add3A_494 = arith.addi %mul3A_370, %mul3A_493 : i32
      %get3A_495 = arith.index_cast %add3A_494 : i32 to index
      %get3A_496 = tpu.vector_load %arg10[%get3A_495] {strides = array<i32>} : memref<6144xi32, #tpu.memory_space<vmem>>, vector<16xi32>,
      %mul3A_497 = arith.constant 16 : i32
      %mul3A_498 = arith.muli %add3A_491, %mul3A_497 : i32
      %add3A_499 = arith.addi %mul3A_375, %mul3A_498 : i32
      %get3A_500 = arith.index_cast %add3A_499 : i32 to index
      %get3A_501 = tpu.vector_load %arg12[%get3A_500] {strides = array<i32>} : memref<4096xf32, #tpu.memory_space<vmem>>, vector<16xf32>,
      %mul3A_502 = arith.constant 16 : i32
      %mul3A_503 = arith.muli %add3A_491, %mul3A_502 : i32
      %add3A_504 = arith.addi %mul3A_375, %mul3A_503 : i32
      %get3A_505 = arith.index_cast %add3A_504 : i32 to index
      %get3A_506 = tpu.vector_load %arg13[%get3A_505] {strides = array<i32>} : memref<4096xf32, #tpu.memory_space<vmem>>, vector<16xf32>,
      %sub3A_507 = arith.subf %get3A_501, %get3A_506 : vector<16xf32>
      %abs3A_508 = math.absf %sub3A_507 : vector<16xf32>
      %broadcast_in_dim3A_509 = arith.constant true
      %broadcast_in_dim3A_510 = vector.broadcast %broadcast_in_dim3A_509 : i1 to vector<16xi1>
      %unique3A_511, %unique3A_512 = tpu.scan_count mask(%broadcast_in_dim3A_510 : vector<16xi1>) value(%get3A_496 : vector<16xi32>) : vector<16xi1>, vector<16xi32>
      %eq3A_513 = arith.constant 0 : i32
      %eq3A_514 = vector.broadcast %eq3A_513 : i32 to vector<16xi32>
      %eq3A_515 = arith.cmpi eq, %unique3A_512, %eq3A_514 : vector<16xi32>
      %gather3A = tpu.vector_load_idx %arg7[%get3A_416] : memref<100352xf32, #tpu.memory_space<vmem>>[vector<16xi32>], vector<16xf32>,
      %max3A = arith.maximumf %gather3A, %abs3A : vector<16xf32>
      tpu.vector_store_idx %arg7[%get3A_416], %max3A masked %eq3A_431 : memref<100352xf32, #tpu.memory_space<vmem>>[vector<16xi32>], vector<16xf32>, vector<16xi1>
      %gather3A_516 = tpu.vector_load_idx %arg7[%get3A_440] : memref<100352xf32, #tpu.memory_space<vmem>>[vector<16xi32>], vector<16xf32>,
      %max3A_517 = arith.maximumf %gather3A_516, %abs3A_452 : vector<16xf32>
      tpu.vector_store_idx %arg7[%get3A_440], %max3A_517 masked %eq3A_459 : memref<100352xf32, #tpu.memory_space<vmem>>[vector<16xi32>], vector<16xf32>, vector<16xi1>
      %gather3A_518 = tpu.vector_load_idx %arg7[%get3A_468] : memref<100352xf32, #tpu.memory_space<vmem>>[vector<16xi32>], vector<16xf32>,
      %max3A_519 = arith.maximumf %gather3A_518, %abs3A_480 : vector<16xf32>
      tpu.vector_store_idx %arg7[%get3A_468], %max3A_519 masked %eq3A_487 : memref<100352xf32, #tpu.memory_space<vmem>>[vector<16xi32>], vector<16xf32>, vector<16xi1>
      %gather3A_520 = tpu.vector_load_idx %arg7[%get3A_496] : memref<100352xf32, #tpu.memory_space<vmem>>[vector<16xi32>], vector<16xf32>,
      %max3A_521 = arith.maximumf %gather3A_520, %abs3A_508 : vector<16xf32>
      tpu.vector_store_idx %arg7[%get3A_496], %max3A_521 masked %eq3A_515 : memref<100352xf32, #tpu.memory_space<vmem>>[vector<16xi32>], vector<16xf32>, vector<16xi1>
      %scan3A_522 = arith.constant 0 : i32
      scf.yield %scan3A_522 : i32
    }
    %scan3A_382 = arith.constant 32 : i32
    %broadcast_in_dim3A_383 = arith.constant 0.000000e+00 : f32
    %broadcast_in_dim3A_384 = vector.broadcast %broadcast_in_dim3A_383 : f32 to vector<16xf32>
    %scan3A_385 = arith.constant 0 : i32
    %scan3A_386 = arith.constant 32 : i32
    %scan3A_387 = arith.addi %scan3A_385, %scan3A_386 : i32
    %scan3A_388 = arith.constant 1 : i32
    %scan3A_389 = scf.for %scan3A_406 = %scan3A_385 to %scan3A_387 step %scan3A_388 iter_args(%scan3A_407 = %broadcast_in_dim3A_384) -> (vector<16xf32>)  : i32 {
      %mul3A_408 = arith.constant 4 : i32
      %mul3A_409 = arith.muli %scan3A_406, %mul3A_408 : i32
      %add3A_410 = arith.constant 0 : i32
      %add3A_411 = arith.addi %mul3A_409, %add3A_410 : i32
      %mul3A_412 = arith.constant 16 : i32
      %mul3A_413 = arith.muli %add3A_411, %mul3A_412 : i32
      %add3A_414 = arith.addi %mul3A_370, %mul3A_413 : i32
      %get3A_415 = arith.index_cast %add3A_414 : i32 to index
      %get3A_416 = tpu.vector_load %arg10[%get3A_415] {strides = array<i32>} : memref<6144xi32, #tpu.memory_space<vmem>>, vector<16xi32>,
      %mul3A_417 = arith.constant 16 : i32
      %mul3A_418 = arith.muli %add3A_411, %mul3A_417 : i32
      %add3A_419 = arith.addi %mul3A_375, %mul3A_418 : i32
      %get3A_420 = arith.index_cast %add3A_419 : i32 to index
      %get3A_421 = tpu.vector_load %arg12[%get3A_420] {strides = array<i32>} : memref<4096xf32, #tpu.memory_space<vmem>>, vector<16xf32>,
      %mul3A_422 = arith.constant 16 : i32
      %mul3A_423 = arith.muli %add3A_411, %mul3A_422 : i32
      %add3A_424 = arith.addi %mul3A_375, %mul3A_423 : i32
      %get3A_425 = arith.index_cast %add3A_424 : i32 to index
      %get3A_426 = tpu.vector_load %arg13[%get3A_425] {strides = array<i32>} : memref<4096xf32, #tpu.memory_space<vmem>>, vector<16xf32>,
      %sub3A = arith.subf %get3A_421, %get3A_426 : vector<16xf32>
      %abs3A = math.absf %sub3A : vector<16xf32>
      %gather3A = tpu.vector_load_idx %arg7[%get3A_416] : memref<100352xf32, #tpu.memory_space<vmem>>[vector<16xi32>], vector<16xf32>,
      %sub3A_427 = arith.subf %gather3A, %abs3A : vector<16xf32>
      %min3A = arith.minimumf %scan3A_407, %sub3A_427 : vector<16xf32>
      %mul3A_428 = arith.constant 4 : i32
      %mul3A_429 = arith.muli %scan3A_406, %mul3A_428 : i32
      %add3A_430 = arith.constant 1 : i32
      %add3A_431 = arith.addi %mul3A_429, %add3A_430 : i32
      %mul3A_432 = arith.constant 16 : i32
      %mul3A_433 = arith.muli %add3A_431, %mul3A_432 : i32
      %add3A_434 = arith.addi %mul3A_370, %mul3A_433 : i32
      %get3A_435 = arith.index_cast %add3A_434 : i32 to index
      %get3A_436 = tpu.vector_load %arg10[%get3A_435] {strides = array<i32>} : memref<6144xi32, #tpu.memory_space<vmem>>, vector<16xi32>,
      %mul3A_437 = arith.constant 16 : i32
      %mul3A_438 = arith.muli %add3A_431, %mul3A_437 : i32
      %add3A_439 = arith.addi %mul3A_375, %mul3A_438 : i32
      %get3A_440 = arith.index_cast %add3A_439 : i32 to index
      %get3A_441 = tpu.vector_load %arg12[%get3A_440] {strides = array<i32>} : memref<4096xf32, #tpu.memory_space<vmem>>, vector<16xf32>,
      %mul3A_442 = arith.constant 16 : i32
      %mul3A_443 = arith.muli %add3A_431, %mul3A_442 : i32
      %add3A_444 = arith.addi %mul3A_375, %mul3A_443 : i32
      %get3A_445 = arith.index_cast %add3A_444 : i32 to index
      %get3A_446 = tpu.vector_load %arg13[%get3A_445] {strides = array<i32>} : memref<4096xf32, #tpu.memory_space<vmem>>, vector<16xf32>,
      %sub3A_447 = arith.subf %get3A_441, %get3A_446 : vector<16xf32>
      %abs3A_448 = math.absf %sub3A_447 : vector<16xf32>
      %gather3A_449 = tpu.vector_load_idx %arg7[%get3A_436] : memref<100352xf32, #tpu.memory_space<vmem>>[vector<16xi32>], vector<16xf32>,
      %sub3A_450 = arith.subf %gather3A_449, %abs3A_448 : vector<16xf32>
      %min3A_451 = arith.minimumf %min3A, %sub3A_450 : vector<16xf32>
      %mul3A_452 = arith.constant 4 : i32
      %mul3A_453 = arith.muli %scan3A_406, %mul3A_452 : i32
      %add3A_454 = arith.constant 2 : i32
      %add3A_455 = arith.addi %mul3A_453, %add3A_454 : i32
      %mul3A_456 = arith.constant 16 : i32
      %mul3A_457 = arith.muli %add3A_455, %mul3A_456 : i32
      %add3A_458 = arith.addi %mul3A_370, %mul3A_457 : i32
      %get3A_459 = arith.index_cast %add3A_458 : i32 to index
      %get3A_460 = tpu.vector_load %arg10[%get3A_459] {strides = array<i32>} : memref<6144xi32, #tpu.memory_space<vmem>>, vector<16xi32>,
      %mul3A_461 = arith.constant 16 : i32
      %mul3A_462 = arith.muli %add3A_455, %mul3A_461 : i32
      %add3A_463 = arith.addi %mul3A_375, %mul3A_462 : i32
      %get3A_464 = arith.index_cast %add3A_463 : i32 to index
      %get3A_465 = tpu.vector_load %arg12[%get3A_464] {strides = array<i32>} : memref<4096xf32, #tpu.memory_space<vmem>>, vector<16xf32>,
      %mul3A_466 = arith.constant 16 : i32
      %mul3A_467 = arith.muli %add3A_455, %mul3A_466 : i32
      %add3A_468 = arith.addi %mul3A_375, %mul3A_467 : i32
      %get3A_469 = arith.index_cast %add3A_468 : i32 to index
      %get3A_470 = tpu.vector_load %arg13[%get3A_469] {strides = array<i32>} : memref<4096xf32, #tpu.memory_space<vmem>>, vector<16xf32>,
      %sub3A_471 = arith.subf %get3A_465, %get3A_470 : vector<16xf32>
      %abs3A_472 = math.absf %sub3A_471 : vector<16xf32>
      %gather3A_473 = tpu.vector_load_idx %arg7[%get3A_460] : memref<100352xf32, #tpu.memory_space<vmem>>[vector<16xi32>], vector<16xf32>,
      %sub3A_474 = arith.subf %gather3A_473, %abs3A_472 : vector<16xf32>
      %min3A_475 = arith.minimumf %min3A_451, %sub3A_474 : vector<16xf32>
      %mul3A_476 = arith.constant 4 : i32
      %mul3A_477 = arith.muli %scan3A_406, %mul3A_476 : i32
      %add3A_478 = arith.constant 3 : i32
      %add3A_479 = arith.addi %mul3A_477, %add3A_478 : i32
      %mul3A_480 = arith.constant 16 : i32
      %mul3A_481 = arith.muli %add3A_479, %mul3A_480 : i32
      %add3A_482 = arith.addi %mul3A_370, %mul3A_481 : i32
      %get3A_483 = arith.index_cast %add3A_482 : i32 to index
      %get3A_484 = tpu.vector_load %arg10[%get3A_483] {strides = array<i32>} : memref<6144xi32, #tpu.memory_space<vmem>>, vector<16xi32>,
      %mul3A_485 = arith.constant 16 : i32
      %mul3A_486 = arith.muli %add3A_479, %mul3A_485 : i32
      %add3A_487 = arith.addi %mul3A_375, %mul3A_486 : i32
      %get3A_488 = arith.index_cast %add3A_487 : i32 to index
      %get3A_489 = tpu.vector_load %arg12[%get3A_488] {strides = array<i32>} : memref<4096xf32, #tpu.memory_space<vmem>>, vector<16xf32>,
      %mul3A_490 = arith.constant 16 : i32
      %mul3A_491 = arith.muli %add3A_479, %mul3A_490 : i32
      %add3A_492 = arith.addi %mul3A_375, %mul3A_491 : i32
      %get3A_493 = arith.index_cast %add3A_492 : i32 to index
      %get3A_494 = tpu.vector_load %arg13[%get3A_493] {strides = array<i32>} : memref<4096xf32, #tpu.memory_space<vmem>>, vector<16xf32>,
      %sub3A_495 = arith.subf %get3A_489, %get3A_494 : vector<16xf32>
      %abs3A_496 = math.absf %sub3A_495 : vector<16xf32>
      %gather3A_497 = tpu.vector_load_idx %arg7[%get3A_484] : memref<100352xf32, #tpu.memory_space<vmem>>[vector<16xi32>], vector<16xf32>,
      %sub3A_498 = arith.subf %gather3A_497, %abs3A_496 : vector<16xf32>
      %min3A_499 = arith.minimumf %min3A_475, %sub3A_498 : vector<16xf32>
      scf.yield %min3A_499 : vector<16xf32>
    }
    %scan3A_390 = arith.constant 32 : i32
    %lt3A = arith.constant 0.000000e+00 : f32
    %lt3A_391 = vector.broadcast %lt3A : f32 to vector<16xf32>
    %lt3A_392 = arith.cmpf olt, %scan3A_389, %lt3A_391 : vector<16xf32>
    %reduce_or3A = arith.constant 1.000000e+00 : f32
    %reduce_or3A_393 = arith.constant 0.000000e+00 : f32
    %reduce_or3A_394 = vector.broadcast %reduce_or3A : f32 to vector<16xf32>
    %reduce_or3A_395 = vector.broadcast %reduce_or3A_393 : f32 to vector<16xf32>
    %reduce_or3A_396 = arith.select %lt3A_392, %reduce_or3A_394, %reduce_or3A_395 : vector<16xi1>, vector<16xf32>
    %reduce_or3A_397 = arith.constant true
    %reduce_or3A_398 = vector.broadcast %reduce_or3A_397 : i1 to vector<16xi1>
    %reduce_or3A_399 = tpu.scan <max>, %reduce_or3A_396 masked %reduce_or3A_398 : vector<16xf32>, vector<16xi1> -> vector<16xf32>
    %reduce_or3A_400 = vector.extract %reduce_or3A_399[15] : f32 from vector<16xf32>
    %reduce_or3A_401 = arith.constant 0.000000e+00 : f32
    %reduce_or3A_402 = arith.cmpf ogt, %reduce_or3A_400, %reduce_or3A_401 : f32
    %convert_element_type3A = arith.extui %reduce_or3A_402 : i1 to i32
    %cond3A = arith.constant 0 : i32
    %cond3A_403 = arith.cmpi ne, %convert_element_type3A, %cond3A : i32
    scf.if %cond3A_403 {
      %iota3A = tpu.iota {dimensions = array<i32: 0>} : vector<16xi32>
      %scan3A_406 = arith.constant 0 : i32
      %scan3A_407 = arith.constant 0 : i32
      %scan3A_408 = arith.constant 128 : i32
      %scan3A_409 = arith.addi %scan3A_407, %scan3A_408 : i32
      %scan3A_410 = arith.constant 1 : i32
      %scan3A_411 = scf.for %scan3A_413 = %scan3A_407 to %scan3A_409 step %scan3A_410 iter_args(%scan3A_414 = %scan3A_406) -> (i32)  : i32 {
        %mul3A_415 = arith.constant 16 : i32
        %mul3A_416 = arith.muli %scan3A_413, %mul3A_415 : i32
        %add3A_417 = arith.addi %mul3A_370, %mul3A_416 : i32
        %get3A_418 = arith.index_cast %add3A_417 : i32 to index
        %get3A_419 = tpu.vector_load %arg10[%get3A_418] {strides = array<i32>} : memref<6144xi32, #tpu.memory_space<vmem>>, vector<16xi32>,
        %mul3A_420 = arith.constant 16 : i32
        %mul3A_421 = arith.muli %scan3A_413, %mul3A_420 : i32
        %add3A_422 = arith.addi %mul3A_375, %mul3A_421 : i32
        %get3A_423 = arith.index_cast %add3A_422 : i32 to index
        %get3A_424 = tpu.vector_load %arg12[%get3A_423] {strides = array<i32>} : memref<4096xf32, #tpu.memory_space<vmem>>, vector<16xf32>,
        %mul3A_425 = arith.constant 16 : i32
        %mul3A_426 = arith.muli %scan3A_413, %mul3A_425 : i32
        %add3A_427 = arith.addi %mul3A_375, %mul3A_426 : i32
        %get3A_428 = arith.index_cast %add3A_427 : i32 to index
        %get3A_429 = tpu.vector_load %arg13[%get3A_428] {strides = array<i32>} : memref<4096xf32, #tpu.memory_space<vmem>>, vector<16xf32>,
        %sub3A = arith.subf %get3A_424, %get3A_429 : vector<16xf32>
        %abs3A = math.absf %sub3A : vector<16xf32>
        %masked_sort3A = arith.constant dense<true> : vector<16xi1>
        %masked_sort3A_430 = arith.constant -2147483648 : i32
        %masked_sort3A_431 = vector.broadcast %masked_sort3A_430 : i32 to vector<16xi32>
        %masked_sort3A_432 = arith.xori %get3A_419, %masked_sort3A_431 : vector<16xi32>
        %masked_sort3A_433, %masked_sort3A_434, %masked_sort3A_435 = tpu.sort %masked_sort3A_432, %abs3A masked %masked_sort3A : (vector<16xi32>, vector<16xf32>, vector<16xi1>) -> (vector<16xi1>, vector<16xi32>, vector<16xf32>)
        %masked_sort3A_436 = arith.xori %masked_sort3A_434, %masked_sort3A_431 : vector<16xi32>
        %sub3A_437 = arith.constant 1 : i32
        %sub3A_438 = vector.broadcast %sub3A_437 : i32 to vector<16xi32>
        %sub3A_439 = arith.subi %iota3A, %sub3A_438 : vector<16xi32>
        %max3A = arith.constant 0 : i32
        %max3A_440 = vector.broadcast %max3A : i32 to vector<16xi32>
        %max3A_441 = arith.maxsi %sub3A_439, %max3A_440 : vector<16xi32>
        %broadcast_in_dim3A_442 = vector.shape_cast %max3A_441 : vector<16xi32> to vector<16x1xi32>
        %gather3A = vector.shape_cast %broadcast_in_dim3A_442 : vector<16x1xi32> to vector<16xi32>
        %gather3A_443 = tpu.dynamic_gather %masked_sort3A_436[%gather3A] in [0] : vector<16xi32>, vector<16xi32> -> vector<16xi32>
        %eq3A = arith.cmpi eq, %gather3A_443, %masked_sort3A_436 : vector<16xi32>
        %broadcast_in_dim3A_444 = vector.shape_cast %max3A_441 : vector<16xi32> to vector<16x1xi32>
        %gather3A_445 = vector.shape_cast %broadcast_in_dim3A_444 : vector<16x1xi32> to vector<16xi32>
        %gather3A_446 = tpu.dynamic_gather %masked_sort3A_435[%gather3A_445] in [0] : vector<16xf32>, vector<16xi32> -> vector<16xf32>
        %max3A_447 = arith.maximumf %masked_sort3A_435, %gather3A_446 : vector<16xf32>
        %select_n3A = arith.select %eq3A, %max3A_447, %masked_sort3A_435 : vector<16xi1>, vector<16xf32>
        %sub3A_448 = arith.constant 2 : i32
        %sub3A_449 = vector.broadcast %sub3A_448 : i32 to vector<16xi32>
        %sub3A_450 = arith.subi %iota3A, %sub3A_449 : vector<16xi32>
        %max3A_451 = arith.constant 0 : i32
        %max3A_452 = vector.broadcast %max3A_451 : i32 to vector<16xi32>
        %max3A_453 = arith.maxsi %sub3A_450, %max3A_452 : vector<16xi32>
        %broadcast_in_dim3A_454 = vector.shape_cast %max3A_453 : vector<16xi32> to vector<16x1xi32>
        %gather3A_455 = vector.shape_cast %broadcast_in_dim3A_454 : vector<16x1xi32> to vector<16xi32>
        %gather3A_456 = tpu.dynamic_gather %masked_sort3A_436[%gather3A_455] in [0] : vector<16xi32>, vector<16xi32> -> vector<16xi32>
        %eq3A_457 = arith.cmpi eq, %gather3A_456, %masked_sort3A_436 : vector<16xi32>
        %broadcast_in_dim3A_458 = vector.shape_cast %max3A_453 : vector<16xi32> to vector<16x1xi32>
        %gather3A_459 = vector.shape_cast %broadcast_in_dim3A_458 : vector<16x1xi32> to vector<16xi32>
        %gather3A_460 = tpu.dynamic_gather %select_n3A[%gather3A_459] in [0] : vector<16xf32>, vector<16xi32> -> vector<16xf32>
        %max3A_461 = arith.maximumf %select_n3A, %gather3A_460 : vector<16xf32>
        %select_n3A_462 = arith.select %eq3A_457, %max3A_461, %select_n3A : vector<16xi1>, vector<16xf32>
        %sub3A_463 = arith.constant 4 : i32
        %sub3A_464 = vector.broadcast %sub3A_463 : i32 to vector<16xi32>
        %sub3A_465 = arith.subi %iota3A, %sub3A_464 : vector<16xi32>
        %max3A_466 = arith.constant 0 : i32
        %max3A_467 = vector.broadcast %max3A_466 : i32 to vector<16xi32>
        %max3A_468 = arith.maxsi %sub3A_465, %max3A_467 : vector<16xi32>
        %broadcast_in_dim3A_469 = vector.shape_cast %max3A_468 : vector<16xi32> to vector<16x1xi32>
        %gather3A_470 = vector.shape_cast %broadcast_in_dim3A_469 : vector<16x1xi32> to vector<16xi32>
        %gather3A_471 = tpu.dynamic_gather %masked_sort3A_436[%gather3A_470] in [0] : vector<16xi32>, vector<16xi32> -> vector<16xi32>
        %eq3A_472 = arith.cmpi eq, %gather3A_471, %masked_sort3A_436 : vector<16xi32>
        %broadcast_in_dim3A_473 = vector.shape_cast %max3A_468 : vector<16xi32> to vector<16x1xi32>
        %gather3A_474 = vector.shape_cast %broadcast_in_dim3A_473 : vector<16x1xi32> to vector<16xi32>
        %gather3A_475 = tpu.dynamic_gather %select_n3A_462[%gather3A_474] in [0] : vector<16xf32>, vector<16xi32> -> vector<16xf32>
        %max3A_476 = arith.maximumf %select_n3A_462, %gather3A_475 : vector<16xf32>
        %select_n3A_477 = arith.select %eq3A_472, %max3A_476, %select_n3A_462 : vector<16xi1>, vector<16xf32>
        %sub3A_478 = arith.constant 8 : i32
        %sub3A_479 = vector.broadcast %sub3A_478 : i32 to vector<16xi32>
        %sub3A_480 = arith.subi %iota3A, %sub3A_479 : vector<16xi32>
        %max3A_481 = arith.constant 0 : i32
        %max3A_482 = vector.broadcast %max3A_481 : i32 to vector<16xi32>
        %max3A_483 = arith.maxsi %sub3A_480, %max3A_482 : vector<16xi32>
        %broadcast_in_dim3A_484 = vector.shape_cast %max3A_483 : vector<16xi32> to vector<16x1xi32>
        %gather3A_485 = vector.shape_cast %broadcast_in_dim3A_484 : vector<16x1xi32> to vector<16xi32>
        %gather3A_486 = tpu.dynamic_gather %masked_sort3A_436[%gather3A_485] in [0] : vector<16xi32>, vector<16xi32> -> vector<16xi32>
        %eq3A_487 = arith.cmpi eq, %gather3A_486, %masked_sort3A_436 : vector<16xi32>
        %broadcast_in_dim3A_488 = vector.shape_cast %max3A_483 : vector<16xi32> to vector<16x1xi32>
        %gather3A_489 = vector.shape_cast %broadcast_in_dim3A_488 : vector<16x1xi32> to vector<16xi32>
        %gather3A_490 = tpu.dynamic_gather %select_n3A_477[%gather3A_489] in [0] : vector<16xf32>, vector<16xi32> -> vector<16xf32>
        %max3A_491 = arith.maximumf %select_n3A_477, %gather3A_490 : vector<16xf32>
        %select_n3A_492 = arith.select %eq3A_487, %max3A_491, %select_n3A_477 : vector<16xi1>, vector<16xf32>
        %add3A_493 = arith.constant 1 : i32
        %add3A_494 = vector.broadcast %add3A_493 : i32 to vector<16xi32>
        %add3A_495 = arith.addi %iota3A, %add3A_494 : vector<16xi32>
        %min3A = arith.constant 15 : i32
        %min3A_496 = vector.broadcast %min3A : i32 to vector<16xi32>
        %min3A_497 = arith.minsi %add3A_495, %min3A_496 : vector<16xi32>
        %broadcast_in_dim3A_498 = vector.shape_cast %min3A_497 : vector<16xi32> to vector<16x1xi32>
        %gather3A_499 = vector.shape_cast %broadcast_in_dim3A_498 : vector<16x1xi32> to vector<16xi32>
        %gather3A_500 = tpu.dynamic_gather %masked_sort3A_436[%gather3A_499] in [0] : vector<16xi32>, vector<16xi32> -> vector<16xi32>
        %ne3A = arith.cmpi ne, %masked_sort3A_436, %gather3A_500 : vector<16xi32>
        %eq3A_501 = arith.constant 15 : i32
        %eq3A_502 = vector.broadcast %eq3A_501 : i32 to vector<16xi32>
        %eq3A_503 = arith.cmpi eq, %iota3A, %eq3A_502 : vector<16xi32>
        %or3A = arith.ori %ne3A, %eq3A_503 : vector<16xi1>
        %gather3A_504 = tpu.vector_load_idx %arg7[%masked_sort3A_436] : memref<100352xf32, #tpu.memory_space<vmem>>[vector<16xi32>], vector<16xf32>,
        %max3A_505 = arith.maximumf %gather3A_504, %select_n3A_492 : vector<16xf32>
        tpu.vector_store_idx %arg7[%masked_sort3A_436], %max3A_505 masked %or3A : memref<100352xf32, #tpu.memory_space<vmem>>[vector<16xi32>], vector<16xf32>, vector<16xi1>
        %scan3A_506 = arith.constant 0 : i32
        scf.yield %scan3A_506 : i32
      }
      %scan3A_412 = arith.constant 128 : i32
    } else {
    }
    %mul3A_404 = arith.constant 100352 : i32
    %mul3A_405 = arith.muli %add3A, %mul3A_404 : i32
    "tpu.region"() ({
      %run_scoped3A = tpu.sem_alloc : memref<!tpu.dma_semaphore, #tpu.memory_space<semaphore_mem>>
      %dma_start3A_406 = tpu.memref_slice %arg6[%mul3A_405] : memref<3211264xf32, #tpu.memory_space<hbm>> -> memref<100352xf32, #tpu.memory_space<hbm>>
      %dma_start3A_407 = tpu.memref_slice %arg6[%mul3A_405] : memref<3211264xf32, #tpu.memory_space<hbm>> -> memref<100352xf32, #tpu.memory_space<hbm>>
      tpu.enqueue_dma source(%arg7 : memref<100352xf32, #tpu.memory_space<vmem>>) target(%dma_start3A_407 : memref<100352xf32, #tpu.memory_space<hbm>>) target_semaphore(%run_scoped3A : memref<!tpu.dma_semaphore, #tpu.memory_space<semaphore_mem>>)
      %dma_wait3A_408 = tpu.memref_slice %arg6[%mul3A_405] : memref<3211264xf32, #tpu.memory_space<hbm>> -> memref<100352xf32, #tpu.memory_space<hbm>>
      %dma_wait3A_409 = tpu.memref_slice %arg6[%mul3A_405] : memref<3211264xf32, #tpu.memory_space<hbm>> -> memref<100352xf32, #tpu.memory_space<hbm>>
      tpu.wait_dma2 semaphore(%run_scoped3A : memref<!tpu.dma_semaphore, #tpu.memory_space<semaphore_mem>>) src(%arg7 : memref<100352xf32, #tpu.memory_space<vmem>>) dst(%dma_wait3A_409 : memref<100352xf32, #tpu.memory_space<hbm>>)
      tpu.yield
    }) : () -> ()
    return
  }
}

module attributes {stable_mosaic.version = 14 : i64} {
  func.func @_tc_body(%arg0: memref<1x100000xf32, #tpu.memory_space<vmem>>, %arg1: memref<32x100352xf32, #tpu.memory_space<vmem>>, %arg2: memref<1x128xf32, #tpu.memory_space<vmem>>, %arg3: memref<1x100000xf32, #tpu.memory_space<vmem>>) attributes {dimension_semantics = [], scalar_prefetch = 0 : i64, scratch_operands = 0 : i64, tpu.core_type = #tpu.core_type<tc>} {
    %get3A = arith.constant 0 : index
    %get3A_0 = arith.constant 0 : index
    %get3A_1 = vector.load %arg2[%get3A, %get3A_0] : memref<1x128xf32, #tpu.memory_space<vmem>>, vector<1x128xf32>
    %get3A_2 = vector.shape_cast %get3A_1 : vector<1x128xf32> to vector<128xf32>
    %reduce_sum3A = vector.shape_cast %get3A_2 : vector<128xf32> to vector<1x128xf32>
    %reduce_sum3A_3 = arith.constant dense<0.000000e+00> : vector<1xf32>
    %reduce_sum3A_4 = vector.multi_reduction <add>, %reduce_sum3A, %reduce_sum3A_3 [1] : vector<1x128xf32> to vector<1xf32>
    %reduce_sum3A_5 = vector.shape_cast %reduce_sum3A_4 : vector<1xf32> to vector<1x1xf32>
    %reduce_sum3A_6 = vector.extract %reduce_sum3A_5[0, 0] : f32 from vector<1x1xf32>
    %mul3A = arith.constant 3.906250e-03 : f32
    %mul3A_7 = arith.mulf %reduce_sum3A_6, %mul3A : f32
    %get3A_8 = arith.constant 0 : index
    %get3A_9 = arith.constant 0 : index
    %get3A_10 = vector.load %arg1[%get3A_8, %get3A_9] : memref<32x100352xf32, #tpu.memory_space<vmem>>, vector<32x100000xf32>
    %reduce_max3A = arith.constant dense<0xFF800000> : vector<100000xf32>
    %reduce_max3A_11 = vector.multi_reduction <maximumf>, %get3A_10, %reduce_max3A [0] : vector<32x100000xf32> to vector<100000xf32>
    %broadcast_in_dim3A = vector.shape_cast %reduce_max3A_11 : vector<100000xf32> to vector<1x100000xf32>
    %get3A_12 = arith.constant 0 : index
    %get3A_13 = arith.constant 0 : index
    %get3A_14 = vector.load %arg0[%get3A_12, %get3A_13] : memref<1x100000xf32, #tpu.memory_space<vmem>>, vector<1x100000xf32>
    %mul3A_15 = arith.constant 5.000000e-01 : f32
    %mul3A_16 = vector.broadcast %mul3A_15 : f32 to vector<1x100000xf32>
    %mul3A_17 = arith.mulf %get3A_14, %mul3A_16 : vector<1x100000xf32>
    %mul3A_18 = vector.broadcast %mul3A_7 : f32 to vector<1x100000xf32>
    %mul3A_19 = arith.mulf %broadcast_in_dim3A, %mul3A_18 : vector<1x100000xf32>
    %add3A = arith.addf %mul3A_17, %mul3A_19 : vector<1x100000xf32>
    %swap3A = arith.constant 0 : index
    %swap3A_20 = arith.constant 0 : index
    %swap3A_21 = vector.load %arg3[%swap3A, %swap3A_20] : memref<1x100000xf32, #tpu.memory_space<vmem>>, vector<1x100000xf32>
    tpu.vector_store %arg3[%swap3A, %swap3A_20], %add3A {strides = array<i32>} : memref<1x100000xf32, #tpu.memory_space<vmem>>, vector<1x100000xf32>,
    return
  }
}

</mosaic_0001>

<sc_bundles>
// kernel: kernel.4.cloned.1.call-start
scs
__scs_entry_jumppad:
0x0: {  	(pc) =	sbr.rel $0x88, $3  }
0x1: {  	(tag) =	ssettag $0x0;
	lr =	simm.s32 $0x1  }
0x2: {  	[smem:$0x3F9C] =	sst lr;
	_ =	strace $0xD0000000  }
0x3: {  	_ = 	snop  }
0x4: {  	_ = 	snop  }
0x5: {  	_ = 	snop  }
0x6: {  	_ = 	snop  }
0x7: {  	_ = 	snop  }
__scs_overlays_trampoline_lowered:
0x8: {  	[smem:$0x3FAB] =	sst s0  }
0x9: {  	[smem:$0x3FAC] =	sst s1  }
0xa: {  	[smem:$0x3FAD] =	sst s2  }
0xb: {  	[smem:$0x3FAE] =	sst s3  }
0xc: {  	[smem:$0x3FAF] =	sst s4  }
0xd: {  	[smem:$0x3FB0] =	sst s5  }
0xe: {  	[smem:$0x3FB1] =	sst s6  }
0xf: {  	[smem:$0x3FB2] =	sst s7  }
0x10: {  	[smem:$0x3FB3] =	sst s8  }
0x11: {  	[smem:$0x3FB4] =	sst s9;
	s0 =	simm.s32 @!p0 $0x0  }
0x12: {  	s1 =	sld [smem:$0x3F9A];
	s0 =	simm.s32 @p0 $0x1  }
0x13: {  	[smem:$0x3FB5] =	sst s0;
	s0 =	simm.s32 @!p1 $0x0  }
0x14: {  	s2 =	sld [smem:$0x3F99];
	s0 =	simm.s32 @p1 $0x1  }
0x15: {  	[smem:$0x3FB6] =	sst s0;
	s0 =	simm.s32 @!p2 $0x0  }
0x16: {  	s3 =	sld [smem:$0x3FDB];
	s0 =	simm.s32 @p2 $0x1  }
0x17: {  	s4 =	simm.s32 $0x1BF5;
	[smem:$0x3FB8] =	sst s0  }
0x18: {  	s0 =	sld [smem:$0x3F9B];
	_ =	swait.ge [sflag:s4], $0x0  }
0x19: {  	s7 =	sld [smem:$0x3F9C]  }
0x1a: {  	s8 =	sadd.s32 $0xFFFFE003, lr  }
0x1b: {  	s9 =	sadd.s32 $0xFFFFFEF7, lr;
	s5 =	simm.s32 $0xFFFFFFFF;
	p2 =	slt.u32 s8, $0xFFFFF086  }
0x1c: {  	p1 =	slt.u32 s9, $0xF7A;
	s5 =	simm.s32 @!p2 $0x0  }
0x1d: {  	s5 =	simm.s32 @p1 $0x1;
	p0 =	seq.s32 s7, s2  }
0x1e: {  	s7 =	smul.u32 @!p0 $0xF7A, s2;
	p2 =	seq.s32 @!p0 s5, $0x0  }
0x1f: {  	s9 =	smul.u32 $0xF7A, s1;
	s8 =	simm.s32 @!p0 $0x1BF5;
	p2 =	por !p2, p0  }
0x20: {  	[sflag:s8] =	ssyncset.s32 @!p0 $0xFFFFF086;
	s6 =	sadd.s32 @!p0 s3, s7;
	s7 =	simm.s32 @!p0 $0x108  }
0x21: {  	s3 =	sadd.s32 s3, s9;
	s6 =	sadd.s32 @!p0 $0x88, s6;
	s7 =	simm.s32 @p2 $0x1082  }
0x22: {  	[simem:s7], [sflag:s8] =	dma.local @!p0 [hbm:s6], $0xF7A  }
0x23: {  	s9 =	sor.u32 $0xD0000000, s2;
	s6 =	simm.s32 $0x108;
	_ =	swait.ge @!p0 [sflag:s8], $0x0  }
0x24: {  	s3 =	sadd.s32 $0x88, s3;
	s6 =	simm.s32 @!p1 $0x1082;
	[sflag:s4] =	ssyncset.s32 $0xFFFFF086  }
0x25: {  	[simem:s6], [sflag:s4] =	dma.local [hbm:s3], $0xF7A  }
0x26: {  	[smem:$0x3F9C] =	sst s1;
	(tag) =	ssettag s2;
	_ =	strace s9  }
0x27: {  	s1 =	sld [smem:$0x3FAC]  }
0x28: {  	s2 =	sld [smem:$0x3FAD]  }
0x29: {  	s4 =	sld [smem:$0x3FAF]  }
0x2a: {  	p0 =	seq.s32 s5, $0x0;
	s5 =	sld [smem:$0x3FB0]  }
0x2b: {  	s6 =	sld [smem:$0x3FB1]  }
0x2c: {  	s7 =	sld [smem:$0x3FB2]  }
0x2d: {  	s3 =	simm.s32 $0x108;
	s8 =	sld [smem:$0x3FB3]  }
0x2e: {  	s3 =	simm.s32 @!p0 $0x1082;
	s9 =	sld [smem:$0x3FB4]  }
0x2f: {  	lr =	sadd.s32 s0, s3;
	s0 =	sld [smem:$0x3FAB]  }
0x30: {  	s3 =	sld [smem:$0x3FAE]  }
0x31: {  	[smem:$0x3FB7] =	sst s10  }
0x32: {  	s10 =	sld [smem:$0x3FB5];
	_ =	sdelay $0x3  }
0x33: {  	p0 =	seq.s32 s10, $0x1;
	s10 =	sld [smem:$0x3FB7];
	_ =	sdelay $0x3  }
0x34: {  	[smem:$0x3FB7] =	sst s10  }
0x35: {  	s10 =	sld [smem:$0x3FB6];
	_ =	sdelay $0x3  }
0x36: {  	p1 =	seq.s32 s10, $0x1;
	s10 =	sld [smem:$0x3FB7];
	_ =	sdelay $0x3  }
0x37: {  	[smem:$0x3FB7] =	sst s10  }
0x38: {  	s10 =	sld [smem:$0x3FB8]  }
0x39: {  	_ = 	snop;
	(pc) =	sbr.ind lr, $3  }
0x3a: {  	_ = 	snop  }
0x3b: {  	_ = 	snop  }
0x3c: {  	p2 =	seq.s32 s10, $0x1;
	s10 =	sld [smem:$0x3FB7]  }
0x3d: {  	_ =	shalt  }
0x3e: {  	_ =	shalt  }
0x3f: {  	_ =	shalt  }
0x40: {  	_ =	shalt  }
0x41: {  	_ =	shalt  }
0x42: {  	_ =	shalt  }
0x43: {  	_ =	shalt  }
0x44: {  	_ =	shalt  }
0x45: {  	_ =	shalt  }
0x46: {  	_ =	shalt  }
0x47: {  	_ =	shalt  }
0x48: {  	_ =	shalt  }
0x49: {  	_ =	shalt  }
0x4a: {  	_ =	shalt  }
0x4b: {  	_ =	shalt  }
0x4c: {  	_ =	shalt  }
0x4d: {  	_ =	shalt  }
0x4e: {  	_ =	shalt  }
0x4f: {  	_ =	shalt  }
0x50: {  	_ =	shalt  }
0x51: {  	_ =	shalt  }
0x52: {  	_ =	shalt  }
0x53: {  	_ =	shalt  }
0x54: {  	_ =	shalt  }
0x55: {  	_ =	shalt  }
0x56: {  	_ =	shalt  }
0x57: {  	_ =	shalt  }
0x58: {  	_ =	shalt  }
0x59: {  	_ =	shalt  }
0x5a: {  	_ =	shalt  }
0x5b: {  	_ =	shalt  }
0x5c: {  	_ =	shalt  }
0x5d: {  	_ =	shalt  }
0x5e: {  	_ =	shalt  }
0x5f: {  	_ =	shalt  }
0x60: {  	_ =	shalt  }
0x61: {  	_ =	shalt  }
0x62: {  	_ =	shalt  }
0x63: {  	_ =	shalt  }
0x64: {  	_ =	shalt  }
0x65: {  	_ =	shalt  }
0x66: {  	_ =	shalt  }
0x67: {  	_ =	shalt  }
0x68: {  	_ =	shalt  }
0x69: {  	_ =	shalt  }
0x6a: {  	_ =	shalt  }
0x6b: {  	_ =	shalt  }
0x6c: {  	_ =	shalt  }
0x6d: {  	_ =	shalt  }
0x6e: {  	_ =	shalt  }
0x6f: {  	_ =	shalt  }
0x70: {  	_ =	shalt  }
0x71: {  	_ =	shalt  }
0x72: {  	_ =	shalt  }
0x73: {  	_ =	shalt  }
0x74: {  	_ =	shalt  }
0x75: {  	_ =	shalt  }
0x76: {  	_ =	shalt  }
0x77: {  	_ =	shalt  }
0x78: {  	_ =	shalt  }
0x79: {  	_ =	shalt  }
0x7a: {  	_ =	shalt  }
0x7b: {  	_ =	shalt  }
0x7c: {  	_ =	shalt  }
0x7d: {  	_ =	shalt  }
0x7e: {  	_ =	shalt  }
0x7f: {  	_ =	shalt  }
0x80: {  	_ =	shalt  }
0x81: {  	_ =	shalt  }
0x82: {  	_ =	shalt  }
0x83: {  	_ =	shalt  }
0x84: {  	_ =	shalt  }
0x85: {  	_ =	shalt  }
0x86: {  	_ =	shalt  }
0x87: {  	_ =	shalt  }
.Lfunc_end0:
.L_simem_size_0:
called_computation_lowered:
.L_overlay_start_0:
0x88: {  	s2 =	sld [smem:$0x3FD9]  }
0x89: {  	s3 =	sld [smem:$0x3FFE];
	_ =	sdelay $0x1  }
0x8a: {  	s1 =	srdreg.scid  }
0x8b: {  	s0 =	sand.u32 $0x1, s1  }
0x8c: {  	s17 =	sshll.u32 s0, $0xA;
	s2 =	sadd.s32 s3, s2  }
0x8d: {  	s2 =	sadd.s32 s2, s17  }
0x8e: {  	[smem:$0x3FC3] =	sst s2  }
0x8f: {  	_ = 	snop  }
0x90: {  	s2 =	sld [smem:$0x3FD0];
	(tm) =	ssettm $0x1  }
0x91: {  	s18 =	sld [smem:$0x3FFB];
	_ =	sdelay $0x3  }
0x92: {  	_ =	strace s18  }
0x93: {  	s3 =	sld [smem:$0x3FFC];
	_ =	sdelay $0x3  }
0x94: {  	_ =	strace s3  }
0x95: {  	s3 =	sld [smem:$0x3FFD];
	_ =	sdelay $0x3  }
0x96: {  	_ =	strace s3  }
0x97: {  	_ =	strace $0x8FFFFFFF  }
0x98: {  	s19 =	sld [smem:$0x3FDB];
	_ =	sdelay $0x1  }
0x99: {  	s4 =	simm.s32 $_scs_section_size  }
0x9a: {  	s5 =	simm.s32 $_size__tile_overlayer_lowered;
	s6 =	simm.s32 $_tile_overlayer_lowered  }
0x9b: {  	s22 =	simm.s32 $0x1BFF;
	s21 =	sshll.u32 s6, $0x1;
	s3 =	sadd.s32 s4, s19  }
0x9c: {  	s7 =	simm.s32 $0x0;
	s20 =	sshll.u32 s5, $0x1;
	s5 =	sadd.s32 s21, s3  }
0x9d: {  	[timem:s7], [sflag:s22] =	dma.local [hbm:s5], s20  }
0x9e: {  	_ =	swait.ge [sflag:s22], s20  }
0x9f: {  	s4 =	ssub.s32 $0x0, s20;
	[sflag:s22] =	ssyncset.done $0x0  }
0xa0: {  	[sflag:s22] =	ssyncadd.s32 s4;
	_ =	sdelay $0x1  }
0xa1: {  	s23 =	simm.s32 $0x1B8B  }
0xa2: {  	_ =	swait.ge [sflag:s23], $0x1  }
0xa3: {  	[sflag:s23] =	ssyncset.done $0x0  }
0xa4: {  	s25 =	simm.s32 $0x1B8E;
	s24 =	sld [smem:$0x3FFE];
	[sflag:s23] =	ssyncadd.s32 $0xFFFFFFFF  }
0xa5: {  	s26 =	simm.s32 $execute0_lowered;
	[smem:$0x3FD2] =	sst s25  }
0xa6: {  	s5 =	sshll.u32 s26, $0x1;
	_ =	strace $0x80000046;
	[dreg:$0x1] =	wrdreg $0xFFFFFFFF  }
0xa7: {  	s28 =	simm.s32 $_size_execute0_lowered;
	s3 =	sadd.s32 s3, s5;
	[dreg:$0x0] =	wrdreg $0x0  }
0xa8: {  	s5 =	sshll.u32 s28, $0x1;
	[dreg:$0x2] =	wrdreg s3  }
0xa9: {  	[dreg:$0x3] =	wrdreg s5  }
0xaa: {  	[dreg:$0x4] =	wrdreg $0xC0  }
0xab: {  	_ =	task [dreg:s7], $0x5FFFF  }
0xac: {  	[dreg:$0x1] =	wrdreg $0xFFFFFFFF  }
0xad: {  	[dreg:$0x0] =	wrdreg $0x60  }
0xae: {  	[dreg:$0x2] =	wrdreg s24  }
0xaf: {  	[dreg:$0x3] =	wrdreg s2  }
0xb0: {  	[dreg:$0x4] =	wrdreg $0x1E3000  }
0xb1: {  	[dreg:$0x5] =	wrdreg $0x9  }
0xb2: {  	_ =	task.clear_ibuf [dreg:s7], $0x6FFFF;
	_ =	strace $0x90000046  }
0xb3: {  	s29 =	simm.s32 $0x9;
	_ =	strace $0x80000048  }
0xb4: {  	_ =	swait.ge [sflag:s29], $0x1  }
0xb5: {  	[sflag:s29] =	ssyncadd.s32 $0xFFFFFFFF  }
0xb6: {  	_ =	strace $0x90000048  }
0xb7: {  	_ =	sfence  }
0xb8: {  	s30 =	sld [smem:$0x0];
	_ =	sdelay $0x2  }
0xb9: {  	s31 =	sshll.u32 s1, $0xD;
	s1 =	sshrl.u32 s1, $0x2  }
0xba: {  	s3 =	sand.u32 $0x4000, s31;
	s1 =	sadd.s32 s1, s30  }
0xbb: {  	s0 =	sor.u32 s3, s0;
	s1 =	sshll.u32 s1, $0x11  }
0xbc: {  	s0 =	sor.u32 s1, s0  }
0xbd: {  	s0 =	sadd.s32 $0x8F2B, s0  }
0xbe: {  	[sflag:s0] =	ssyncadd.remote.s32 $0x1  }
0xbf: {  	_ =	sfence.sel $0xFFFF  }
0xc0: {  	[dreg:$0x0] =	wrdreg $0xFFFFFFFF;
	(pc) =	sbr.abs _section_cstart, $3  }
0xc1: {  	[dreg:$0x1] =	wrdreg $0xFFFFFFFF  }
0xc2: {  	_ =	task.clear_ibuf [dreg:s7], $0x2FFFF;
	_ =	strace $0x9FFFFFFF  }
0xc3: {  	(tm) =	ssettm $0x7FFFFFFF  }
tec
execute0_lowered:
.L_overlay_start_1:
0x0: {  	(tag) =	ssettag $0x1  }
0x1: {  	s0 =	rddreg [dreg:$0x0];
	s1 =	srdreg.scid  }
0x2: {  	s8 =	stileid.u32;
	s3 =	rddreg [dreg:$0x2];
	s4 =	simm.s32 $0x0  }
0x3: {  	s1 =	sand.u32 $0x1, s1;
	s2 =	sshll.u32 s8, $0x1;
	s9 =	smul.u32 $0x1880, s8  }
0x4: {  	[smem:$0x7FF] =	sst s4;
	s6 =	sadd.s32 $0xA00, s0;
	s10 =	sadd.s32 $0xC4A00, s0  }
0x5: {  	s2 =	sor.u32 s1, s2;
	_ =	strace $0x80000047;
	s22 =	sshrl.u32 s9, $0x3  }
0x6: {  	s11 =	sadd.s32 $0x380, s9;
	s13 =	sadd.s32 $0x700, s9;
	s14 =	sadd.s32 s9, s3  }
0x7: {  	s25 =	sadd.s32 $0xA80, s9;
	s29 =	sadd.s32 $0xE00, s9;
	s31 =	sadd.s32 $0x1180, s9  }
0x8: {  	s12 =	sshrl.u32 s11, $0x3;
	[dreg:$0x4] =	wrdreg s14;
	s11 =	sadd.s32 s11, s3  }
0x9: {  	s9 =	sadd.s32 $0x1500, s9;
	s26 =	sadd.s32 s13, s3;
	[dreg:$0x6] =	wrdreg s11  }
0xa: {  	s23 =	sshrl.u32 s13, $0x3;
	s13 =	sadd.s32 s29, s3;
	[dreg:$0x8] =	wrdreg s26  }
0xb: {  	s15 =	sshrl.u32 s9, $0x3;
	s9 =	sadd.s32 s9, s3;
	[dreg:$0xc] =	wrdreg s13  }
0xc: {  	s1 =	ssub.s32 $0x2, s1;
	s12 =	sadd.s32 s10, s12;
	[dreg:$0x10] =	wrdreg s9  }
0xd: {  	s21 =	sshrl.u32 s1, $0x1;
	s24 =	sadd.s32 s10, s23;
	[dreg:$0x5] =	wrdreg s12  }
0xe: {  	s1 =	ssub.s32 s1, s21;
	s11 =	sadd.s32 s25, s3;
	[dreg:$0x7] =	wrdreg s24  }
0xf: {  	s8 =	sadd.s32 s10, s22;
	s20 =	smax.u32 s1, $0x1;
	[dreg:$0xa] =	wrdreg s11  }
0x10: {  	s7 =	sadd.s32 $0x62A00, s0;
	s21 =	sadd.s32 $0x3100, s8;
	[dreg:$0x16] =	wrdreg s20  }
0x11: {  	s5 =	smul.u32 $0x18800, s2;
	s22 =	sadd.s32 $0x6200, s8;
	[dreg:$0x17] =	wrdreg s21  }
0x12: {  	s28 =	sshrl.u32 s25, $0x3;
	s23 =	sadd.s32 $0x3170, s8;
	[dreg:$0x18] =	wrdreg s22  }
0x13: {  	s30 =	sshrl.u32 s29, $0x3;
	s25 =	sadd.s32 $0x31E0, s8;
	[dreg:$0x19] =	wrdreg s23  }
0x14: {  	s14 =	sshrl.u32 s31, $0x3;
	s26 =	sadd.s32 $0x62E0, s8;
	[dreg:$0x1b] =	wrdreg s25  }
0x15: {  	s2 =	sshrl.u32 s5, $0x3;
	s29 =	sadd.s32 $0x6350, s8;
	[dreg:$0x1c] =	wrdreg s26  }
0x16: {  	s13 =	sadd.s32 $0x3330, s8;
	s12 =	sadd.s32 s10, s28;
	[dreg:$0x1e] =	wrdreg s29  }
0x17: {  	v0 =	vimm.s32 $0xEDCBA987;
	v1 =	vimm.s32 $0x65432100;
	v2 =	vimm.s32 $0x54321000;
	s0 =	sadd.s32 s2, s0;
	s11 =	sadd.s32 s10, s30;
	[dreg:$0x9] =	wrdreg s12  }
0x18: {  	v3 =	vimm.s32 $0xE40000;
	v4 =	vimm.s32 $0x32100000;
	v0 =	vunpack.c.l.s4.s8 v0;
	s16 =	sadd.s32 s6, s2;
	s17 =	sadd.s32 $0x100, s2;
	[dreg:$0xb] =	wrdreg s11  }
0x19: {  	v5 =	vimm.s32 $0xBA987654;
	v6 =	vimm.s32 $0xFFEDCBA9;
	v1 =	vunpack.c.l.s4.s8 v1;
	s2 =	sadd.s32 s7, s2;
	s24 =	sadd.s32 $0x6270, s8;
	[dreg:$0x11] =	wrdreg s16  }
0x1a: {  	v7 =	vimm.s32 $0x87654321;
	v8 =	vimm.s32 $0x7060504;
	v0 =	vunpack.c.0.s8.s32 v0;
	s28 =	sadd.s32 $0x3250, s8;
	s30 =	sadd.s32 $0x32C0, s8;
	[dreg:$0x12] =	wrdreg s2  }
0x1b: {  	vm0 =	vcmask $0x3F30;
	v2 =	vunpack.c.l.s4.s8 v2;
	v1 =	vunpack.c.0.s8.s32 v1;
	s20 =	simm.s32 $0x1C300;
	s21 =	simm.s32 $0x2;
	[dreg:$0x1a] =	wrdreg s24  }
0x1c: {  	v3 =	vunpack.c.l.s2.s4 v3;
	v4 =	vunpack.c.l.s4.s8 v4;
	v0 =	vand.u32 $0xF, v0;
	s22 =	simm.s32 $0x80;
	s23 =	simm.s32 $0x1;
	[dreg:$0x1d] =	wrdreg s28  }
0x1d: {  	v5 =	vunpack.c.l.s4.s8 v5;
	v0 =	vcombine.low v1, v0;
	v1 =	vimm.s32 $0xDCBA9876;
	s25 =	simm.s32 $0x0;
	s12 =	sadd.s32 s10, s14;
	[dreg:$0x1f] =	wrdreg s30  }
0x1e: {  	v6 =	vunpack.c.l.s4.s8 v6;
	v3 =	vunpack.c.l.s4.s8 v3;
	s11 =	sadd.s32 s31, s3;
	s10 =	sadd.s32 s10, s15;
	v1 =	vunpack.c.l.s4.s8 v1;
	[dreg:$0xd] =	wrdreg s12  }
0x1f: {  	v7 =	vunpack.c.l.s4.s8 v7;
	v8 =	vunpack.c.0.s8.s32 v8;
	v2 =	vunpack.c.0.s8.s32 v2;
	s18 =	sadd.s32 s6, s17;
	s19 =	sadd.s32 s7, s17;
	[dreg:$0xe] =	wrdreg s11  }
.Ltmp0:
0x20: {  	v5 =	vunpack.c.0.s8.s32 v5;
	v3 =	vunpack.c.0.s8.s32 v3;
	s0 =	sadd.s32 $0xCDE00, s0;
	[dreg:$0xf] =	wrdreg s10;
	v1 =	vunpack.c.0.s8.s32 v1;
	(pc) =	sbr.rel .LBB2_1-.Ltmp0, $4  }
0x21: {  	v4 =	vunpack.c.0.s8.s32 v4;
	v6 =	vunpack.c.0.s8.s32 v6;
	v7 =	vunpack.c.0.s8.s32 v7;
	s31 =	sadd.s32 $0x63C0, s8;
	s14 =	sadd.s32 $0x6430, s8;
	[dreg:$0x13] =	wrdreg s18  }
0x22: {  	v5 =	vand.u32 $0xF, v5;
	s15 =	sadd.s32 $0x33A0, s8;
	s16 =	sadd.s32 $0x64A0, s8;
	v3 =	vand.u32 $0x3, v3;
	[dreg:$0x14] =	wrdreg s19;
	v1 =	vand.u32 $0xF, v1  }
0x23: {  	s17 =	simm.s32 $0x3;
	s24 =	simm.s32 $0x0;
	[dreg:$0x15] =	wrdreg s0;
	v1 =	vcombine.low v2, v1;
	v2 =	vsel vm0, v8, v3;
	v3 =	vcombine.low v4, v5  }
0x24: {  	[smem:$0x7FD] =	sst s31;
	s18 =	simm.s32 $0x18B80;
	s19 =	simm.s32 $0x18F00;
	v4 =	vimm.f32 $0.0e+00;
	v5 =	vcombine.low v7, v6;
	vm0 =	vcmask $0x3F3C  }
.LBB2_35:
0x25: {  	s0 =	rddreg [dreg:$0x15]  }
0x26: {  	[hbm4b:s0+s4] =	stream.linear.scatter [tilespmem:s4], [sflag:$0x3], $0x18800, $0x38;
	[tilespmem:$0x1FB80] =	vst v63  }
0x27: {  	_ =	swait.ge [sflag:s17], $0x18800  }
0x28: {  	s24 =	sadd.s32 $0x1, s24;
	s31 =	rddreg [dreg:$0x16]  }
0x29: {  	p0 =	sne.s32 s24, s31  }
.Ltmp1:
0x2a: {  	_ = 	snop;
	(pc) =	sbr.rel @!p0 .LBB2_36-.Ltmp1, $3  }
0x2b: {  	_ =	sdelay $0x1  }
0x2c: {  	[sflag:s17] =	ssyncset.done $0x0  }
0x2d: {  	[sflag:s17] =	ssyncadd.s32 $0xFFFE7800  }
.LBB2_1:
0x2e: {  	s0 =	rddreg [dreg:$0x1];
	s1 =	simm.s32 $0x19280  }
0x2f: {  	[tilespmem:s1], [sflag:$0x3] =	stream.linear.gather [hbm4b:s0+s4], $0x80, $0x38;
	[tilespmem:$0x1FB80] =	vst v63  }
0x30: {  	_ =	swait.ge [sflag:s17], $0x80  }
0x31: {  	[sflag:s17] =	ssyncset.done $0x0  }
0x32: {  	[sflag:s17] =	ssyncadd.s32 $0xFFFFFF80  }
0x33: {  	v7 =	vld [tilespmem:$0x19280]  }
0x34: {  	s26 =	simm.s32 $0x18800;
	v8 =	vld [tilespmem:$0x19290]  }
0x35: {  	v6 =	vld [tilespmem:$0x192A0];
	[tilespmem:s26], [sflag:$0x3] =	stream.linear.gather [hbm4b:s8+s4], $0x380, $0x38  }
0x36: {  	_ =	swait.ge [sflag:s17], $0x380  }
0x37: {  	[sflag:s17] =	ssyncset.done $0x0  }
0x38: {  	s28 =	rddreg [dreg:$0x17];
	[sflag:s17] =	ssyncadd.s32 $0xFFFFFC80  }
0x39: {  	[tilespmem:s18], [sflag:$0x3] =	stream.linear.gather [hbm4b:s28+s4], $0x380, $0x38;
	[tilespmem:$0x1FB80] =	vst v63  }
0x3a: {  	_ =	swait.ge [sflag:s17], $0x380  }
0x3b: {  	[sflag:s17] =	ssyncset.done $0x0  }
0x3c: {  	s29 =	rddreg [dreg:$0x18];
	[sflag:s17] =	ssyncadd.s32 $0xFFFFFC80  }
0x3d: {  	[tilespmem:s19], [sflag:$0x3] =	stream.linear.gather [hbm4b:s29+s4], $0x380, $0x38;
	[tilespmem:$0x1FB80] =	vst v63  }
0x3e: {  	_ =	swait.ge [sflag:s17], $0x380  }
0x3f: {  	[sflag:s17] =	ssyncset.done $0x0  }
0x40: {  	[sflag:s17] =	ssyncadd.s32 $0xFFFFFC80  }
0x41: {  	s30 =	sand.u32 $0x3F0, s4;
	v9 =	vld [tilespmem:s26+$0x0]  }
0x42: {  	v10 =	vld [tilespmem:s30+$0x18B80];
	_ =	sdelay $0x1  }
0x43: {  	v11 =	vld [tilespmem:s30+$0x18F00];
	_ =	sdelay $0x2  }
0x44: {  	v9 =	vmul.f32 v9, v7;
	v10 =	vmul.f32 v10, v8;
	_ =	sdelay $0x1  }
0x45: {  	v9 =	vadd.f32 v10, v9;
	v10 =	vmul.f32 v11, v6;
	_ =	sdelay $0x1  }
0x46: {  	v9 =	vadd.f32 v10, v9;
	_ =	sdelay $0x1  }
0x47: {  	s31 =	simm.s32 $0x10;
	s1 =	simm.s32 $0x18810;
	[tilespmem:s20+$0x0] =	vst v9  }
0x48: {  	s2 =	simm.s32 $0x20;
	s9 =	sand.u32 $0x3F0, s31;
	s0 =	simm.s32 $0x1C300;
	v9 =	vld [tilespmem:s1+$0x0]  }
.LBB2_2:
0x49: {  	p0 =	sne.s32 s2, $0x370;
	v10 =	vld [tilespmem:s9+$0x18B80];
	_ =	sdelay $0x1  }
0x4a: {  	v11 =	vld [tilespmem:s9+$0x18F00];
	_ =	sdelay $0x2  }
0x4b: {  	v9 =	vmul.f32 v9, v7;
	v10 =	vmul.f32 v10, v8;
	_ =	sdelay $0x1  }
0x4c: {  	v9 =	vadd.f32 v10, v9;
	v10 =	vmul.f32 v11, v6  }
.Ltmp2:
0x4d: {  	(pc) =	sbr.rel @p0 .LBB2_2-.Ltmp2, $4  }
0x4e: {  	v9 =	vadd.f32 v10, v9  }
0x4f: {  	s0 =	sadd.s32 $0x10, s0  }
0x50: {  	s1 =	sadd.s32 $0x10, s1;
	[tilespmem:s0+$0x0] =	vst v9  }
0x51: {  	s9 =	sand.u32 $0x3F0, s2;
	s2 =	sadd.s32 $0x10, s2;
	v9 =	vld [tilespmem:s1+$0x0]  }
0x52: {  	v10 =	vld [tilespmem:s9+$0x18B80];
	_ =	sdelay $0x1  }
0x53: {  	v11 =	vld [tilespmem:s9+$0x18F00];
	_ =	sdelay $0x2  }
0x54: {  	v9 =	vmul.f32 v9, v7;
	v10 =	vmul.f32 v10, v8;
	_ =	sdelay $0x1  }
0x55: {  	v9 =	vadd.f32 v10, v9;
	v10 =	vmul.f32 v11, v6;
	_ =	sdelay $0x1  }
0x56: {  	v9 =	vadd.f32 v10, v9  }
0x57: {  	s0 =	sadd.s32 $0x10, s0  }
0x58: {  	s1 =	simm.s32 $0x1C300;
	s12 =	rddreg [dreg:$0x4];
	[tilespmem:s0+$0x0] =	vst v9  }
0x59: {  	[spmem:s12] =	stream.linear.scatter [tilespmem:s1], [sflag:$0x3], $0x380, $0x38;
	[tilespmem:$0x1FB80] =	vst v63  }
0x5a: {  	_ =	swait.ge [sflag:s17], $0x380  }
0x5b: {  	s26 =	simm.s32 $0x0;
	[sflag:s17] =	ssyncset.done $0x0  }
0x5c: {  	s2 =	simm.s32 $0x18800;
	s28 =	rddreg [dreg:$0x5];
	[sflag:s17] =	ssyncadd.s32 $0xFFFFFC80  }
0x5d: {  	[tilespmem:s2], [sflag:$0x3] =	stream.linear.gather [hbm4b:s28+s26], $0x380, $0x38;
	[tilespmem:$0x1FB80] =	vst v63  }
0x5e: {  	_ =	swait.ge [sflag:s17], $0x380  }
0x5f: {  	[sflag:s17] =	ssyncset.done $0x0  }
0x60: {  	s29 =	rddreg [dreg:$0x19];
	[sflag:s17] =	ssyncadd.s32 $0xFFFFFC80  }
0x61: {  	[tilespmem:s18], [sflag:$0x3] =	stream.linear.gather [hbm4b:s29+s26], $0x380, $0x38;
	[tilespmem:$0x1FB80] =	vst v63  }
0x62: {  	_ =	swait.ge [sflag:s17], $0x380  }
0x63: {  	[sflag:s17] =	ssyncset.done $0x0  }
0x64: {  	s30 =	rddreg [dreg:$0x1a];
	[sflag:s17] =	ssyncadd.s32 $0xFFFFFC80  }
0x65: {  	[tilespmem:s19], [sflag:$0x3] =	stream.linear.gather [hbm4b:s30+s26], $0x380, $0x38;
	[tilespmem:$0x1FB80] =	vst v63  }
0x66: {  	_ =	swait.ge [sflag:s17], $0x380  }
0x67: {  	[sflag:s17] =	ssyncset.done $0x0  }
0x68: {  	[sflag:s17] =	ssyncadd.s32 $0xFFFFFC80  }
0x69: {  	s0 =	sand.u32 $0x3F0, s26;
	v9 =	vld [tilespmem:s2+$0x0]  }
0x6a: {  	v10 =	vld [tilespmem:s0+$0x18B80];
	_ =	sdelay $0x1  }
0x6b: {  	v11 =	vld [tilespmem:s0+$0x18F00];
	_ =	sdelay $0x2  }
0x6c: {  	v9 =	vmul.f32 v9, v7;
	v10 =	vmul.f32 v10, v8;
	_ =	sdelay $0x1  }
0x6d: {  	v9 =	vadd.f32 v10, v9;
	v10 =	vmul.f32 v11, v6;
	_ =	sdelay $0x1  }
0x6e: {  	v9 =	vadd.f32 v10, v9;
	_ =	sdelay $0x1  }
0x6f: {  	s31 =	simm.s32 $0x10;
	s0 =	simm.s32 $0x18810;
	[tilespmem:s1+$0x0] =	vst v9  }
0x70: {  	s9 =	sand.u32 $0x3F0, s31;
	s2 =	simm.s32 $0x20;
	v9 =	vld [tilespmem:s0+$0x0]  }
.LBB2_4:
0x71: {  	p0 =	sne.s32 s2, $0x370;
	v10 =	vld [tilespmem:s9+$0x18B80];
	_ =	sdelay $0x1  }
0x72: {  	v11 =	vld [tilespmem:s9+$0x18F00];
	_ =	sdelay $0x2  }
0x73: {  	v9 =	vmul.f32 v9, v7;
	v10 =	vmul.f32 v10, v8;
	_ =	sdelay $0x1  }
0x74: {  	v9 =	vadd.f32 v10, v9;
	v10 =	vmul.f32 v11, v6  }
.Ltmp3:
0x75: {  	(pc) =	sbr.rel @p0 .LBB2_4-.Ltmp3, $4  }
0x76: {  	v9 =	vadd.f32 v10, v9  }
0x77: {  	s1 =	sadd.s32 $0x10, s1  }
0x78: {  	s0 =	sadd.s32 $0x10, s0;
	[tilespmem:s1+$0x0] =	vst v9  }
0x79: {  	s9 =	sand.u32 $0x3F0, s2;
	s2 =	sadd.s32 $0x10, s2;
	v9 =	vld [tilespmem:s0+$0x0]  }
0x7a: {  	v10 =	vld [tilespmem:s9+$0x18B80];
	_ =	sdelay $0x1  }
0x7b: {  	v11 =	vld [tilespmem:s9+$0x18F00];
	_ =	sdelay $0x2  }
0x7c: {  	v9 =	vmul.f32 v9, v7;
	v10 =	vmul.f32 v10, v8;
	_ =	sdelay $0x1  }
0x7d: {  	v9 =	vadd.f32 v10, v9;
	v10 =	vmul.f32 v11, v6;
	_ =	sdelay $0x1  }
0x7e: {  	v9 =	vadd.f32 v10, v9  }
0x7f: {  	s0 =	sadd.s32 $0x10, s1  }
0x80: {  	s1 =	simm.s32 $0x1C300;
	s12 =	rddreg [dreg:$0x6];
	[tilespmem:s0+$0x0] =	vst v9  }
0x81: {  	[spmem:s12] =	stream.linear.scatter [tilespmem:s1], [sflag:$0x3], $0x380, $0x38;
	[tilespmem:$0x1FB80] =	vst v63  }
0x82: {  	_ =	swait.ge [sflag:s17], $0x380  }
0x83: {  	s26 =	simm.s32 $0x0;
	[sflag:s17] =	ssyncset.done $0x0  }
0x84: {  	s2 =	simm.s32 $0x18800;
	s28 =	rddreg [dreg:$0x7];
	[sflag:s17] =	ssyncadd.s32 $0xFFFFFC80  }
0x85: {  	[tilespmem:s2], [sflag:$0x3] =	stream.linear.gather [hbm4b:s28+s26], $0x380, $0x38;
	[tilespmem:$0x1FB80] =	vst v63  }
0x86: {  	_ =	swait.ge [sflag:s17], $0x380  }
0x87: {  	[sflag:s17] =	ssyncset.done $0x0  }
0x88: {  	s29 =	rddreg [dreg:$0x1b];
	[sflag:s17] =	ssyncadd.s32 $0xFFFFFC80  }
0x89: {  	[tilespmem:s18], [sflag:$0x3] =	stream.linear.gather [hbm4b:s29+s26], $0x380, $0x38;
	[tilespmem:$0x1FB80] =	vst v63  }
0x8a: {  	_ =	swait.ge [sflag:s17], $0x380  }
0x8b: {  	[sflag:s17] =	ssyncset.done $0x0  }
0x8c: {  	s30 =	rddreg [dreg:$0x1c];
	[sflag:s17] =	ssyncadd.s32 $0xFFFFFC80  }
0x8d: {  	[tilespmem:s19], [sflag:$0x3] =	stream.linear.gather [hbm4b:s30+s26], $0x380, $0x38;
	[tilespmem:$0x1FB80] =	vst v63  }
0x8e: {  	_ =	swait.ge [sflag:s17], $0x380  }
0x8f: {  	[sflag:s17] =	ssyncset.done $0x0  }
0x90: {  	[sflag:s17] =	ssyncadd.s32 $0xFFFFFC80  }
0x91: {  	s0 =	sand.u32 $0x3F0, s26;
	v9 =	vld [tilespmem:s2+$0x0]  }
0x92: {  	v10 =	vld [tilespmem:s0+$0x18B80];
	_ =	sdelay $0x1  }
0x93: {  	v11 =	vld [tilespmem:s0+$0x18F00];
	_ =	sdelay $0x2  }
0x94: {  	v9 =	vmul.f32 v9, v7;
	v10 =	vmul.f32 v10, v8;
	_ =	sdelay $0x1  }
0x95: {  	v9 =	vadd.f32 v10, v9;
	v10 =	vmul.f32 v11, v6;
	_ =	sdelay $0x1  }
0x96: {  	v9 =	vadd.f32 v10, v9;
	_ =	sdelay $0x1  }
0x97: {  	s31 =	simm.s32 $0x10;
	s0 =	simm.s32 $0x18810;
	[tilespmem:s1+$0x0] =	vst v9  }
0x98: {  	s9 =	sand.u32 $0x3F0, s31;
	s2 =	simm.s32 $0x20;
	v9 =	vld [tilespmem:s0+$0x0]  }
.LBB2_6:
0x99: {  	p0 =	sne.s32 s2, $0x370;
	v10 =	vld [tilespmem:s9+$0x18B80];
	_ =	sdelay $0x1  }
0x9a: {  	v11 =	vld [tilespmem:s9+$0x18F00];
	_ =	sdelay $0x2  }
0x9b: {  	v9 =	vmul.f32 v9, v7;
	v10 =	vmul.f32 v10, v8;
	_ =	sdelay $0x1  }
0x9c: {  	v9 =	vadd.f32 v10, v9;
	v10 =	vmul.f32 v11, v6  }
.Ltmp4:
0x9d: {  	(pc) =	sbr.rel @p0 .LBB2_6-.Ltmp4, $4  }
0x9e: {  	v9 =	vadd.f32 v10, v9  }
0x9f: {  	s1 =	sadd.s32 $0x10, s1  }
0xa0: {  	s0 =	sadd.s32 $0x10, s0;
	[tilespmem:s1+$0x0] =	vst v9  }
0xa1: {  	s9 =	sand.u32 $0x3F0, s2;
	s2 =	sadd.s32 $0x10, s2;
	v9 =	vld [tilespmem:s0+$0x0]  }
0xa2: {  	v10 =	vld [tilespmem:s9+$0x18B80];
	_ =	sdelay $0x1  }
0xa3: {  	v11 =	vld [tilespmem:s9+$0x18F00];
	_ =	sdelay $0x2  }
0xa4: {  	v9 =	vmul.f32 v9, v7;
	v10 =	vmul.f32 v10, v8;
	_ =	sdelay $0x1  }
0xa5: {  	v9 =	vadd.f32 v10, v9;
	v10 =	vmul.f32 v11, v6;
	_ =	sdelay $0x1  }
0xa6: {  	v9 =	vadd.f32 v10, v9  }
0xa7: {  	s0 =	sadd.s32 $0x10, s1  }
0xa8: {  	s1 =	simm.s32 $0x1C300;
	s12 =	rddreg [dreg:$0x8];
	[tilespmem:s0+$0x0] =	vst v9  }
0xa9: {  	[spmem:s12] =	stream.linear.scatter [tilespmem:s1], [sflag:$0x3], $0x380, $0x38;
	[tilespmem:$0x1FB80] =	vst v63  }
0xaa: {  	_ =	swait.ge [sflag:s17], $0x380  }
0xab: {  	s26 =	simm.s32 $0x0;
	[sflag:s17] =	ssyncset.done $0x0  }
0xac: {  	s2 =	simm.s32 $0x18800;
	s28 =	rddreg [dreg:$0x9];
	[sflag:s17] =	ssyncadd.s32 $0xFFFFFC80  }
0xad: {  	[tilespmem:s2], [sflag:$0x3] =	stream.linear.gather [hbm4b:s28+s26], $0x380, $0x38;
	[tilespmem:$0x1FB80] =	vst v63  }
0xae: {  	_ =	swait.ge [sflag:s17], $0x380  }
0xaf: {  	[sflag:s17] =	ssyncset.done $0x0  }
0xb0: {  	s29 =	rddreg [dreg:$0x1d];
	[sflag:s17] =	ssyncadd.s32 $0xFFFFFC80  }
0xb1: {  	[tilespmem:s18], [sflag:$0x3] =	stream.linear.gather [hbm4b:s29+s26], $0x380, $0x38;
	[tilespmem:$0x1FB80] =	vst v63  }
0xb2: {  	_ =	swait.ge [sflag:s17], $0x380  }
0xb3: {  	[sflag:s17] =	ssyncset.done $0x0  }
0xb4: {  	s30 =	rddreg [dreg:$0x1e];
	[sflag:s17] =	ssyncadd.s32 $0xFFFFFC80  }
0xb5: {  	[tilespmem:s19], [sflag:$0x3] =	stream.linear.gather [hbm4b:s30+s26], $0x380, $0x38;
	[tilespmem:$0x1FB80] =	vst v63  }
0xb6: {  	_ =	swait.ge [sflag:s17], $0x380  }
0xb7: {  	[sflag:s17] =	ssyncset.done $0x0  }
0xb8: {  	[sflag:s17] =	ssyncadd.s32 $0xFFFFFC80  }
0xb9: {  	s0 =	sand.u32 $0x3F0, s26;
	v9 =	vld [tilespmem:s2+$0x0]  }
0xba: {  	v10 =	vld [tilespmem:s0+$0x18B80];
	_ =	sdelay $0x1  }
0xbb: {  	v11 =	vld [tilespmem:s0+$0x18F00];
	_ =	sdelay $0x2  }
0xbc: {  	v9 =	vmul.f32 v9, v7;
	v10 =	vmul.f32 v10, v8;
	_ =	sdelay $0x1  }
0xbd: {  	v9 =	vadd.f32 v10, v9;
	v10 =	vmul.f32 v11, v6;
	_ =	sdelay $0x1  }
0xbe: {  	v9 =	vadd.f32 v10, v9;
	_ =	sdelay $0x1  }
0xbf: {  	s31 =	simm.s32 $0x10;
	s0 =	simm.s32 $0x18810;
	[tilespmem:s1+$0x0] =	vst v9  }
0xc0: {  	s9 =	sand.u32 $0x3F0, s31;
	s2 =	simm.s32 $0x20;
	v9 =	vld [tilespmem:s0+$0x0]  }
.LBB2_8:
0xc1: {  	p0 =	sne.s32 s2, $0x370;
	v10 =	vld [tilespmem:s9+$0x18B80];
	_ =	sdelay $0x1  }
0xc2: {  	v11 =	vld [tilespmem:s9+$0x18F00];
	_ =	sdelay $0x2  }
0xc3: {  	v9 =	vmul.f32 v9, v7;
	v10 =	vmul.f32 v10, v8;
	_ =	sdelay $0x1  }
0xc4: {  	v9 =	vadd.f32 v10, v9;
	v10 =	vmul.f32 v11, v6  }
.Ltmp5:
0xc5: {  	(pc) =	sbr.rel @p0 .LBB2_8-.Ltmp5, $4  }
0xc6: {  	v9 =	vadd.f32 v10, v9  }
0xc7: {  	s1 =	sadd.s32 $0x10, s1  }
0xc8: {  	s0 =	sadd.s32 $0x10, s0;
	[tilespmem:s1+$0x0] =	vst v9  }
0xc9: {  	s9 =	sand.u32 $0x3F0, s2;
	s2 =	sadd.s32 $0x10, s2;
	v9 =	vld [tilespmem:s0+$0x0]  }
0xca: {  	v10 =	vld [tilespmem:s9+$0x18B80];
	_ =	sdelay $0x1  }
0xcb: {  	v11 =	vld [tilespmem:s9+$0x18F00];
	_ =	sdelay $0x2  }
0xcc: {  	v9 =	vmul.f32 v9, v7;
	v10 =	vmul.f32 v10, v8;
	_ =	sdelay $0x1  }
0xcd: {  	v9 =	vadd.f32 v10, v9;
	v10 =	vmul.f32 v11, v6;
	_ =	sdelay $0x1  }
0xce: {  	v9 =	vadd.f32 v10, v9  }
0xcf: {  	s0 =	sadd.s32 $0x10, s1  }
0xd0: {  	s1 =	simm.s32 $0x1C300;
	s12 =	rddreg [dreg:$0xa];
	[tilespmem:s0+$0x0] =	vst v9  }
0xd1: {  	[spmem:s12] =	stream.linear.scatter [tilespmem:s1], [sflag:$0x3], $0x380, $0x38;
	[tilespmem:$0x1FB80] =	vst v63  }
0xd2: {  	_ =	swait.ge [sflag:s17], $0x380  }
0xd3: {  	s26 =	simm.s32 $0x0;
	[sflag:s17] =	ssyncset.done $0x0  }
0xd4: {  	s2 =	simm.s32 $0x18800;
	s28 =	rddreg [dreg:$0xb];
	[sflag:s17] =	ssyncadd.s32 $0xFFFFFC80  }
0xd5: {  	[tilespmem:s2], [sflag:$0x3] =	stream.linear.gather [hbm4b:s28+s26], $0x380, $0x38;
	[tilespmem:$0x1FB80] =	vst v63  }
0xd6: {  	_ =	swait.ge [sflag:s17], $0x380  }
0xd7: {  	[sflag:s17] =	ssyncset.done $0x0  }
0xd8: {  	s29 =	rddreg [dreg:$0x1f];
	[sflag:s17] =	ssyncadd.s32 $0xFFFFFC80  }
0xd9: {  	[tilespmem:s18], [sflag:$0x3] =	stream.linear.gather [hbm4b:s29+s26], $0x380, $0x38;
	[tilespmem:$0x1FB80] =	vst v63  }
0xda: {  	_ =	swait.ge [sflag:s17], $0x380  }
0xdb: {  	s30 =	sld [smem:$0x7FD]  }
0xdc: {  	[sflag:s17] =	ssyncset.done $0x0  }
0xdd: {  	[sflag:s17] =	ssyncadd.s32 $0xFFFFFC80  }
0xde: {  	[tilespmem:s19], [sflag:$0x3] =	stream.linear.gather [hbm4b:s30+s26], $0x380, $0x38;
	[tilespmem:$0x1FB80] =	vst v63  }
0xdf: {  	_ =	swait.ge [sflag:s17], $0x380  }
0xe0: {  	[sflag:s17] =	ssyncset.done $0x0  }
0xe1: {  	[sflag:s17] =	ssyncadd.s32 $0xFFFFFC80  }
0xe2: {  	s0 =	sand.u32 $0x3F0, s26;
	v9 =	vld [tilespmem:s2+$0x0]  }
0xe3: {  	v10 =	vld [tilespmem:s0+$0x18B80];
	_ =	sdelay $0x1  }
0xe4: {  	v11 =	vld [tilespmem:s0+$0x18F00];
	_ =	sdelay $0x2  }
0xe5: {  	v9 =	vmul.f32 v9, v7;
	v10 =	vmul.f32 v10, v8;
	_ =	sdelay $0x1  }
0xe6: {  	v9 =	vadd.f32 v10, v9;
	v10 =	vmul.f32 v11, v6;
	_ =	sdelay $0x1  }
0xe7: {  	v9 =	vadd.f32 v10, v9;
	_ =	sdelay $0x1  }
0xe8: {  	s31 =	simm.s32 $0x10;
	s0 =	simm.s32 $0x18810;
	[tilespmem:s1+$0x0] =	vst v9  }
0xe9: {  	s9 =	sand.u32 $0x3F0, s31;
	s2 =	simm.s32 $0x20;
	v9 =	vld [tilespmem:s0+$0x0]  }
.LBB2_10:
0xea: {  	p0 =	sne.s32 s2, $0x370;
	v10 =	vld [tilespmem:s9+$0x18B80];
	_ =	sdelay $0x1  }
0xeb: {  	v11 =	vld [tilespmem:s9+$0x18F00];
	_ =	sdelay $0x2  }
0xec: {  	v9 =	vmul.f32 v9, v7;
	v10 =	vmul.f32 v10, v8;
	_ =	sdelay $0x1  }
0xed: {  	v9 =	vadd.f32 v10, v9;
	v10 =	vmul.f32 v11, v6  }
.Ltmp6:
0xee: {  	(pc) =	sbr.rel @p0 .LBB2_10-.Ltmp6, $4  }
0xef: {  	v9 =	vadd.f32 v10, v9  }
0xf0: {  	s1 =	sadd.s32 $0x10, s1  }
0xf1: {  	s0 =	sadd.s32 $0x10, s0;
	[tilespmem:s1+$0x0] =	vst v9  }
0xf2: {  	s9 =	sand.u32 $0x3F0, s2;
	s2 =	sadd.s32 $0x10, s2;
	v9 =	vld [tilespmem:s0+$0x0]  }
0xf3: {  	v10 =	vld [tilespmem:s9+$0x18B80];
	_ =	sdelay $0x1  }
0xf4: {  	v11 =	vld [tilespmem:s9+$0x18F00];
	_ =	sdelay $0x2  }
0xf5: {  	v9 =	vmul.f32 v9, v7;
	v10 =	vmul.f32 v10, v8;
	_ =	sdelay $0x1  }
0xf6: {  	v9 =	vadd.f32 v10, v9;
	v10 =	vmul.f32 v11, v6;
	_ =	sdelay $0x1  }
0xf7: {  	v9 =	vadd.f32 v10, v9  }
0xf8: {  	s0 =	sadd.s32 $0x10, s1  }
0xf9: {  	s1 =	simm.s32 $0x1C300;
	s28 =	rddreg [dreg:$0xc];
	[tilespmem:s0+$0x0] =	vst v9  }
0xfa: {  	[spmem:s28] =	stream.linear.scatter [tilespmem:s1], [sflag:$0x3], $0x380, $0x38;
	[tilespmem:$0x1FB80] =	vst v63  }
0xfb: {  	_ =	swait.ge [sflag:s17], $0x380  }
0xfc: {  	s29 =	simm.s32 $0x0;
	[sflag:s17] =	ssyncset.done $0x0  }
0xfd: {  	s2 =	simm.s32 $0x18800;
	s30 =	rddreg [dreg:$0xd];
	[sflag:s17] =	ssyncadd.s32 $0xFFFFFC80  }
0xfe: {  	[tilespmem:s2], [sflag:$0x3] =	stream.linear.gather [hbm4b:s30+s29], $0x380, $0x38;
	[tilespmem:$0x1FB80] =	vst v63  }
0xff: {  	_ =	swait.ge [sflag:s17], $0x380  }
0x100: {  	[sflag:s17] =	ssyncset.done $0x0  }
0x101: {  	[sflag:s17] =	ssyncadd.s32 $0xFFFFFC80  }
0x102: {  	[tilespmem:s18], [sflag:$0x3] =	stream.linear.gather [hbm4b:s13+s29], $0x380, $0x38;
	[tilespmem:$0x1FB80] =	vst v63  }
0x103: {  	_ =	swait.ge [sflag:s17], $0x380  }
0x104: {  	[sflag:s17] =	ssyncset.done $0x0  }
0x105: {  	[sflag:s17] =	ssyncadd.s32 $0xFFFFFC80  }
0x106: {  	[tilespmem:s19], [sflag:$0x3] =	stream.linear.gather [hbm4b:s14+s29], $0x380, $0x38;
	[tilespmem:$0x1FB80] =	vst v63  }
0x107: {  	_ =	swait.ge [sflag:s17], $0x380  }
0x108: {  	[sflag:s17] =	ssyncset.done $0x0  }
0x109: {  	[sflag:s17] =	ssyncadd.s32 $0xFFFFFC80  }
0x10a: {  	s0 =	sand.u32 $0x3F0, s29;
	v9 =	vld [tilespmem:s2+$0x0]  }
0x10b: {  	v10 =	vld [tilespmem:s0+$0x18B80];
	_ =	sdelay $0x1  }
0x10c: {  	v11 =	vld [tilespmem:s0+$0x18F00];
	_ =	sdelay $0x2  }
0x10d: {  	v9 =	vmul.f32 v9, v7;
	v10 =	vmul.f32 v10, v8;
	_ =	sdelay $0x1  }
0x10e: {  	v9 =	vadd.f32 v10, v9;
	v10 =	vmul.f32 v11, v6;
	_ =	sdelay $0x1  }
0x10f: {  	v9 =	vadd.f32 v10, v9;
	_ =	sdelay $0x1  }
0x110: {  	s31 =	simm.s32 $0x10;
	s0 =	simm.s32 $0x18810;
	[tilespmem:s1+$0x0] =	vst v9  }
0x111: {  	s9 =	sand.u32 $0x3F0, s31;
	s2 =	simm.s32 $0x20;
	v9 =	vld [tilespmem:s0+$0x0]  }
.LBB2_12:
0x112: {  	p0 =	sne.s32 s2, $0x370;
	v10 =	vld [tilespmem:s9+$0x18B80];
	_ =	sdelay $0x1  }
0x113: {  	v11 =	vld [tilespmem:s9+$0x18F00];
	_ =	sdelay $0x2  }
0x114: {  	v9 =	vmul.f32 v9, v7;
	v10 =	vmul.f32 v10, v8;
	_ =	sdelay $0x1  }
0x115: {  	v9 =	vadd.f32 v10, v9;
	v10 =	vmul.f32 v11, v6  }
.Ltmp7:
0x116: {  	(pc) =	sbr.rel @p0 .LBB2_12-.Ltmp7, $4  }
0x117: {  	v9 =	vadd.f32 v10, v9  }
0x118: {  	s1 =	sadd.s32 $0x10, s1  }
0x119: {  	s0 =	sadd.s32 $0x10, s0;
	[tilespmem:s1+$0x0] =	vst v9  }
0x11a: {  	s9 =	sand.u32 $0x3F0, s2;
	s2 =	sadd.s32 $0x10, s2;
	v9 =	vld [tilespmem:s0+$0x0]  }
0x11b: {  	v10 =	vld [tilespmem:s9+$0x18B80];
	_ =	sdelay $0x1  }
0x11c: {  	v11 =	vld [tilespmem:s9+$0x18F00];
	_ =	sdelay $0x2  }
0x11d: {  	v9 =	vmul.f32 v9, v7;
	v10 =	vmul.f32 v10, v8;
	_ =	sdelay $0x1  }
0x11e: {  	v9 =	vadd.f32 v10, v9;
	v10 =	vmul.f32 v11, v6;
	_ =	sdelay $0x1  }
0x11f: {  	v9 =	vadd.f32 v10, v9  }
0x120: {  	s0 =	sadd.s32 $0x10, s1  }
0x121: {  	s1 =	simm.s32 $0x1C300;
	s28 =	rddreg [dreg:$0xe];
	[tilespmem:s0+$0x0] =	vst v9  }
0x122: {  	[spmem:s28] =	stream.linear.scatter [tilespmem:s1], [sflag:$0x3], $0x380, $0x38;
	[tilespmem:$0x1FB80] =	vst v63  }
0x123: {  	_ =	swait.ge [sflag:s17], $0x380  }
0x124: {  	s29 =	simm.s32 $0x0;
	[sflag:s17] =	ssyncset.done $0x0  }
0x125: {  	s2 =	simm.s32 $0x18800;
	s30 =	rddreg [dreg:$0xf];
	[sflag:s17] =	ssyncadd.s32 $0xFFFFFC80  }
0x126: {  	[tilespmem:s2], [sflag:$0x3] =	stream.linear.gather [hbm4b:s30+s29], $0x380, $0x38;
	[tilespmem:$0x1FB80] =	vst v63  }
0x127: {  	_ =	swait.ge [sflag:s17], $0x380  }
0x128: {  	[sflag:s17] =	ssyncset.done $0x0  }
0x129: {  	[sflag:s17] =	ssyncadd.s32 $0xFFFFFC80  }
0x12a: {  	[tilespmem:s18], [sflag:$0x3] =	stream.linear.gather [hbm4b:s15+s29], $0x380, $0x38;
	[tilespmem:$0x1FB80] =	vst v63  }
0x12b: {  	_ =	swait.ge [sflag:s17], $0x380  }
0x12c: {  	[sflag:s17] =	ssyncset.done $0x0  }
0x12d: {  	[sflag:s17] =	ssyncadd.s32 $0xFFFFFC80  }
0x12e: {  	[tilespmem:s19], [sflag:$0x3] =	stream.linear.gather [hbm4b:s16+s29], $0x380, $0x38;
	[tilespmem:$0x1FB80] =	vst v63  }
0x12f: {  	_ =	swait.ge [sflag:s17], $0x380  }
0x130: {  	[sflag:s17] =	ssyncset.done $0x0  }
0x131: {  	[sflag:s17] =	ssyncadd.s32 $0xFFFFFC80  }
0x132: {  	s0 =	sand.u32 $0x3F0, s29;
	v9 =	vld [tilespmem:s2+$0x0]  }
0x133: {  	v10 =	vld [tilespmem:s0+$0x18B80];
	_ =	sdelay $0x1  }
0x134: {  	v11 =	vld [tilespmem:s0+$0x18F00];
	_ =	sdelay $0x2  }
0x135: {  	v9 =	vmul.f32 v9, v7;
	v10 =	vmul.f32 v10, v8;
	_ =	sdelay $0x1  }
0x136: {  	v9 =	vadd.f32 v10, v9;
	v10 =	vmul.f32 v11, v6;
	_ =	sdelay $0x1  }
0x137: {  	v9 =	vadd.f32 v10, v9;
	_ =	sdelay $0x1  }
0x138: {  	s31 =	simm.s32 $0x10;
	s0 =	simm.s32 $0x18810;
	[tilespmem:s1+$0x0] =	vst v9  }
0x139: {  	s9 =	sand.u32 $0x3F0, s31;
	s2 =	simm.s32 $0x20;
	v9 =	vld [tilespmem:s0+$0x0]  }
.LBB2_14:
0x13a: {  	p0 =	sne.s32 s2, $0x370;
	v10 =	vld [tilespmem:s9+$0x18B80];
	_ =	sdelay $0x1  }
0x13b: {  	v11 =	vld [tilespmem:s9+$0x18F00];
	_ =	sdelay $0x2  }
0x13c: {  	v9 =	vmul.f32 v9, v7;
	v10 =	vmul.f32 v10, v8;
	_ =	sdelay $0x1  }
0x13d: {  	v9 =	vadd.f32 v10, v9;
	v10 =	vmul.f32 v11, v6  }
.Ltmp8:
0x13e: {  	(pc) =	sbr.rel @p0 .LBB2_14-.Ltmp8, $4  }
0x13f: {  	v9 =	vadd.f32 v10, v9  }
0x140: {  	s1 =	sadd.s32 $0x10, s1  }
0x141: {  	s0 =	sadd.s32 $0x10, s0;
	[tilespmem:s1+$0x0] =	vst v9  }
0x142: {  	s9 =	sand.u32 $0x3F0, s2;
	s2 =	sadd.s32 $0x10, s2;
	v9 =	vld [tilespmem:s0+$0x0]  }
0x143: {  	v10 =	vld [tilespmem:s9+$0x18B80];
	_ =	sdelay $0x1  }
0x144: {  	v11 =	vld [tilespmem:s9+$0x18F00];
	_ =	sdelay $0x2  }
0x145: {  	v7 =	vmul.f32 v9, v7;
	v8 =	vmul.f32 v10, v8;
	_ =	sdelay $0x1  }
0x146: {  	v6 =	vmul.f32 v11, v6;
	v7 =	vadd.f32 v8, v7;
	_ =	sdelay $0x1  }
0x147: {  	v6 =	vadd.f32 v6, v7  }
0x148: {  	s0 =	sadd.s32 $0x10, s1  }
0x149: {  	s31 =	rddreg [dreg:$0x10];
	[tilespmem:s0+$0x0] =	vst v6  }
0x14a: {  	[spmem:s31] =	stream.linear.scatter [tilespmem:s20], [sflag:$0x3], $0x380, $0x38;
	[tilespmem:$0x1FB80] =	vst v63  }
0x14b: {  	_ =	swait.ge [sflag:s17], $0x380  }
0x14c: {  	[sflag:s17] =	ssyncset.done $0x0  }
0x14d: {  	s1 =	simm.s32 $0x200;
	s0 =	simm.s32 $0x0;
	[sflag:s17] =	ssyncadd.s32 $0xFFFFFC80  }
.LBB2_16:
0x14e: {  	p0 =	sne.s32 s1, $0x61E00;
	[tilespmem:s0+$0x70] =	vst v4  }
0x14f: {  	[tilespmem:s0+$0x0] =	vst v4  }
0x150: {  	[tilespmem:s0+$0x10] =	vst v4  }
.Ltmp9:
0x151: {  	[tilespmem:s0+$0x20] =	vst v4;
	(pc) =	sbr.rel @p0 .LBB2_16-.Ltmp9, $4  }
0x152: {  	[tilespmem:s0+$0x30] =	vst v4  }
0x153: {  	[tilespmem:s0+$0x40] =	vst v4  }
0x154: {  	[tilespmem:s0+$0x50] =	vst v4  }
0x155: {  	[tilespmem:s0+$0x60] =	vst v4;
	s0 =	sshra.s32 s1, $0x2;
	s1 =	sadd.s32 $0x200, s1  }
0x156: {  	[tilespmem:s0+$0x70] =	vst v4  }
0x157: {  	[tilespmem:s0+$0x0] =	vst v4  }
0x158: {  	[tilespmem:s0+$0x10] =	vst v4  }
0x159: {  	[tilespmem:s0+$0x20] =	vst v4  }
0x15a: {  	[tilespmem:s0+$0x30] =	vst v4  }
0x15b: {  	[tilespmem:s0+$0x40] =	vst v4  }
0x15c: {  	[tilespmem:s0+$0x50] =	vst v4  }
0x15d: {  	[tilespmem:s0+$0x60] =	vst v4  }
0x15e: {  	[bflag:$0x0] =	sbarrier.arrive $0xFFFF  }
0x15f: {  	s1 =	simm.s32 $0x19300;
	s10 =	rddreg [dreg:$0x11]  }
0x160: {  	[tilespmem:s1], [sflag:$0x2] =	stream.linear.gather [hbm4b:s10+s25], $0x800, $0x38;
	[tilespmem:$0x1FB80] =	vst v63  }
0x161: {  	s2 =	simm.s32 $0x1AB00;
	s11 =	rddreg [dreg:$0x12]  }
0x162: {  	[tilespmem:s2], [sflag:$0x2] =	stream.linear.gather [hbm4b:s11+s25], $0x800, $0x38;
	[tilespmem:$0x1FB80] =	vst v63  }
0x163: {  	_ =	swait.ge [sflag:s21], $0x1000  }
0x164: {  	[sflag:s21] =	ssyncset.done $0x0  }
0x165: {  	[sflag:s21] =	ssyncadd.s32 $0xFFFFF000  }
0x166: {  	[tilespmem:s20], [sflag:$0x1] =	stream.indirect.gather [spmem:s3], $0x1, s1, s22, $0xb8;
	[tilespmem:$0x1FB80] =	vst v63  }
0x167: {  	s12 =	simm.s32 $0x1D300  }
0x168: {  	[tilespmem:s12], [sflag:$0x1] =	stream.indirect.gather [spmem:s3], $0x1, s2, s22, $0xb8;
	[tilespmem:$0x1FB80] =	vst v63  }
0x169: {  	s26 =	simm.s32 $0x19380;
	s29 =	simm.s32 $0x1C380  }
0x16a: {  	[tilespmem:s29], [sflag:$0x1] =	stream.indirect.gather [spmem:s3], $0x1, s26, s22, $0xb8;
	[tilespmem:$0x1FB80] =	vst v63  }
0x16b: {  	s30 =	simm.s32 $0x1AB80;
	s31 =	simm.s32 $0x1D380  }
0x16c: {  	[tilespmem:s31], [sflag:$0x1] =	stream.indirect.gather [spmem:s3], $0x1, s30, s22, $0xb8;
	[tilespmem:$0x1FB80] =	vst v63  }
0x16d: {  	s1 =	simm.s32 $0x19400;
	s2 =	simm.s32 $0x1C400  }
0x16e: {  	[tilespmem:s2], [sflag:$0x1] =	stream.indirect.gather [spmem:s3], $0x1, s1, s22, $0xb8;
	[tilespmem:$0x1FB80] =	vst v63  }
0x16f: {  	s9 =	simm.s32 $0x1AC00;
	s10 =	simm.s32 $0x1D400  }
0x170: {  	[tilespmem:s10], [sflag:$0x1] =	stream.indirect.gather [spmem:s3], $0x1, s9, s22, $0xb8;
	[tilespmem:$0x1FB80] =	vst v63  }
0x171: {  	s11 =	simm.s32 $0x19480;
	s12 =	simm.s32 $0x1C480  }
0x172: {  	[tilespmem:s12], [sflag:$0x1] =	stream.indirect.gather [spmem:s3], $0x1, s11, s22, $0xb8;
	[tilespmem:$0x1FB80] =	vst v63  }
0x173: {  	s26 =	simm.s32 $0x1AC80;
	s29 =	simm.s32 $0x1D480  }
0x174: {  	[tilespmem:s29], [sflag:$0x1] =	stream.indirect.gather [spmem:s3], $0x1, s26, s22, $0xb8;
	[tilespmem:$0x1FB80] =	vst v63  }
0x175: {  	s30 =	simm.s32 $0x19500;
	s31 =	simm.s32 $0x1C500  }
0x176: {  	[tilespmem:s31], [sflag:$0x1] =	stream.indirect.gather [spmem:s3], $0x1, s30, s22, $0xb8;
	[tilespmem:$0x1FB80] =	vst v63  }
0x177: {  	s1 =	simm.s32 $0x1AD00;
	s2 =	simm.s32 $0x1D500  }
0x178: {  	[tilespmem:s2], [sflag:$0x1] =	stream.indirect.gather [spmem:s3], $0x1, s1, s22, $0xb8;
	[tilespmem:$0x1FB80] =	vst v63  }
0x179: {  	s9 =	simm.s32 $0x19580;
	s10 =	simm.s32 $0x1C580  }
0x17a: {  	[tilespmem:s10], [sflag:$0x1] =	stream.indirect.gather [spmem:s3], $0x1, s9, s22, $0xb8;
	[tilespmem:$0x1FB80] =	vst v63  }
0x17b: {  	s11 =	simm.s32 $0x1AD80;
	s12 =	simm.s32 $0x1D580  }
0x17c: {  	[tilespmem:s12], [sflag:$0x1] =	stream.indirect.gather [spmem:s3], $0x1, s11, s22, $0xb8;
	[tilespmem:$0x1FB80] =	vst v63  }
0x17d: {  	s26 =	simm.s32 $0x19600;
	s29 =	simm.s32 $0x1C600  }
0x17e: {  	[tilespmem:s29], [sflag:$0x1] =	stream.indirect.gather [spmem:s3], $0x1, s26, s22, $0xb8;
	[tilespmem:$0x1FB80] =	vst v63  }
0x17f: {  	s30 =	simm.s32 $0x1AE00;
	s31 =	simm.s32 $0x1D600  }
0x180: {  	[tilespmem:s31], [sflag:$0x1] =	stream.indirect.gather [spmem:s3], $0x1, s30, s22, $0xb8;
	[tilespmem:$0x1FB80] =	vst v63  }
0x181: {  	s1 =	simm.s32 $0x19680;
	s2 =	simm.s32 $0x1C680  }
0x182: {  	[tilespmem:s2], [sflag:$0x1] =	stream.indirect.gather [spmem:s3], $0x1, s1, s22, $0xb8;
	[tilespmem:$0x1FB80] =	vst v63  }
0x183: {  	s9 =	simm.s32 $0x1AE80;
	s10 =	simm.s32 $0x1D680  }
0x184: {  	[tilespmem:s10], [sflag:$0x1] =	stream.indirect.gather [spmem:s3], $0x1, s9, s22, $0xb8;
	[tilespmem:$0x1FB80] =	vst v63  }
0x185: {  	s11 =	simm.s32 $0x19700;
	s12 =	simm.s32 $0x1C700  }
0x186: {  	[tilespmem:s12], [sflag:$0x1] =	stream.indirect.gather [spmem:s3], $0x1, s11, s22, $0xb8;
	[tilespmem:$0x1FB80] =	vst v63  }
0x187: {  	s26 =	simm.s32 $0x1AF00;
	s29 =	simm.s32 $0x1D700  }
0x188: {  	[tilespmem:s29], [sflag:$0x1] =	stream.indirect.gather [spmem:s3], $0x1, s26, s22, $0xb8;
	[tilespmem:$0x1FB80] =	vst v63  }
0x189: {  	s30 =	simm.s32 $0x19780;
	s31 =	simm.s32 $0x1C780  }
0x18a: {  	[tilespmem:s31], [sflag:$0x1] =	stream.indirect.gather [spmem:s3], $0x1, s30, s22, $0xb8;
	[tilespmem:$0x1FB80] =	vst v63  }
0x18b: {  	s1 =	simm.s32 $0x1AF80;
	s2 =	simm.s32 $0x1D780  }
0x18c: {  	[tilespmem:s2], [sflag:$0x1] =	stream.indirect.gather [spmem:s3], $0x1, s1, s22, $0xb8;
	[tilespmem:$0x1FB80] =	vst v63  }
0x18d: {  	s9 =	simm.s32 $0x19800;
	s10 =	simm.s32 $0x1C800  }
0x18e: {  	[tilespmem:s10], [sflag:$0x1] =	stream.indirect.gather [spmem:s3], $0x1, s9, s22, $0xb8;
	[tilespmem:$0x1FB80] =	vst v63  }
0x18f: {  	s11 =	simm.s32 $0x1B000;
	s12 =	simm.s32 $0x1D800  }
0x190: {  	[tilespmem:s12], [sflag:$0x1] =	stream.indirect.gather [spmem:s3], $0x1, s11, s22, $0xb8;
	[tilespmem:$0x1FB80] =	vst v63  }
0x191: {  	s26 =	simm.s32 $0x19880;
	s29 =	simm.s32 $0x1C880  }
0x192: {  	[tilespmem:s29], [sflag:$0x1] =	stream.indirect.gather [spmem:s3], $0x1, s26, s22, $0xb8;
	[tilespmem:$0x1FB80] =	vst v63  }
0x193: {  	s30 =	simm.s32 $0x1B080;
	s31 =	simm.s32 $0x1D880  }
0x194: {  	[tilespmem:s31], [sflag:$0x1] =	stream.indirect.gather [spmem:s3], $0x1, s30, s22, $0xb8;
	[tilespmem:$0x1FB80] =	vst v63  }
0x195: {  	s1 =	simm.s32 $0x19900;
	s2 =	simm.s32 $0x1C900  }
0x196: {  	[tilespmem:s2], [sflag:$0x1] =	stream.indirect.gather [spmem:s3], $0x1, s1, s22, $0xb8;
	[tilespmem:$0x1FB80] =	vst v63  }
0x197: {  	s9 =	simm.s32 $0x1B100;
	s10 =	simm.s32 $0x1D900  }
0x198: {  	[tilespmem:s10], [sflag:$0x1] =	stream.indirect.gather [spmem:s3], $0x1, s9, s22, $0xb8;
	[tilespmem:$0x1FB80] =	vst v63  }
0x199: {  	s11 =	simm.s32 $0x19980;
	s12 =	simm.s32 $0x1C980  }
0x19a: {  	[tilespmem:s12], [sflag:$0x1] =	stream.indirect.gather [spmem:s3], $0x1, s11, s22, $0xb8;
	[tilespmem:$0x1FB80] =	vst v63  }
0x19b: {  	s26 =	simm.s32 $0x1B180;
	s29 =	simm.s32 $0x1D980  }
0x19c: {  	[tilespmem:s29], [sflag:$0x1] =	stream.indirect.gather [spmem:s3], $0x1, s26, s22, $0xb8;
	[tilespmem:$0x1FB80] =	vst v63  }
0x19d: {  	s30 =	simm.s32 $0x19A00;
	s31 =	simm.s32 $0x1CA00  }
0x19e: {  	[tilespmem:s31], [sflag:$0x1] =	stream.indirect.gather [spmem:s3], $0x1, s30, s22, $0xb8;
	[tilespmem:$0x1FB80] =	vst v63  }
0x19f: {  	s1 =	simm.s32 $0x1B200;
	s2 =	simm.s32 $0x1DA00  }
0x1a0: {  	[tilespmem:s2], [sflag:$0x1] =	stream.indirect.gather [spmem:s3], $0x1, s1, s22, $0xb8;
	[tilespmem:$0x1FB80] =	vst v63  }
0x1a1: {  	s9 =	simm.s32 $0x19A80;
	s10 =	simm.s32 $0x1CA80  }
0x1a2: {  	[tilespmem:s10], [sflag:$0x1] =	stream.indirect.gather [spmem:s3], $0x1, s9, s22, $0xb8;
	[tilespmem:$0x1FB80] =	vst v63  }
0x1a3: {  	s11 =	simm.s32 $0x1B280;
	s12 =	simm.s32 $0x1DA80  }
0x1a4: {  	[tilespmem:s12], [sflag:$0x1] =	stream.indirect.gather [spmem:s3], $0x1, s11, s22, $0xb8;
	[tilespmem:$0x1FB80] =	vst v63  }
.Ltmp10:
0x1a5: {  	_ = 	snop;
	(pc) =	sbr.rel .LBB2_18-.Ltmp10, $4  }
0x1a6: {  	s28 =	simm.s32 $0x0;
	s26 =	rddreg [dreg:$0x13];
	s29 =	simm.s32 $0x19B00  }
0x1a7: {  	[tilespmem:s29], [sflag:$0x2] =	stream.linear.gather [hbm4b:s26+s25], $0x800, $0x38;
	[tilespmem:$0x1FB80] =	vst v63  }
0x1a8: {  	s30 =	rddreg [dreg:$0x14];
	s31 =	simm.s32 $0x1B300;
	s26 =	simm.s32 $0x0  }
0x1a9: {  	[tilespmem:s31], [sflag:$0x2] =	stream.linear.gather [hbm4b:s30+s25], $0x800, $0x38;
	[tilespmem:$0x1FB80] =	vst v63  }
.LBB2_26:
0x1aa: {  	p0 =	sne.s32 s28, $0x30  }
.Ltmp11:
0x1ab: {  	_ = 	snop;
	(pc) =	sbr.rel @!p0 .LBB2_27-.Ltmp11, $2  }
0x1ac: {  	_ =	sdelay $0x2  }
0x1ad: {  	s26 =	sadd.s32 $0x800, s26  }
.LBB2_18:
0x1ae: {  	s30 =	smul.u32 $0xAB, s28;
	_ =	sdelay $0x1  }
0x1af: {  	s0 =	sadd.s32 $0xAB, s30  }
0x1b0: {  	s0 =	sshrl.u32 s0, $0x9  }
0x1b1: {  	s0 =	sand.u32 $0x7F, s0  }
0x1b2: {  	_ =	swait.ge [sflag:s23], $0x1000;
	s0 =	smul.u32 $0x3, s0  }
0x1b3: {  	s29 =	smov.u32 s28;
	s28 =	sadd.s32 $0x1, s28;
	[sflag:s23] =	ssyncset.done $0x0  }
0x1b4: {  	[sflag:s23] =	ssyncadd.s32 $0xFFFFF000;
	s0 =	ssub.s32 s28, s0  }
0x1b5: {  	s1 =	sshll.u32 s28, $0xB;
	_ =	swait.ge [sflag:s21], $0x1000;
	s0 =	sand.u32 $0xFF, s0  }
0x1b6: {  	s1 =	sand.u32 $0x800, s1;
	[sflag:s21] =	ssyncset.done $0x0;
	s31 =	sshll.u32 s0, $0xB  }
0x1b7: {  	s10 =	sor.u32 $0x1C300, s1;
	[sflag:s21] =	ssyncadd.s32 $0xFFFFF000;
	s2 =	sadd.s32 $0x19300, s31  }
0x1b8: {  	[tilespmem:s10], [sflag:$0x1] =	stream.indirect.gather [spmem:s3], $0x1, s2, s22, $0xb8;
	[tilespmem:$0x1FB80] =	vst v63  }
0x1b9: {  	s11 =	sor.u32 $0x1D300, s1;
	s12 =	sadd.s32 $0x1AB00, s31  }
0x1ba: {  	[tilespmem:s11], [sflag:$0x1] =	stream.indirect.gather [spmem:s3], $0x1, s12, s22, $0xb8;
	[tilespmem:$0x1FB80] =	vst v63  }
0x1bb: {  	s9 =	sor.u32 $0x1C380, s1;
	s10 =	sadd.s32 $0x19380, s31  }
0x1bc: {  	[tilespmem:s9], [sflag:$0x1] =	stream.indirect.gather [spmem:s3], $0x1, s10, s22, $0xb8;
	[tilespmem:$0x1FB80] =	vst v63  }
0x1bd: {  	s11 =	sor.u32 $0x1D380, s1;
	s12 =	sadd.s32 $0x1AB80, s31  }
0x1be: {  	[tilespmem:s11], [sflag:$0x1] =	stream.indirect.gather [spmem:s3], $0x1, s12, s22, $0xb8;
	[tilespmem:$0x1FB80] =	vst v63  }
0x1bf: {  	s9 =	sor.u32 $0x1C400, s1;
	s10 =	sadd.s32 $0x19400, s31  }
0x1c0: {  	[tilespmem:s9], [sflag:$0x1] =	stream.indirect.gather [spmem:s3], $0x1, s10, s22, $0xb8;
	[tilespmem:$0x1FB80] =	vst v63  }
0x1c1: {  	s11 =	sor.u32 $0x1D400, s1;
	s12 =	sadd.s32 $0x1AC00, s31  }
0x1c2: {  	[tilespmem:s11], [sflag:$0x1] =	stream.indirect.gather [spmem:s3], $0x1, s12, s22, $0xb8;
	[tilespmem:$0x1FB80] =	vst v63  }
0x1c3: {  	s9 =	sor.u32 $0x1C480, s1;
	s10 =	sadd.s32 $0x19480, s31  }
0x1c4: {  	[tilespmem:s9], [sflag:$0x1] =	stream.indirect.gather [spmem:s3], $0x1, s10, s22, $0xb8;
	[tilespmem:$0x1FB80] =	vst v63  }
0x1c5: {  	s11 =	sor.u32 $0x1D480, s1;
	s12 =	sadd.s32 $0x1AC80, s31  }
0x1c6: {  	[tilespmem:s11], [sflag:$0x1] =	stream.indirect.gather [spmem:s3], $0x1, s12, s22, $0xb8;
	[tilespmem:$0x1FB80] =	vst v63  }
0x1c7: {  	s9 =	sor.u32 $0x1C500, s1;
	s10 =	sadd.s32 $0x19500, s31  }
0x1c8: {  	[tilespmem:s9], [sflag:$0x1] =	stream.indirect.gather [spmem:s3], $0x1, s10, s22, $0xb8;
	[tilespmem:$0x1FB80] =	vst v63  }
0x1c9: {  	s11 =	sor.u32 $0x1D500, s1;
	s12 =	sadd.s32 $0x1AD00, s31  }
0x1ca: {  	[tilespmem:s11], [sflag:$0x1] =	stream.indirect.gather [spmem:s3], $0x1, s12, s22, $0xb8;
	[tilespmem:$0x1FB80] =	vst v63  }
0x1cb: {  	s9 =	sor.u32 $0x1C580, s1;
	s10 =	sadd.s32 $0x19580, s31  }
0x1cc: {  	[tilespmem:s9], [sflag:$0x1] =	stream.indirect.gather [spmem:s3], $0x1, s10, s22, $0xb8;
	[tilespmem:$0x1FB80] =	vst v63  }
0x1cd: {  	s11 =	sor.u32 $0x1D580, s1;
	s12 =	sadd.s32 $0x1AD80, s31  }
0x1ce: {  	[tilespmem:s11], [sflag:$0x1] =	stream.indirect.gather [spmem:s3], $0x1, s12, s22, $0xb8;
	[tilespmem:$0x1FB80] =	vst v63  }
0x1cf: {  	s9 =	sor.u32 $0x1C600, s1;
	s10 =	sadd.s32 $0x19600, s31  }
0x1d0: {  	[tilespmem:s9], [sflag:$0x1] =	stream.indirect.gather [spmem:s3], $0x1, s10, s22, $0xb8;
	[tilespmem:$0x1FB80] =	vst v63  }
0x1d1: {  	s11 =	sor.u32 $0x1D600, s1;
	s12 =	sadd.s32 $0x1AE00, s31  }
0x1d2: {  	[tilespmem:s11], [sflag:$0x1] =	stream.indirect.gather [spmem:s3], $0x1, s12, s22, $0xb8;
	[tilespmem:$0x1FB80] =	vst v63  }
0x1d3: {  	s9 =	sor.u32 $0x1C680, s1;
	s10 =	sadd.s32 $0x19680, s31  }
0x1d4: {  	[tilespmem:s9], [sflag:$0x1] =	stream.indirect.gather [spmem:s3], $0x1, s10, s22, $0xb8;
	[tilespmem:$0x1FB80] =	vst v63  }
0x1d5: {  	s11 =	sor.u32 $0x1D680, s1;
	s12 =	sadd.s32 $0x1AE80, s31  }
0x1d6: {  	[tilespmem:s11], [sflag:$0x1] =	stream.indirect.gather [spmem:s3], $0x1, s12, s22, $0xb8;
	[tilespmem:$0x1FB80] =	vst v63  }
0x1d7: {  	s9 =	sor.u32 $0x1C700, s1;
	s10 =	sadd.s32 $0x19700, s31  }
0x1d8: {  	[tilespmem:s9], [sflag:$0x1] =	stream.indirect.gather [spmem:s3], $0x1, s10, s22, $0xb8;
	[tilespmem:$0x1FB80] =	vst v63  }
0x1d9: {  	s11 =	sor.u32 $0x1D700, s1;
	s12 =	sadd.s32 $0x1AF00, s31  }
0x1da: {  	[tilespmem:s11], [sflag:$0x1] =	stream.indirect.gather [spmem:s3], $0x1, s12, s22, $0xb8;
	[tilespmem:$0x1FB80] =	vst v63  }
0x1db: {  	s9 =	sor.u32 $0x1C780, s1;
	s10 =	sadd.s32 $0x19780, s31  }
0x1dc: {  	[tilespmem:s9], [sflag:$0x1] =	stream.indirect.gather [spmem:s3], $0x1, s10, s22, $0xb8;
	[tilespmem:$0x1FB80] =	vst v63  }
0x1dd: {  	s11 =	sor.u32 $0x1D780, s1;
	s12 =	sadd.s32 $0x1AF80, s31  }
0x1de: {  	[tilespmem:s11], [sflag:$0x1] =	stream.indirect.gather [spmem:s3], $0x1, s12, s22, $0xb8;
	[tilespmem:$0x1FB80] =	vst v63  }
0x1df: {  	s9 =	sadd.s32 $0x1C800, s1;
	s10 =	sadd.s32 $0x19800, s31  }
0x1e0: {  	[tilespmem:s9], [sflag:$0x1] =	stream.indirect.gather [spmem:s3], $0x1, s10, s22, $0xb8;
	[tilespmem:$0x1FB80] =	vst v63  }
0x1e1: {  	s11 =	sadd.s32 $0x1D800, s1;
	s12 =	sadd.s32 $0x1B000, s31  }
0x1e2: {  	[tilespmem:s11], [sflag:$0x1] =	stream.indirect.gather [spmem:s3], $0x1, s12, s22, $0xb8;
	[tilespmem:$0x1FB80] =	vst v63  }
0x1e3: {  	s9 =	sadd.s32 $0x1C880, s1;
	s10 =	sadd.s32 $0x19880, s31  }
0x1e4: {  	[tilespmem:s9], [sflag:$0x1] =	stream.indirect.gather [spmem:s3], $0x1, s10, s22, $0xb8;
	[tilespmem:$0x1FB80] =	vst v63  }
0x1e5: {  	s11 =	sadd.s32 $0x1D880, s1;
	s12 =	sadd.s32 $0x1B080, s31  }
0x1e6: {  	[tilespmem:s11], [sflag:$0x1] =	stream.indirect.gather [spmem:s3], $0x1, s12, s22, $0xb8;
	[tilespmem:$0x1FB80] =	vst v63  }
0x1e7: {  	s9 =	sadd.s32 $0x1C900, s1;
	s10 =	sadd.s32 $0x19900, s31  }
0x1e8: {  	[tilespmem:s9], [sflag:$0x1] =	stream.indirect.gather [spmem:s3], $0x1, s10, s22, $0xb8;
	[tilespmem:$0x1FB80] =	vst v63  }
0x1e9: {  	s11 =	sadd.s32 $0x1D900, s1;
	s12 =	sadd.s32 $0x1B100, s31  }
0x1ea: {  	[tilespmem:s11], [sflag:$0x1] =	stream.indirect.gather [spmem:s3], $0x1, s12, s22, $0xb8;
	[tilespmem:$0x1FB80] =	vst v63  }
0x1eb: {  	s9 =	sadd.s32 $0x1C980, s1;
	s10 =	sadd.s32 $0x19980, s31  }
0x1ec: {  	[tilespmem:s9], [sflag:$0x1] =	stream.indirect.gather [spmem:s3], $0x1, s10, s22, $0xb8;
	[tilespmem:$0x1FB80] =	vst v63  }
0x1ed: {  	s11 =	sadd.s32 $0x1D980, s1;
	s12 =	sadd.s32 $0x1B180, s31  }
0x1ee: {  	[tilespmem:s11], [sflag:$0x1] =	stream.indirect.gather [spmem:s3], $0x1, s12, s22, $0xb8;
	[tilespmem:$0x1FB80] =	vst v63  }
0x1ef: {  	s9 =	sadd.s32 $0x1CA00, s1;
	s10 =	sadd.s32 $0x19A00, s31  }
0x1f0: {  	[tilespmem:s9], [sflag:$0x1] =	stream.indirect.gather [spmem:s3], $0x1, s10, s22, $0xb8;
	[tilespmem:$0x1FB80] =	vst v63  }
0x1f1: {  	s11 =	sadd.s32 $0x1DA00, s1;
	s12 =	sadd.s32 $0x1B200, s31  }
0x1f2: {  	[tilespmem:s11], [sflag:$0x1] =	stream.indirect.gather [spmem:s3], $0x1, s12, s22, $0xb8;
	[tilespmem:$0x1FB80] =	vst v63  }
0x1f3: {  	s12 =	sadd.s32 $0x156, s30  }
0x1f4: {  	s2 =	sadd.s32 $0x1CA80, s1;
	s9 =	sadd.s32 $0x19A80, s31;
	s0 =	sshrl.u32 s12, $0x9  }
0x1f5: {  	[tilespmem:s2], [sflag:$0x1] =	stream.indirect.gather [spmem:s3], $0x1, s9, s22, $0xb8;
	[tilespmem:$0x1FB80] =	vst v63  }
0x1f6: {  	s10 =	sadd.s32 $0x1DA80, s1;
	s0 =	sand.u32 $0x7F, s0  }
0x1f7: {  	s11 =	sadd.s32 $0x1B280, s31;
	s31 =	sadd.s32 $0x2, s29;
	s0 =	smul.u32 $0x3, s0  }
0x1f8: {  	[tilespmem:s10], [sflag:$0x1] =	stream.indirect.gather [spmem:s3], $0x1, s11, s22, $0xb8;
	[tilespmem:$0x1FB80] =	vst v63  }
0x1f9: {  	p0 =	seq.s32 s29, $0x2F;
	s9 =	sshll.u32 s31, $0xB;
	s10 =	sshrl.u32 s30, $0x9  }
0x1fa: {  	s9 =	simm.s32 @p0 $0x0;
	s2 =	sand.u32 $0x7F, s10;
	s0 =	ssub.s32 s31, s0  }
0x1fb: {  	s12 =	sadd.s32 s5, s9;
	s11 =	smul.u32 $0x3, s2;
	s0 =	sand.u32 $0xFF, s0  }
0x1fc: {  	s2 =	sshrl.u32 s12, $0x3;
	s0 =	sshll.u32 s0, $0xB  }
0x1fd: {  	s10 =	sadd.s32 s6, s2;
	s1 =	ssub.s32 s29, s11;
	s30 =	sadd.s32 $0x19300, s0  }
0x1fe: {  	[tilespmem:s30], [sflag:$0x2] =	stream.linear.gather [hbm4b:s10+s25], $0x800, $0x38;
	[tilespmem:$0x1FB80] =	vst v63  }
0x1ff: {  	s1 =	sand.u32 $0xFF, s1  }
0x200: {  	s2 =	sadd.s32 s7, s2;
	s0 =	sadd.s32 $0x1AB00, s0;
	s31 =	sshll.u32 s1, $0xB  }
0x201: {  	[tilespmem:s0], [sflag:$0x2] =	stream.linear.gather [hbm4b:s2+s25], $0x800, $0x38;
	[tilespmem:$0x1FB80] =	vst v63  }
0x202: {  	s29 =	sadd.s32 $0x19300, s31;
	s0 =	simm.s32 $0x0  }
.LBB2_19:
0x203: {  	s1 =	sand.u32 $0x780, s0  }
0x204: {  	s2 =	sand.u32 $0x40, s0;
	s9 =	sadd.s32 s1, s29  }
0x205: {  	s1 =	sadd.s32 s2, s9  }
0x206: {  	v6 =	vld [tilespmem:s1+$0x0];
	_ =	sdelay $0x4  }
0x207: {  	s1 =	sor.u32 $0x10, s2;
	(xrf1) =	vunique.msk.u32 $0xffff, v6  }
0x208: {  	s10 =	sadd.s32 s1, s9  }
0x209: {  	v7 =	vld [tilespmem:s10+$0x0];
	_ =	sdelay $0x4  }
0x20a: {  	s11 =	sor.u32 $0x20, s2;
	(xrf1) =	vunique.msk.u32 $0xffff, v7  }
0x20b: {  	s30 =	sadd.s32 s0, s26;
	s31 =	sadd.s32 s11, s9  }
0x20c: {  	s30 =	sand.u32 $0xF80, s30;
	v8 =	vld [tilespmem:s31+$0x0]  }
0x20d: {  	s12 =	sor.u32 s2, s30  }
0x20e: {  	v9 =	vld [tilespmem:s12+$0x1C300]  }
0x20f: {  	v10 =	vld [tilespmem:s12+$0x1D300];
	s1 =	sor.u32 s1, s30  }
0x210: {  	v11 =	vld [tilespmem:s1+$0x1C300]  }
0x211: {  	s2 =	sor.u32 $0x30, s2;
	v13 =	vld [tilespmem:s1+$0x1D300];
	s1 =	simm.s32 $0x0;
	_, v12, _ =	vpop (xrf1);
	(xrf1) =	vunique.msk.u32 $0xffff, v8  }
0x212: {  	s9 =	sadd.s32 s2, s9;
	v59 =	vld.idx.msk [tilespmem:v6+s1+$0x0], $0xffff;
	vm1 =	veq.s32 v12, $0x0  }
0x213: {  	v14 =	vld [tilespmem:s9+$0x0]  }
0x214: {  	s2 =	sor.u32 s2, s30;
	v9 =	vsub.f32 v9, v10  }
0x215: {  	v16 =	vld [tilespmem:s2+$0x1C300]  }
0x216: {  	s10 =	sor.u32 s11, s30;
	v61 =	vld [tilespmem:s2+$0x1D300];
	v9 =	vand.u32 $0x7FFFFFFF, v9  }
0x217: {  	v60 =	vld [tilespmem:s10+$0x1C300];
	v9 =	vmax.f32 v59, v9  }
0x218: {  	v15 =	vld [tilespmem:s10+$0x1D300];
	[tilespmem:v6+s1+$0x0] =	vst.idx.msk vm1, v9;
	_, v6, _ =	vpop (xrf1);
	(xrf1) =	vunique.msk.u32 $0xffff, v14  }
0x219: {  	vm1 =	veq.s32 v6, $0x0;
	v6 =	vld.idx.msk [tilespmem:v7+s1+$0x0], $0xffff;
	_ =	sdelay $0x1  }
0x21a: {  	v62 =	vsub.f32 v11, v13;
	_ =	sdelay $0x1  }
0x21b: {  	v9 =	vand.u32 $0x7FFFFFFF, v62  }
0x21c: {  	v6 =	vmax.f32 v6, v9  }
0x21d: {  	_, v63, _ =	vpop (xrf1);
	[tilespmem:v7+s1+$0x0] =	vst.idx.msk vm1, v6  }
0x21e: {  	v7 =	vsub.f32 v60, v15;
	vm1 =	veq.s32 v63, $0x0;
	v6 =	vld.idx.msk [tilespmem:v8+s1+$0x0], $0xffff;
	_ =	sdelay $0x1  }
0x21f: {  	v7 =	vand.u32 $0x7FFFFFFF, v7;
	_ =	sdelay $0x2  }
0x220: {  	v6 =	vmax.f32 v6, v7  }
0x221: {  	_, v7, _ =	vpop (xrf1);
	[tilespmem:v8+s1+$0x0] =	vst.idx.msk vm1, v6  }
0x222: {  	vm1 =	veq.s32 v7, $0x0;
	v6 =	vld.idx.msk [tilespmem:v14+s1+$0x0], $0xffff  }
0x223: {  	p0 =	sne.s32 s0, $0x7C0  }
.Ltmp12:
0x224: {  	v7 =	vsub.f32 v16, v61;
	(pc) =	sbr.rel @p0 .LBB2_19-.Ltmp12, $4  }
0x225: {  	_ = 	snop  }
0x226: {  	v7 =	vand.u32 $0x7FFFFFFF, v7  }
0x227: {  	v6 =	vmax.f32 v6, v7  }
0x228: {  	s0 =	sadd.s32 $0x40, s0;
	[tilespmem:v14+s1+$0x0] =	vst.idx.msk vm1, v6  }
0x229: {  	s0 =	sand.u32 $0x40, s1;
	s2 =	sadd.s32 $0x0, s26  }
0x22a: {  	s2 =	sand.u32 $0xF80, s2;
	s9 =	sor.u32 $0x30, s0  }
0x22b: {  	s10 =	sor.u32 s9, s2  }
0x22c: {  	s30 =	sor.u32 $0x20, s0;
	v6 =	vld [tilespmem:s10+$0x1C300]  }
0x22d: {  	s11 =	sand.u32 $0x780, s1;
	s31 =	sor.u32 s30, s2;
	v7 =	vld [tilespmem:s10+$0x1D300]  }
0x22e: {  	s1 =	sadd.s32 s11, s29;
	v16 =	vld [tilespmem:s31+$0x1C300]  }
0x22f: {  	s11 =	sor.u32 $0x10, s0;
	s12 =	sadd.s32 s0, s1;
	v18 =	vld [tilespmem:s31+$0x1D300]  }
0x230: {  	v8 =	vld [tilespmem:s12+$0x0];
	s12 =	sadd.s32 s11, s1  }
0x231: {  	s0 =	sor.u32 s0, s2;
	v9 =	vld [tilespmem:s12+$0x0]  }
0x232: {  	v17 =	vld [tilespmem:s0+$0x1C300];
	s12 =	sadd.s32 s30, s1  }
0x233: {  	s1 =	sadd.s32 s9, s1;
	v10 =	vld [tilespmem:s12+$0x0]  }
0x234: {  	v11 =	vld [tilespmem:s1+$0x0]  }
0x235: {  	v19 =	vld [tilespmem:s0+$0x1D300];
	s12 =	sor.u32 s11, s2  }
0x236: {  	s10 =	simm.s32 $0x40;
	v15 =	vld [tilespmem:s12+$0x1C300]  }
0x237: {  	s1 =	sand.u32 $0x40, s10;
	s11 =	sadd.s32 $0x40, s26;
	v20 =	vld [tilespmem:s12+$0x1D300]  }
0x238: {  	s30 =	sand.u32 $0xF80, s11;
	s0 =	sor.u32 $0x30, s1;
	v14 =	vld.idx.msk [tilespmem:v8+s4+$0x0], $0xffff  }
0x239: {  	s12 =	sor.u32 s0, s30;
	v13 =	vld.idx.msk [tilespmem:v9+s4+$0x0], $0xffff  }
0x23a: {  	v9 =	vld [tilespmem:s12+$0x1C300]  }
0x23b: {  	v17 =	vsub.f32 v17, v19;
	v12 =	vld.idx.msk [tilespmem:v10+s4+$0x0], $0xffff  }
0x23c: {  	s2 =	sor.u32 $0x20, s1;
	v15 =	vsub.f32 v15, v20;
	v10 =	vld.idx.msk [tilespmem:v11+s4+$0x0], $0xffff  }
0x23d: {  	s31 =	simm.s32 $0x80;
	s10 =	sand.u32 $0x780, s10;
	s9 =	sor.u32 s2, s30;
	v16 =	vsub.f32 v16, v18;
	v17 =	vand.u32 $0x7FFFFFFF, v17;
	v8 =	vimm.f32 $0.0e+00;
	v11 =	vld [tilespmem:s12+$0x1D300]  }
.LBB2_21:
0x23e: {  	p0 =	sne.s32 s31, $0x7C0;
	s10 =	sadd.s32 s10, s29;
	v18 =	vld [tilespmem:s9+$0x1C300];
	v14 =	vsub.f32 v14, v17;
	v15 =	vand.u32 $0x7FFFFFFF, v15;
	v17 =	vsub.f32 v6, v7  }
0x23f: {  	s12 =	sor.u32 $0x10, s1;
	s11 =	sadd.s32 s1, s10;
	v19 =	vld [tilespmem:s9+$0x1D300];
	v20 =	vsub.f32 v13, v15;
	v13 =	vand.u32 $0x7FFFFFFF, v16  }
0x240: {  	s9 =	sadd.s32 s12, s10;
	v15 =	vld [tilespmem:s11+$0x0];
	v8 =	vmin.f32 v8, v14;
	v12 =	vsub.f32 v12, v13;
	v14 =	vand.u32 $0x7FFFFFFF, v17  }
0x241: {  	s2 =	sadd.s32 s2, s10;
	v13 =	vld [tilespmem:s9+$0x0];
	v16 =	vmin.f32 v8, v20;
	v8 =	vsub.f32 v10, v14;
	v6 =	vmov v9  }
0x242: {  	s0 =	sadd.s32 s0, s10;
	v9 =	vld [tilespmem:s2+$0x0];
	v10 =	vmin.f32 v16, v12;
	v7 =	vmov v11  }
0x243: {  	s2 =	sor.u32 s12, s30;
	v11 =	vld [tilespmem:s0+$0x0];
	v8 =	vmin.f32 v10, v8  }
0x244: {  	s0 =	sor.u32 s1, s30;
	v16 =	vld [tilespmem:s2+$0x1C300]  }
0x245: {  	v10 =	vld [tilespmem:s0+$0x1C300]  }
0x246: {  	v17 =	vld [tilespmem:s0+$0x1D300]  }
0x247: {  	v20 =	vld [tilespmem:s2+$0x1D300]  }
0x248: {  	v14 =	vld.idx.msk [tilespmem:v15+s4+$0x0], $0xffff  }
.Ltmp13:
0x249: {  	s1 =	sand.u32 $0x40, s31;
	s0 =	sadd.s32 s31, s26;
	v13 =	vld.idx.msk [tilespmem:v13+s4+$0x0], $0xffff;
	(pc) =	sbr.rel @p0 .LBB2_21-.Ltmp13, $4  }
0x24a: {  	s30 =	sand.u32 $0xF80, s0;
	s0 =	sor.u32 $0x30, s1;
	v12 =	vld.idx.msk [tilespmem:v9+s4+$0x0], $0xffff  }
0x24b: {  	s11 =	sor.u32 s0, s30;
	v17 =	vsub.f32 v10, v17;
	v10 =	vld.idx.msk [tilespmem:v11+s4+$0x0], $0xffff  }
0x24c: {  	s2 =	sor.u32 $0x20, s1;
	v9 =	vld [tilespmem:s11+$0x1C300];
	v15 =	vsub.f32 v16, v20  }
0x24d: {  	s10 =	sand.u32 $0x780, s31;
	s31 =	sadd.s32 $0x40, s31;
	s9 =	sor.u32 s2, s30;
	v16 =	vsub.f32 v18, v19;
	v11 =	vld [tilespmem:s11+$0x1D300];
	v17 =	vand.u32 $0x7FFFFFFF, v17  }
0x24e: {  	s10 =	sadd.s32 s10, s29  }
0x24f: {  	v18 =	vld [tilespmem:s9+$0x1C300];
	s12 =	sor.u32 $0x10, s1;
	s11 =	sadd.s32 s1, s10  }
0x250: {  	s31 =	sadd.s32 s12, s10;
	v19 =	vld [tilespmem:s11+$0x0]  }
0x251: {  	s2 =	sadd.s32 s2, s10;
	v20 =	vld [tilespmem:s31+$0x0]  }
0x252: {  	s0 =	sadd.s32 s0, s10;
	v21 =	vld [tilespmem:s2+$0x0]  }
0x253: {  	s12 =	sor.u32 s12, s30;
	v22 =	vld [tilespmem:s0+$0x0]  }
0x254: {  	s30 =	sor.u32 s1, s30;
	v23 =	vld [tilespmem:s12+$0x1C300]  }
0x255: {  	v24 =	vld [tilespmem:s30+$0x1C300]  }
0x256: {  	v25 =	vld [tilespmem:s30+$0x1D300]  }
0x257: {  	v26 =	vld [tilespmem:s12+$0x1D300]  }
0x258: {  	v14 =	vsub.f32 v14, v17;
	v53 =	vld [tilespmem:s9+$0x1D300]  }
0x259: {  	v6 =	vsub.f32 v6, v7;
	v7 =	vand.u32 $0x7FFFFFFF, v15;
	v54 =	vld.idx.msk [tilespmem:v19+s4+$0x0], $0xffff  }
0x25a: {  	v7 =	vsub.f32 v13, v7;
	v55 =	vand.u32 $0x7FFFFFFF, v16;
	v8 =	vmin.f32 v8, v14;
	v56 =	vld.idx.msk [tilespmem:v20+s4+$0x0], $0xffff  }
0x25b: {  	v12 =	vsub.f32 v12, v55;
	v6 =	vand.u32 $0x7FFFFFFF, v6;
	v57 =	vsub.f32 v24, v25;
	v58 =	vld.idx.msk [tilespmem:v21+s4+$0x0], $0xffff  }
0x25c: {  	v7 =	vmin.f32 v8, v7;
	v6 =	vsub.f32 v10, v6;
	v59 =	vsub.f32 v23, v26;
	v60 =	vld.idx.msk [tilespmem:v22+s4+$0x0], $0xffff  }
0x25d: {  	v7 =	vmin.f32 v7, v12;
	v62 =	vsub.f32 v18, v53;
	v61 =	vand.u32 $0x7FFFFFFF, v57  }
0x25e: {  	v9 =	vsub.f32 v9, v11;
	v8 =	vand.u32 $0x7FFFFFFF, v59;
	v12 =	vsub.f32 v54, v61  }
0x25f: {  	v6 =	vmin.f32 v7, v6;
	v63 =	vand.u32 $0x7FFFFFFF, v62;
	v7 =	vsub.f32 v56, v8  }
0x260: {  	v9 =	vand.u32 $0x7FFFFFFF, v9;
	v8 =	vsub.f32 v58, v63;
	v6 =	vmin.f32 v6, v12  }
0x261: {  	v6 =	vmin.f32 v6, v7;
	v7 =	vsub.f32 v60, v9  }
0x262: {  	v6 =	vmin.f32 v6, v8  }
0x263: {  	v6 =	vmin.f32 v6, v7  }
0x264: {  	vm1 =	vlt.f32 v6, $0.0e+00  }
0x265: {  	v6 =	vsel vm1, $0x3F800000, v4  }
0x266: {  	(xrf0) =	vmax.scan.msk.f32 $0xffff, v6;
	_ =	sdelay $0x5  }
0x267: {  	v6, _, _ =	vpop (xrf0)  }
0x268: {  	(v2sf) =	vpush v6, $0xF;
	_ =	sdelay $0xe  }
0x269: {  	s31 =	spop (v2sf)  }
0x26a: {  	p0 =	sgt.f32 s31, $0.0e+00  }
.Ltmp14:
0x26b: {  	_ = 	snop;
	(pc) =	sbr.rel @!p0 .LBB2_26-.Ltmp14, $2  }
0x26c: {  	_ =	sdelay $0x2  }
0x26d: {  	s0 =	simm.s32 $0x0  }
0x26e: {  	s1 =	sadd.s32 $0x0, s26  }
0x26f: {  	s2 =	sand.u32 $0x70, s0;
	s1 =	sand.u32 $0xF80, s1  }
0x270: {  	s1 =	sor.u32 s2, s1  }
0x271: {  	s12 =	sand.u32 $0x780, s0;
	v6 =	vld [tilespmem:s1+$0x1D300]  }
0x272: {  	s0 =	sadd.s32 s12, s29;
	v7 =	vld [tilespmem:s1+$0x1C300]  }
0x273: {  	s0 =	sadd.s32 s2, s0  }
0x274: {  	v8 =	vld [tilespmem:s0+$0x0];
	_ =	sdelay $0x2  }
0x275: {  	v6 =	vsub.f32 v7, v6;
	_ =	sdelay $0x1  }
0x276: {  	v7 =	vxor.u32 $0x80000000, v8;
	v6 =	vand.u32 $0x7FFFFFFF, v6  }
0x277: {  	(xrf1) =	vsort.ascd.msk.u32 $0xffff, v7, v6;
	_ =	sdelay $0xd  }
0x278: {  	v6, v7, _ =	vpop (xrf1)  }
0x279: {  	v6 =	vxor.u32 $0x80000000, v6  }
0x27a: {  	v9 =	vperm.xlane v7, v0;
	v8 =	vperm.xlane v6, v0;
	_ =	sdelay $0x1  }
0x27b: {  	vm1 =	veq.s32 v8, v6;
	v8 =	vmax.f32 v7, v9  }
0x27c: {  	v7 =	vsel vm1, v8, v7  }
0x27d: {  	v8 =	vperm.xlane v6, v1;
	v61 =	vperm.xlane v7, v1;
	_ =	sdelay $0x1  }
0x27e: {  	vm1 =	veq.s32 v8, v6;
	v8 =	vmax.f32 v7, v61  }
0x27f: {  	v7 =	vsel vm1, v8, v7  }
0x280: {  	v8 =	vperm.xlane v6, v3;
	v62 =	vperm.xlane v7, v3;
	_ =	sdelay $0x1  }
0x281: {  	vm1 =	veq.s32 v8, v6;
	v8 =	vmax.f32 v7, v62  }
0x282: {  	v11 =	vperm.xlane v6, v5;
	v7 =	vsel vm1, v8, v7  }
0x283: {  	v8 =	vperm.xlane v6, v2;
	v10 =	vperm.xlane v7, v2;
	_ =	sdelay $0x1  }
0x284: {  	vm2 =	vne.s32 v6, v11;
	vm1 =	veq.s32 v8, v6;
	v8 =	vmax.f32 v7, v10  }
0x285: {  	v63 =	vld.idx.msk [tilespmem:v6+s4+$0x0], $0xffff;
	v7 =	vsel vm1, v8, v7;
	vm1 =	vmor vm2, vm0;
	_ =	sdelay $0x3  }
0x286: {  	s30 =	simm.s32 $0x10;
	s31 =	sadd.s32 $0x10, s26  }
0x287: {  	s2 =	sand.u32 $0xF80, s31;
	s0 =	sand.u32 $0x70, s30;
	s1 =	simm.s32 $0x20;
	v7 =	vmax.f32 v63, v7  }
.LBB2_24:
0x288: {  	p0 =	sne.s32 s1, $0x7F0;
	s2 =	sor.u32 s0, s2;
	[tilespmem:v6+s4+$0x0] =	vst.idx.msk vm1, v7  }
0x289: {  	s9 =	sand.u32 $0x780, s30;
	s30 =	smov.u32 s1;
	v6 =	vld [tilespmem:s2+$0x1D300]  }
0x28a: {  	s9 =	sadd.s32 s9, s29;
	v7 =	vld [tilespmem:s2+$0x1C300]  }
0x28b: {  	s0 =	sadd.s32 s0, s9  }
0x28c: {  	v8 =	vld [tilespmem:s0+$0x0];
	_ =	sdelay $0x2  }
0x28d: {  	v6 =	vsub.f32 v7, v6;
	_ =	sdelay $0x1  }
0x28e: {  	v6 =	vand.u32 $0x7FFFFFFF, v6;
	v7 =	vxor.u32 $0x80000000, v8  }
0x28f: {  	(xrf1) =	vsort.ascd.msk.u32 $0xffff, v7, v6;
	_ =	sdelay $0xd  }
0x290: {  	v6, v7, _ =	vpop (xrf1)  }
0x291: {  	v6 =	vxor.u32 $0x80000000, v6  }
0x292: {  	v9 =	vperm.xlane v7, v0;
	v8 =	vperm.xlane v6, v0;
	_ =	sdelay $0x1  }
0x293: {  	vm1 =	veq.s32 v8, v6;
	v8 =	vmax.f32 v7, v9  }
0x294: {  	v7 =	vsel vm1, v8, v7  }
0x295: {  	v8 =	vperm.xlane v6, v1;
	v9 =	vperm.xlane v7, v1;
	_ =	sdelay $0x1  }
0x296: {  	vm1 =	veq.s32 v8, v6;
	v8 =	vmax.f32 v7, v9  }
0x297: {  	v7 =	vsel vm1, v8, v7;
	v8 =	vperm.xlane v6, v3  }
0x298: {  	v10 =	vperm.xlane v6, v5;
	v9 =	vperm.xlane v7, v3;
	_ =	sdelay $0x1  }
0x299: {  	vm2 =	vne.s32 v6, v10;
	vm1 =	veq.s32 v8, v6;
	v8 =	vmax.f32 v7, v9;
	v9 =	vld.idx.msk [tilespmem:v6+s4+$0x0], $0xffff  }
0x29a: {  	v7 =	vsel vm1, v8, v7;
	vm1 =	vmor vm2, vm0  }
.Ltmp15:
0x29b: {  	v8 =	vperm.xlane v6, v2;
	v10 =	vperm.xlane v7, v2;
	(pc) =	sbr.rel @p0 .LBB2_24-.Ltmp15, $4  }
0x29c: {  	_ = 	snop  }
0x29d: {  	vm2 =	veq.s32 v8, v6;
	v8 =	vmax.f32 v7, v10  }
0x29e: {  	s2 =	sadd.s32 s1, s26;
	v7 =	vsel vm2, v8, v7  }
0x29f: {  	s1 =	sadd.s32 $0x10, s1;
	s2 =	sand.u32 $0xF80, s2;
	s0 =	sand.u32 $0x70, s30;
	v7 =	vmax.f32 v9, v7  }
0x2a0: {  	_ =	sdelay $0x4  }
0x2a1: {  	s1 =	sor.u32 s0, s2;
	[tilespmem:v6+s4+$0x0] =	vst.idx.msk vm1, v7  }
0x2a2: {  	s30 =	sand.u32 $0x780, s30;
	v6 =	vld [tilespmem:s1+$0x1D300]  }
0x2a3: {  	s2 =	sadd.s32 s30, s29;
	v7 =	vld [tilespmem:s1+$0x1C300]  }
0x2a4: {  	s31 =	sadd.s32 s0, s2  }
0x2a5: {  	v8 =	vld [tilespmem:s31+$0x0];
	_ =	sdelay $0x2  }
0x2a6: {  	v6 =	vsub.f32 v7, v6;
	_ =	sdelay $0x1  }
0x2a7: {  	v6 =	vand.u32 $0x7FFFFFFF, v6;
	v7 =	vxor.u32 $0x80000000, v8  }
0x2a8: {  	(xrf1) =	vsort.ascd.msk.u32 $0xffff, v7, v6;
	_ =	sdelay $0xd  }
0x2a9: {  	v6, v7, _ =	vpop (xrf1)  }
0x2aa: {  	v6 =	vxor.u32 $0x80000000, v6  }
0x2ab: {  	v9 =	vperm.xlane v7, v0;
	v52 =	vperm.xlane v6, v0;
	_ =	sdelay $0x1  }
0x2ac: {  	v53 =	vmax.f32 v7, v9;
	vm1 =	veq.s32 v52, v6  }
0x2ad: {  	v7 =	vsel vm1, v53, v7  }
0x2ae: {  	v54 =	vperm.xlane v6, v1;
	v55 =	vperm.xlane v7, v1;
	_ =	sdelay $0x1  }
0x2af: {  	vm1 =	veq.s32 v54, v6;
	v56 =	vmax.f32 v7, v55  }
0x2b0: {  	v57 =	vperm.xlane v6, v3;
	v7 =	vsel vm1, v56, v7  }
0x2b1: {  	v10 =	vperm.xlane v6, v5;
	v58 =	vperm.xlane v7, v3;
	_ =	sdelay $0x1  }
0x2b2: {  	vm2 =	vne.s32 v6, v10;
	vm1 =	veq.s32 v57, v6;
	v59 =	vmax.f32 v7, v58  }
0x2b3: {  	v60 =	vld.idx.msk [tilespmem:v6+s4+$0x0], $0xffff;
	v7 =	vsel vm1, v59, v7;
	vm1 =	vmor vm2, vm0  }
0x2b4: {  	v61 =	vperm.xlane v6, v2;
	v62 =	vperm.xlane v7, v2  }
.Ltmp16:
0x2b5: {  	_ = 	snop;
	(pc) =	sbr.rel .LBB2_26-.Ltmp16, $4  }
0x2b6: {  	vm2 =	veq.s32 v61, v6;
	v63 =	vmax.f32 v7, v62  }
0x2b7: {  	v7 =	vsel vm2, v63, v7  }
0x2b8: {  	v7 =	vmax.f32 v60, v7  }
0x2b9: {  	[tilespmem:v6+s4+$0x0] =	vst.idx.msk vm1, v7  }
.LBB2_27:
0x2ba: {  	_ =	swait.ge [sflag:s23], $0x1000  }
0x2bb: {  	[sflag:s23] =	ssyncset.done $0x0  }
0x2bc: {  	[sflag:s23] =	ssyncadd.s32 $0xFFFFF000  }
0x2bd: {  	_ =	swait.ge [sflag:s21], $0x1000  }
0x2be: {  	[sflag:s21] =	ssyncset.done $0x0  }
0x2bf: {  	s0 =	simm.s32 $0x0;
	s1 =	simm.s32 $0x0;
	[sflag:s21] =	ssyncadd.s32 $0xFFFFF000  }
.LBB2_28:
0x2c0: {  	s2 =	sshra.s32 s1, $0x2  }
0x2c1: {  	v6 =	vld [tilespmem:s2+$0x19300];
	_ =	sdelay $0x4  }
0x2c2: {  	(xrf1) =	vunique.msk.u32 $0xffff, v6;
	_ =	sdelay $0x1  }
0x2c3: {  	v7 =	vld [tilespmem:s2+$0x19310];
	_ =	sdelay $0x4  }
0x2c4: {  	(xrf1) =	vunique.msk.u32 $0xffff, v7;
	_ =	sdelay $0x1  }
0x2c5: {  	v8 =	vld [tilespmem:s2+$0x19320];
	_ =	sdelay $0x1  }
0x2c6: {  	v9 =	vld [tilespmem:s2+$0x1C300]  }
0x2c7: {  	v10 =	vld [tilespmem:s2+$0x1D300];
	_ =	sdelay $0x1  }
0x2c8: {  	v11 =	vld [tilespmem:s2+$0x1C310];
	_, v12, _ =	vpop (xrf1);
	(xrf1) =	vunique.msk.u32 $0xffff, v8  }
0x2c9: {  	v59 =	vld.idx.msk [tilespmem:v6+s0+$0x0], $0xffff;
	vm1 =	veq.s32 v12, $0x0  }
0x2ca: {  	v14 =	vld [tilespmem:s2+$0x19330]  }
0x2cb: {  	v13 =	vld [tilespmem:s2+$0x1D310];
	v9 =	vsub.f32 v9, v10  }
0x2cc: {  	v60 =	vld [tilespmem:s2+$0x1C320]  }
0x2cd: {  	v15 =	vld [tilespmem:s2+$0x1D320];
	v9 =	vand.u32 $0x7FFFFFFF, v9  }
0x2ce: {  	v16 =	vld [tilespmem:s2+$0x1C330];
	v9 =	vmax.f32 v59, v9  }
0x2cf: {  	v61 =	vld [tilespmem:s2+$0x1D330];
	[tilespmem:v6+s0+$0x0] =	vst.idx.msk vm1, v9;
	_, v6, _ =	vpop (xrf1);
	(xrf1) =	vunique.msk.u32 $0xffff, v14  }
0x2d0: {  	vm1 =	veq.s32 v6, $0x0;
	v6 =	vld.idx.msk [tilespmem:v7+s0+$0x0], $0xffff;
	_ =	sdelay $0x1  }
0x2d1: {  	v62 =	vsub.f32 v11, v13;
	_ =	sdelay $0x1  }
0x2d2: {  	v9 =	vand.u32 $0x7FFFFFFF, v62  }
0x2d3: {  	v6 =	vmax.f32 v6, v9  }
0x2d4: {  	_, v63, _ =	vpop (xrf1);
	[tilespmem:v7+s0+$0x0] =	vst.idx.msk vm1, v6  }
0x2d5: {  	v7 =	vsub.f32 v60, v15;
	vm1 =	veq.s32 v63, $0x0;
	v6 =	vld.idx.msk [tilespmem:v8+s0+$0x0], $0xffff;
	_ =	sdelay $0x1  }
0x2d6: {  	v7 =	vand.u32 $0x7FFFFFFF, v7;
	_ =	sdelay $0x2  }
0x2d7: {  	v6 =	vmax.f32 v6, v7  }
0x2d8: {  	_, v7, _ =	vpop (xrf1);
	[tilespmem:v8+s0+$0x0] =	vst.idx.msk vm1, v6  }
0x2d9: {  	vm1 =	veq.s32 v7, $0x0;
	v6 =	vld.idx.msk [tilespmem:v14+s0+$0x0], $0xffff  }
0x2da: {  	p0 =	sne.s32 s1, $0x1F00  }
.Ltmp17:
0x2db: {  	v7 =	vsub.f32 v16, v61;
	(pc) =	sbr.rel @p0 .LBB2_28-.Ltmp17, $4  }
0x2dc: {  	_ = 	snop  }
0x2dd: {  	v7 =	vand.u32 $0x7FFFFFFF, v7  }
0x2de: {  	v6 =	vmax.f32 v6, v7  }
0x2df: {  	s1 =	sadd.s32 $0x100, s1;
	[tilespmem:v14+s0+$0x0] =	vst.idx.msk vm1, v6  }
0x2e0: {  	s0 =	simm.s32 $0x0  }
0x2e1: {  	v7 =	vld [tilespmem:s0+$0x1C330]  }
0x2e2: {  	v13 =	vld [tilespmem:s0+$0x1D330]  }
0x2e3: {  	v6 =	vld [tilespmem:s0+$0x1C320]  }
0x2e4: {  	v11 =	vld [tilespmem:s0+$0x1D320]  }
0x2e5: {  	v8 =	vld [tilespmem:s0+$0x19300]  }
0x2e6: {  	v9 =	vld [tilespmem:s0+$0x19310]  }
0x2e7: {  	v10 =	vld [tilespmem:s0+$0x19320]  }
0x2e8: {  	v14 =	vld [tilespmem:s0+$0x19330]  }
0x2e9: {  	v15 =	vld [tilespmem:s0+$0x1C310]  }
0x2ea: {  	v16 =	vld [tilespmem:s0+$0x1C300]  }
0x2eb: {  	v17 =	vld [tilespmem:s0+$0x1D300]  }
0x2ec: {  	v18 =	vld [tilespmem:s0+$0x1D310]  }
0x2ed: {  	v19 =	vld.idx.msk [tilespmem:v8+s4+$0x0], $0xffff  }
0x2ee: {  	v20 =	vld.idx.msk [tilespmem:v9+s4+$0x0], $0xffff  }
0x2ef: {  	v12 =	vld.idx.msk [tilespmem:v10+s4+$0x0], $0xffff  }
0x2f0: {  	s1 =	simm.s32 $0x40;
	v16 =	vsub.f32 v16, v17;
	v10 =	vld.idx.msk [tilespmem:v14+s4+$0x0], $0xffff  }
0x2f1: {  	v15 =	vsub.f32 v15, v18;
	v8 =	vld [tilespmem:s1+$0x1C330]  }
0x2f2: {  	v9 =	vld [tilespmem:s1+$0x1D330];
	v14 =	vand.u32 $0x7FFFFFFF, v16;
	v16 =	vsub.f32 v6, v11  }
0x2f3: {  	v13 =	vsub.f32 v7, v13;
	v7 =	vld [tilespmem:s1+$0x1D320];
	v15 =	vand.u32 $0x7FFFFFFF, v15;
	v14 =	vsub.f32 v19, v14  }
0x2f4: {  	s0 =	simm.s32 $0x200;
	v11 =	vimm.f32 $0.0e+00;
	v6 =	vld [tilespmem:s1+$0x1C320];
	v16 =	vand.u32 $0x7FFFFFFF, v16;
	v15 =	vsub.f32 v20, v15  }
.LBB2_30:
0x2f5: {  	p0 =	sne.s32 s0, $0x1F00;
	v17 =	vld [tilespmem:s1+$0x19300];
	v11 =	vmin.f32 v11, v14;
	v12 =	vsub.f32 v12, v16;
	v16 =	vand.u32 $0x7FFFFFFF, v13  }
0x2f6: {  	v14 =	vld [tilespmem:s1+$0x19310];
	v11 =	vmin.f32 v11, v15;
	v10 =	vsub.f32 v10, v16;
	v13 =	vmov v8  }
0x2f7: {  	v8 =	vld [tilespmem:s1+$0x19320];
	v11 =	vmin.f32 v11, v12;
	v15 =	vmov v9  }
0x2f8: {  	v9 =	vld [tilespmem:s1+$0x19330];
	v11 =	vmin.f32 v11, v10  }
0x2f9: {  	v16 =	vld [tilespmem:s1+$0x1C310]  }
0x2fa: {  	v10 =	vld [tilespmem:s1+$0x1C300]  }
0x2fb: {  	v18 =	vld [tilespmem:s1+$0x1D300]  }
0x2fc: {  	v19 =	vld [tilespmem:s1+$0x1D310]  }
0x2fd: {  	v17 =	vld.idx.msk [tilespmem:v17+s4+$0x0], $0xffff  }
0x2fe: {  	v20 =	vld.idx.msk [tilespmem:v14+s4+$0x0], $0xffff  }
0x2ff: {  	v12 =	vld.idx.msk [tilespmem:v8+s4+$0x0], $0xffff  }
.Ltmp18:
0x300: {  	s1 =	sshra.s32 s0, $0x2;
	v14 =	vsub.f32 v10, v18;
	v10 =	vld.idx.msk [tilespmem:v9+s4+$0x0], $0xffff;
	(pc) =	sbr.rel @p0 .LBB2_30-.Ltmp18, $4  }
0x301: {  	v8 =	vld [tilespmem:s1+$0x1C330];
	v16 =	vsub.f32 v16, v19  }
0x302: {  	v18 =	vsub.f32 v6, v7;
	v9 =	vld [tilespmem:s1+$0x1D330];
	v14 =	vand.u32 $0x7FFFFFFF, v14  }
0x303: {  	v13 =	vsub.f32 v13, v15;
	v6 =	vld [tilespmem:s1+$0x1C320];
	v14 =	vsub.f32 v17, v14;
	v16 =	vand.u32 $0x7FFFFFFF, v16  }
0x304: {  	s0 =	sadd.s32 $0x100, s0;
	v7 =	vld [tilespmem:s1+$0x1D320];
	v15 =	vsub.f32 v20, v16;
	v16 =	vand.u32 $0x7FFFFFFF, v18  }
0x305: {  	v17 =	vld [tilespmem:s1+$0x19300]  }
0x306: {  	v18 =	vld [tilespmem:s1+$0x19310]  }
0x307: {  	v19 =	vld [tilespmem:s1+$0x19320]  }
0x308: {  	v20 =	vld [tilespmem:s1+$0x19330]  }
0x309: {  	v21 =	vld [tilespmem:s1+$0x1C310]  }
0x30a: {  	v22 =	vld [tilespmem:s1+$0x1C300]  }
0x30b: {  	v23 =	vld [tilespmem:s1+$0x1D300]  }
0x30c: {  	v24 =	vld [tilespmem:s1+$0x1D310];
	_ =	sdelay $0x1  }
0x30d: {  	v17 =	vld.idx.msk [tilespmem:v17+s4+$0x0], $0xffff  }
0x30e: {  	v11 =	vmin.f32 v11, v14;
	v55 =	vld.idx.msk [tilespmem:v18+s4+$0x0], $0xffff  }
0x30f: {  	v12 =	vsub.f32 v12, v16;
	v13 =	vand.u32 $0x7FFFFFFF, v13;
	v56 =	vsub.f32 v22, v23;
	v57 =	vld.idx.msk [tilespmem:v19+s4+$0x0], $0xffff  }
0x310: {  	v11 =	vmin.f32 v11, v15;
	v10 =	vsub.f32 v10, v13;
	v58 =	vsub.f32 v21, v24;
	v59 =	vld.idx.msk [tilespmem:v20+s4+$0x0], $0xffff  }
0x311: {  	v11 =	vmin.f32 v11, v12;
	v6 =	vsub.f32 v6, v7;
	v60 =	vand.u32 $0x7FFFFFFF, v56  }
0x312: {  	v8 =	vsub.f32 v8, v9;
	v61 =	vand.u32 $0x7FFFFFFF, v58;
	v7 =	vsub.f32 v17, v60  }
0x313: {  	v62 =	vmin.f32 v11, v10;
	v6 =	vand.u32 $0x7FFFFFFF, v6;
	v63 =	vsub.f32 v55, v61  }
0x314: {  	v8 =	vand.u32 $0x7FFFFFFF, v8;
	v6 =	vsub.f32 v57, v6;
	v7 =	vmin.f32 v62, v7  }
0x315: {  	v8 =	vsub.f32 v59, v8;
	v7 =	vmin.f32 v7, v63  }
0x316: {  	v6 =	vmin.f32 v7, v6  }
0x317: {  	v6 =	vmin.f32 v6, v8  }
0x318: {  	vm1 =	vlt.f32 v6, $0.0e+00  }
0x319: {  	v6 =	vsel vm1, $0x3F800000, v4  }
0x31a: {  	(xrf0) =	vmax.scan.msk.f32 $0xffff, v6;
	_ =	sdelay $0x5  }
0x31b: {  	v6, _, _ =	vpop (xrf0)  }
0x31c: {  	(v2sf) =	vpush v6, $0xF;
	_ =	sdelay $0xe  }
0x31d: {  	s0 =	spop (v2sf)  }
0x31e: {  	p0 =	sgt.f32 s0, $0.0e+00  }
.Ltmp19:
0x31f: {  	_ = 	snop;
	(pc) =	sbr.rel @!p0 .LBB2_35-.Ltmp19, $2  }
0x320: {  	_ =	sdelay $0x2  }
0x321: {  	s1 =	simm.s32 $0x0  }
0x322: {  	s0 =	sshra.s32 s1, $0x2  }
0x323: {  	s1 =	sadd.s32 $0x40, s1;
	v6 =	vld [tilespmem:s0+$0x1D300]  }
.LBB2_33:
0x324: {  	p0 =	sne.s32 s1, $0x1FC0;
	v7 =	vld [tilespmem:s0+$0x1C300];
	_ =	sdelay $0x1  }
0x325: {  	v8 =	vld [tilespmem:s0+$0x19300];
	_ =	sdelay $0x2  }
0x326: {  	v6 =	vsub.f32 v7, v6;
	_ =	sdelay $0x1  }
0x327: {  	v6 =	vand.u32 $0x7FFFFFFF, v6;
	v7 =	vxor.u32 $0x80000000, v8  }
0x328: {  	(xrf1) =	vsort.ascd.msk.u32 $0xffff, v7, v6;
	_ =	sdelay $0xd  }
0x329: {  	v6, v7, _ =	vpop (xrf1)  }
0x32a: {  	v6 =	vxor.u32 $0x80000000, v6  }
0x32b: {  	v9 =	vperm.xlane v7, v0;
	v8 =	vperm.xlane v6, v0;
	_ =	sdelay $0x1  }
0x32c: {  	vm1 =	veq.s32 v8, v6;
	v8 =	vmax.f32 v7, v9  }
0x32d: {  	v7 =	vsel vm1, v8, v7  }
0x32e: {  	v8 =	vperm.xlane v6, v1;
	v9 =	vperm.xlane v7, v1;
	_ =	sdelay $0x1  }
0x32f: {  	vm1 =	veq.s32 v8, v6;
	v8 =	vmax.f32 v7, v9  }
0x330: {  	v7 =	vsel vm1, v8, v7;
	v8 =	vperm.xlane v6, v3  }
0x331: {  	v10 =	vperm.xlane v6, v5;
	v9 =	vperm.xlane v7, v3;
	_ =	sdelay $0x1  }
0x332: {  	vm2 =	vne.s32 v6, v10;
	vm1 =	veq.s32 v8, v6;
	v8 =	vmax.f32 v7, v9;
	v9 =	vld.idx.msk [tilespmem:v6+s4+$0x0], $0xffff  }
0x333: {  	v7 =	vsel vm1, v8, v7;
	vm1 =	vmor vm2, vm0  }
0x334: {  	v8 =	vperm.xlane v6, v2;
	v10 =	vperm.xlane v7, v2;
	_ =	sdelay $0x1  }
.Ltmp20:
0x335: {  	vm2 =	veq.s32 v8, v6;
	v8 =	vmax.f32 v7, v10;
	(pc) =	sbr.rel @p0 .LBB2_33-.Ltmp20, $4  }
0x336: {  	v7 =	vsel vm2, v8, v7  }
0x337: {  	v7 =	vmax.f32 v9, v7  }
0x338: {  	s0 =	sshra.s32 s1, $0x2;
	[tilespmem:v6+s4+$0x0] =	vst.idx.msk vm1, v7  }
0x339: {  	s1 =	sadd.s32 $0x40, s1;
	v6 =	vld [tilespmem:s0+$0x1D300]  }
0x33a: {  	v7 =	vld [tilespmem:s0+$0x1C300];
	_ =	sdelay $0x1  }
0x33b: {  	v8 =	vld [tilespmem:s0+$0x19300];
	_ =	sdelay $0x2  }
0x33c: {  	v6 =	vsub.f32 v7, v6;
	_ =	sdelay $0x1  }
0x33d: {  	v7 =	vxor.u32 $0x80000000, v8;
	v6 =	vand.u32 $0x7FFFFFFF, v6  }
0x33e: {  	(xrf1) =	vsort.ascd.msk.u32 $0xffff, v7, v6;
	_ =	sdelay $0xd  }
0x33f: {  	v6, v7, _ =	vpop (xrf1)  }
0x340: {  	v6 =	vxor.u32 $0x80000000, v6  }
0x341: {  	v9 =	vperm.xlane v7, v0;
	v52 =	vperm.xlane v6, v0;
	_ =	sdelay $0x1  }
0x342: {  	v53 =	vmax.f32 v7, v9;
	vm1 =	veq.s32 v52, v6  }
0x343: {  	v7 =	vsel vm1, v53, v7  }
0x344: {  	v54 =	vperm.xlane v6, v1;
	v55 =	vperm.xlane v7, v1;
	_ =	sdelay $0x1  }
0x345: {  	vm1 =	veq.s32 v54, v6;
	v56 =	vmax.f32 v7, v55  }
0x346: {  	v57 =	vperm.xlane v6, v3;
	v7 =	vsel vm1, v56, v7  }
0x347: {  	v10 =	vperm.xlane v6, v5;
	v58 =	vperm.xlane v7, v3;
	_ =	sdelay $0x1  }
0x348: {  	vm2 =	vne.s32 v6, v10;
	vm1 =	veq.s32 v57, v6;
	v59 =	vmax.f32 v7, v58  }
0x349: {  	v60 =	vld.idx.msk [tilespmem:v6+s4+$0x0], $0xffff;
	v7 =	vsel vm1, v59, v7;
	vm1 =	vmor vm2, vm0  }
0x34a: {  	v61 =	vperm.xlane v6, v2;
	v62 =	vperm.xlane v7, v2  }
.Ltmp21:
0x34b: {  	_ = 	snop;
	(pc) =	sbr.rel .LBB2_35-.Ltmp21, $4  }
0x34c: {  	vm2 =	veq.s32 v61, v6;
	v63 =	vmax.f32 v7, v62  }
0x34d: {  	v7 =	vsel vm2, v63, v7  }
0x34e: {  	v7 =	vmax.f32 v60, v7  }
0x34f: {  	[tilespmem:v6+s4+$0x0] =	vst.idx.msk vm1, v7  }
.LBB2_36:
0x350: {  	_ =	sfence.sel $0x180000  }
0x351: {  	[bflag:$0x0] =	sbarrier.arrive $0xFFFF  }
0x352: {  	_ =	strace $0x90000047  }
0x353: {  	s0 =	stileid.u32;
	[bflag:$0x2] =	sbarrier.arrive $0xFFFF  }
0x354: {  	p0 =	sne.s32 s0, $0x0;
	s0 =	rddreg [dreg:$0x3]  }
0x355: {  	s0 =	sadd.s32 @!p0 $0x100000, s0  }
0x356: {  	[sflag:s0] =	ssyncadd.tile.s32 @!p0 $0x1;
	_ =	shalt  }
.Lfunc_end2:
_tile_overlayer_lowered:
.L_overlay_start_2:
0x357: {  	(tag) =	ssettag $0x2  }
0x358: {  	s0 =	rddreg [dreg:$0x0];
	s2 =	stileid.u32  }
0x359: {  	s1 =	rddreg [dreg:$0x1];
	p0 =	sne.s32 s2, $0x0  }
0x35a: {  	s3 =	rddreg [dreg:$0x2];
	[bflag:$0x3] =	sbarrier.arrive $0xFFFF;
	s2 =	simm.s32 @!p0 $0x1C03  }
0x35b: {  	[timem:s3], [sflag:s2] =	dma.local @!p0 [hbm:s0], s1  }
0x35c: {  	s0 =	simm.s32 @!p0 $0x3  }
0x35d: {  	_ =	swait.ge @!p0 [sflag:s0], s1  }
0x35e: {  	s1 =	ssub.s32 @!p0 $0x0, s1;
	[sflag:s0] =	ssyncset.done @!p0 $0x0  }
0x35f: {  	[sflag:s0] =	ssyncadd.s32 @!p0 s1  }
0x360: {  	[bflag:$0x3] =	sbarrier.arrive $0xFFFF  }
0x361: {  	_ =	shalt  }

</sc_bundles>
